<compile_context>
chip_gen: v7x
topology: tpu7x:2x2x1
jax: 0.10.2.dev20260603
libtpu: 0.0.44.dev20260713+nightly
codegen_flags: <defaults>
</compile_context>

<pallas_src>
import functools

import jax
import jax.numpy as jnp
from jax import lax
from jax.experimental import pallas as pl
from jax.experimental.pallas import tpu as pltpu
from jax.experimental.pallas import tpu_sc as plsc

N = 50000
E = 800000
D = 100
H = 32
C = 2
H2 = 16

NC, NS = 2, 16
NW = NC * NS
EPW = E // NW
SUB = 500
SUBW = EPW // SUB
STAGE = 10
NOUT = SUBW // STAGE
NROW = 2 * E // SUB
DSTOFF = E // SUB
RPW = 3128
RLAST = N - RPW

BN = 1000
GRID = N // BN

_mesh = plsc.VectorSubcoreMesh(
    core_axis_name="c", subcore_axis_name="s", num_cores=NC, num_subcores=NS
)

_sc_params = pltpu.CompilerParams(use_tc_tiling_on_sc=False)


def _proj1_body(x_ref, wl_ref, wr_ref, y1_ref, xr_ref):
    xb = x_ref[...]
    y1_ref[...] = jnp.dot(xb, wl_ref[...], preferred_element_type=jnp.float32)
    xr_ref[...] = jnp.dot(xb, wr_ref[...], preferred_element_type=jnp.float32)


def _proj1(x, W1l, W1r):
    return pl.pallas_call(
        _proj1_body,
        grid=(GRID,),
        in_specs=[
            pl.BlockSpec((BN, D), lambda i: (i, 0)),
            pl.BlockSpec((D, H), lambda i: (0, 0)),
            pl.BlockSpec((D, H), lambda i: (0, 0)),
        ],
        out_specs=[
            pl.BlockSpec((BN, H), lambda i: (i, 0)),
            pl.BlockSpec((BN, H), lambda i: (i, 0)),
        ],
        out_shape=[
            jax.ShapeDtypeStruct((N, H), jnp.float32),
            jax.ShapeDtypeStruct((N, H), jnp.float32),
        ],
    )(x, W1l, W1r)


def _sc1_body(y1_hbm, ei_hbm, z2_hbm, z1_hbm, ones_hbm,
              acc_out, deg_out,
              srcs, dsts, rows, onesb, acc_sh, deg_sh, sem):
    c = lax.axis_index("c")
    s = lax.axis_index("s")
    w = c * NS + s

    rbase = jnp.minimum(s * RPW, RLAST)

    pltpu.sync_copy(z2_hbm.at[pl.ds(rbase, RPW)], acc_sh.at[pl.ds(rbase, RPW)])

    @pl.when(s == 0)
    def _():
        pltpu.sync_copy(z1_hbm, deg_sh)

    pltpu.sync_copy(ones_hbm, onesb)
    plsc.subcore_barrier()

    @pl.loop(0, NOUT)
    def _(t):
        r0 = w * SUBW + t * STAGE
        pltpu.sync_copy(ei_hbm.at[pl.ds(r0, STAGE)], srcs)
        pltpu.sync_copy(ei_hbm.at[pl.ds(DSTOFF + r0, STAGE)], dsts)
        for k in range(STAGE):
            pltpu.async_copy(y1_hbm.at[srcs.at[k]], rows, sem).wait()
            pltpu.sync_copy(rows, acc_sh.at[dsts.at[k]], add=True)
            pltpu.sync_copy(onesb, deg_sh.at[dsts.at[k]], add=True)

    plsc.subcore_barrier()
    pltpu.sync_copy(acc_sh.at[pl.ds(rbase, RPW)],
                    acc_out.at[c, pl.ds(rbase, RPW)])

    @pl.when(s == 0)
    def _():
        pltpu.sync_copy(deg_sh, deg_out.at[c])


_sc1 = functools.partial(
    pl.kernel,
    out_type=(
        jax.ShapeDtypeStruct((NC, N, H), jnp.float32),
        jax.ShapeDtypeStruct((NC, N), jnp.float32),
    ),
    mesh=_mesh,
    compiler_params=_sc_params,
    scratch_types=[
        pltpu.VMEM((STAGE, SUB), jnp.int32),
        pltpu.VMEM((STAGE, SUB), jnp.int32),
        pltpu.VMEM((SUB, H), jnp.float32),
        pltpu.VMEM((SUB,), jnp.float32),
        pltpu.VMEM_SHARED((N, H), jnp.float32),
        pltpu.VMEM_SHARED((N,), jnp.float32),
        pltpu.SemaphoreType.DMA,
    ],
)(_sc1_body)


def _mid_body(p_ref, dg_ref, xr_ref, b1_ref, w2l_ref, w2r_ref, b2_ref,
              y2_ref, zr_ref, di_ref):
    acc = p_ref[0] + p_ref[1]
    deg = dg_ref[0] + dg_ref[1]
    di = 1.0 / jnp.maximum(deg, 1.0)
    h = jnp.maximum(acc * di + b1_ref[...] + xr_ref[...], 0.0)
    y2_ref[...] = jnp.dot(h, w2l_ref[...], preferred_element_type=jnp.float32)
    zr_ref[...] = (
        jnp.dot(h, w2r_ref[...], preferred_element_type=jnp.float32) + b2_ref[...]
    )
    di_ref[...] = di


def _mid(accp, degp, xr, b1, W2lp, W2rp, b2p):
    return pl.pallas_call(
        _mid_body,
        grid=(GRID,),
        in_specs=[
            pl.BlockSpec((NC, BN, H), lambda i: (0, i, 0)),
            pl.BlockSpec((NC, BN, 1), lambda i: (0, i, 0)),
            pl.BlockSpec((BN, H), lambda i: (i, 0)),
            pl.BlockSpec((1, H), lambda i: (0, 0)),
            pl.BlockSpec((H, H2), lambda i: (0, 0)),
            pl.BlockSpec((H, H2), lambda i: (0, 0)),
            pl.BlockSpec((1, H2), lambda i: (0, 0)),
        ],
        out_specs=[
            pl.BlockSpec((BN, H2), lambda i: (i, 0)),
            pl.BlockSpec((BN, H2), lambda i: (i, 0)),
            pl.BlockSpec((BN, 1), lambda i: (i, 0)),
        ],
        out_shape=[
            jax.ShapeDtypeStruct((N, H2), jnp.float32),
            jax.ShapeDtypeStruct((N, H2), jnp.float32),
            jax.ShapeDtypeStruct((N, 1), jnp.float32),
        ],
    )(accp, degp, xr, b1, W2lp, W2rp, b2p)


def _sc2_body(y2_hbm, ei_hbm, z2_hbm,
              acc_out,
              srcs, dsts, rows, acc_sh, sem):
    c = lax.axis_index("c")
    s = lax.axis_index("s")
    w = c * NS + s

    rbase = jnp.minimum(s * RPW, RLAST)
    pltpu.sync_copy(z2_hbm.at[pl.ds(rbase, RPW)], acc_sh.at[pl.ds(rbase, RPW)])
    plsc.subcore_barrier()

    @pl.loop(0, NOUT)
    def _(t):
        r0 = w * SUBW + t * STAGE
        pltpu.sync_copy(ei_hbm.at[pl.ds(r0, STAGE)], srcs)
        pltpu.sync_copy(ei_hbm.at[pl.ds(DSTOFF + r0, STAGE)], dsts)
        for k in range(STAGE):
            pltpu.async_copy(y2_hbm.at[srcs.at[k]], rows, sem).wait()
            pltpu.sync_copy(rows, acc_sh.at[dsts.at[k]], add=True)

    plsc.subcore_barrier()
    pltpu.sync_copy(acc_sh.at[pl.ds(rbase, RPW)],
                    acc_out.at[c, pl.ds(rbase, RPW)])


_sc2 = functools.partial(
    pl.kernel,
    out_type=jax.ShapeDtypeStruct((NC, N, H2), jnp.float32),
    mesh=_mesh,
    compiler_params=_sc_params,
    scratch_types=[
        pltpu.VMEM((STAGE, SUB), jnp.int32),
        pltpu.VMEM((STAGE, SUB), jnp.int32),
        pltpu.VMEM((SUB, H2), jnp.float32),
        pltpu.VMEM_SHARED((N, H2), jnp.float32),
        pltpu.SemaphoreType.DMA,
    ],
)(_sc2_body)


def _out_body(p2_ref, di_ref, zr_ref, o_ref):
    a2 = (p2_ref[0] + p2_ref[1]) * di_ref[...]
    logits = a2 + zr_ref[...]
    l2 = logits[:, 0:C]
    m = jnp.max(l2, axis=1, keepdims=True)
    lse = m + jnp.log(jnp.sum(jnp.exp(l2 - m), axis=1, keepdims=True))
    o_ref[...] = l2 - lse


def _outk(acc2p, di, zr):
    return pl.pallas_call(
        _out_body,
        grid=(GRID,),
        in_specs=[
            pl.BlockSpec((NC, BN, H2), lambda i: (0, i, 0)),
            pl.BlockSpec((BN, 1), lambda i: (i, 0)),
            pl.BlockSpec((BN, H2), lambda i: (i, 0)),
        ],
        out_specs=pl.BlockSpec((BN, C), lambda i: (i, 0)),
        out_shape=jax.ShapeDtypeStruct((N, C), jnp.float32),
    )(acc2p, di, zr)


def kernel(x, edge_index, W1l, b1, W1r, W2l, b2, W2r):
    if edge_index.dtype != jnp.int32:
        edge_index = edge_index.astype(jnp.int32)
    ei2 = edge_index.reshape(NROW, SUB)

    y1, xr = _proj1(x, W1l, W1r)

    z2 = jnp.zeros((N, H), jnp.float32)
    z1 = jnp.zeros((N,), jnp.float32)
    ones = jnp.ones((SUB,), jnp.float32)
    accp, degp = _sc1(y1, ei2, z2, z1, ones)

    W2lp = jnp.pad(W2l, ((0, 0), (0, H2 - C)))
    W2rp = jnp.pad(W2r, ((0, 0), (0, H2 - C)))
    b2p = jnp.pad(b2, (0, H2 - C)).reshape(1, H2)
    y2, zr, di = _mid(accp, degp.reshape(NC, N, 1), xr,
                      b1.reshape(1, H), W2lp, W2rp, b2p)

    z216 = jnp.zeros((N, H2), jnp.float32)
    acc2p = _sc2(y2, ei2, z216)

    return _outk(acc2p, di, zr)

# --- scband reference (transcript-rebuilt; emitter-appended) ---
"""Pipeline reference for scband-net-32753420599481 (READ-ONLY COPY).

The authoritative reference and input builder live on the scoring server;
editing this copy changes nothing except your own understanding.
"""

import jax, jax.numpy as jnp
import numpy as np

N = 50000
E = 800000
D = 100
H = 32
C = 2

def setup_inputs(seed: int = 0) -> dict:
    key = jax.random.key(seed)
    ks = jax.random.split(key, 9)
    x = jax.random.normal(ks[0], (N, D), dtype=jnp.float32)
    edge_index = jax.random.randint(ks[1], (2, E), 0, N)
    W1l = jax.random.normal(ks[2], (D, H), dtype=jnp.float32) * 0.1
    b1 = jax.random.normal(ks[3], (H,), dtype=jnp.float32) * 0.1
    W1r = jax.random.normal(ks[4], (D, H), dtype=jnp.float32) * 0.1
    W2l = jax.random.normal(ks[5], (H, C), dtype=jnp.float32) * 0.1
    b2 = jax.random.normal(ks[6], (C,), dtype=jnp.float32) * 0.1
    W2r = jax.random.normal(ks[7], (H, C), dtype=jnp.float32) * 0.1
    return {"x": x, "edge_index": edge_index, "W1l": W1l, "b1": b1, "W1r": W1r, "W2l": W2l, "b2": b2, "W2r": W2r}

def _sage_conv(x, edge_index, Wl, b, Wr):
    # PyG SAGEConv: out = lin_l(mean_{j in N(i)} x_j) + lin_r(x_i)
    src = edge_index[0]
    dst = edge_index[1]
    msgs = x[src]
    agg_sum = jax.ops.segment_sum(msgs, dst, num_segments=N)
    deg = jax.ops.segment_sum(jnp.ones((E,), dtype=jnp.float32), dst, num_segments=N)
    agg = agg_sum / jnp.clip(deg, 1.0)[:, None]
    return agg @ Wl + b + x @ Wr

def reference(x, edge_index, W1l, b1, W1r, W2l, b2, W2r):
    h = jax.nn.relu(_sage_conv(x, edge_index, W1l, b1, W1r))
    # F.dropout(p=0.2): treated as identity (eval / deterministic reference)
    h = _sage_conv(h, edge_index, W2l, b2, W2r)
    return jax.nn.log_softmax(h, axis=1)

if __name__ == "__main__":
    import jax
    _d = setup_inputs()
    print(jax.jit(kernel)(*tuple(_d.values())))

</pallas_src>

<mosaic_0001>
#map = affine_map<(d0, d1) -> (0, 0)>
#map1 = affine_map<(d0, d1) -> (0, 0, 0)>
module attributes {stable_mosaic.version = 14 : i64} {
  func.func @_sc2_body(%arg0: i32, %arg1: i32, %arg2: memref<50000x16xf32, #tpu.memory_space<hbm>>, %arg3: memref<3200x500xi32, #tpu.memory_space<hbm>>, %arg4: memref<50000x16xf32, #tpu.memory_space<hbm>>, %arg5: memref<2x50000x16xf32, #tpu.memory_space<hbm>>, %arg6: memref<10x500xi32, #tpu.memory_space<vmem>>, %arg7: memref<10x500xi32, #tpu.memory_space<vmem>>, %arg8: memref<500x16xf32, #tpu.memory_space<vmem>>, %arg9: memref<50000x16xf32, #tpu.memory_space<vmem_shared>>, %arg10: memref<!tpu.dma_semaphore, #tpu.memory_space<semaphore_mem>>) attributes {dimension_semantics = [#tpu.dimension_semantics<core_parallel>, #tpu.dimension_semantics<subcore_parallel>], iteration_bounds = array<i64: 2, 16>, scalar_prefetch = 0 : i64, scratch_operands = 5 : i64, tpu.core_type = #tpu.core_type<sc_vector_subcore>, window_params = [{transform_indices = #map}, {transform_indices = #map}, {transform_indices = #map}, {transform_indices = #map1}]} {
    %mul3A = arith.constant 16 : i32
    %mul3A_0 = arith.muli %arg0, %mul3A : i32
    %add3A = arith.addi %mul3A_0, %arg1 : i32
    %mul3A_1 = arith.constant 3128 : i32
    %mul3A_2 = arith.muli %arg1, %mul3A_1 : i32
    %min3A = arith.constant 46872 : i32
    %min3A_3 = arith.minsi %mul3A_2, %min3A : i32
    "tpu.region"() ({
      %run_scoped3A = tpu.sem_alloc : memref<!tpu.dma_semaphore, #tpu.memory_space<semaphore_mem>>
      %dma_start3A = arith.constant 0 : i32
      %dma_start3A_9 = tpu.memref_slice %arg9[%min3A_3, %dma_start3A] : memref<50000x16xf32, #tpu.memory_space<vmem_shared>> -> memref<3128x16xf32, #tpu.memory_space<vmem_shared>>
      %dma_start3A_10 = arith.constant 0 : i32
      %dma_start3A_11 = tpu.memref_slice %arg4[%min3A_3, %dma_start3A_10] : memref<50000x16xf32, #tpu.memory_space<hbm>> -> memref<3128x16xf32, #tpu.memory_space<hbm>>
      tpu.enqueue_dma source(%dma_start3A_11 : memref<3128x16xf32, #tpu.memory_space<hbm>>) target(%dma_start3A_9 : memref<3128x16xf32, #tpu.memory_space<vmem_shared>>) target_semaphore(%run_scoped3A : memref<!tpu.dma_semaphore, #tpu.memory_space<semaphore_mem>>)
      %dma_wait3A = arith.constant 0 : i32
      %dma_wait3A_12 = tpu.memref_slice %arg9[%min3A_3, %dma_wait3A] : memref<50000x16xf32, #tpu.memory_space<vmem_shared>> -> memref<3128x16xf32, #tpu.memory_space<vmem_shared>>
      %dma_wait3A_13 = arith.constant 0 : i32
      %dma_wait3A_14 = tpu.memref_slice %arg4[%min3A_3, %dma_wait3A_13] : memref<50000x16xf32, #tpu.memory_space<hbm>> -> memref<3128x16xf32, #tpu.memory_space<hbm>>
      tpu.wait_dma2 semaphore(%run_scoped3A : memref<!tpu.dma_semaphore, #tpu.memory_space<semaphore_mem>>) src(%dma_wait3A_14 : memref<3128x16xf32, #tpu.memory_space<hbm>>) dst(%dma_wait3A_12 : memref<3128x16xf32, #tpu.memory_space<vmem_shared>>)
      tpu.yield
    }) : () -> ()
    %barrier3A = arith.constant 0 : index
    tpu.barrier barrier_id(%barrier3A)
    %scan3A = arith.constant 0 : i32
    %scan3A_4 = arith.constant 5 : i32
    %scan3A_5 = arith.addi %scan3A, %scan3A_4 : i32
    %scan3A_6 = arith.constant 1 : i32
    scf.for %scan3A_9 = %scan3A to %scan3A_5 step %scan3A_6  : i32 {
      %mul3A_10 = arith.constant 1 : i32
      %mul3A_11 = arith.muli %scan3A_9, %mul3A_10 : i32
      %add3A_12 = arith.constant 0 : i32
      %add3A_13 = arith.addi %add3A_12, %mul3A_11 : i32
      %mul3A_14 = arith.constant 50 : i32
      %mul3A_15 = arith.muli %add3A, %mul3A_14 : i32
      %mul3A_16 = arith.constant 10 : i32
      %mul3A_17 = arith.muli %add3A_13, %mul3A_16 : i32
      %add3A_18 = arith.addi %mul3A_15, %mul3A_17 : i32
      "tpu.region"() ({
        %run_scoped3A_168 = tpu.sem_alloc : memref<!tpu.dma_semaphore, #tpu.memory_space<semaphore_mem>>
        %dma_start3A_169 = arith.constant 0 : i32
        %dma_start3A_170 = tpu.memref_slice %arg3[%add3A_18, %dma_start3A_169] : memref<3200x500xi32, #tpu.memory_space<hbm>> -> memref<10x500xi32, #tpu.memory_space<hbm>>
        %dma_start3A_171 = arith.constant 0 : i32
        %dma_start3A_172 = tpu.memref_slice %arg3[%add3A_18, %dma_start3A_171] : memref<3200x500xi32, #tpu.memory_space<hbm>> -> memref<10x500xi32, #tpu.memory_space<hbm>>
        tpu.enqueue_dma source(%dma_start3A_172 : memref<10x500xi32, #tpu.memory_space<hbm>>) target(%arg6 : memref<10x500xi32, #tpu.memory_space<vmem>>) target_semaphore(%run_scoped3A_168 : memref<!tpu.dma_semaphore, #tpu.memory_space<semaphore_mem>>)
        %dma_wait3A_173 = arith.constant 0 : i32
        %dma_wait3A_174 = tpu.memref_slice %arg3[%add3A_18, %dma_wait3A_173] : memref<3200x500xi32, #tpu.memory_space<hbm>> -> memref<10x500xi32, #tpu.memory_space<hbm>>
        %dma_wait3A_175 = arith.constant 0 : i32
        %dma_wait3A_176 = tpu.memref_slice %arg3[%add3A_18, %dma_wait3A_175] : memref<3200x500xi32, #tpu.memory_space<hbm>> -> memref<10x500xi32, #tpu.memory_space<hbm>>
        tpu.wait_dma2 semaphore(%run_scoped3A_168 : memref<!tpu.dma_semaphore, #tpu.memory_space<semaphore_mem>>) src(%dma_wait3A_176 : memref<10x500xi32, #tpu.memory_space<hbm>>) dst(%arg6 : memref<10x500xi32, #tpu.memory_space<vmem>>)
        tpu.yield
      }) : () -> ()
      %add3A_19 = arith.constant 1600 : i32
      %add3A_20 = arith.addi %add3A_19, %add3A_18 : i32
      "tpu.region"() ({
        %run_scoped3A_168 = tpu.sem_alloc : memref<!tpu.dma_semaphore, #tpu.memory_space<semaphore_mem>>
        %dma_start3A_169 = arith.constant 0 : i32
        %dma_start3A_170 = tpu.memref_slice %arg3[%add3A_20, %dma_start3A_169] : memref<3200x500xi32, #tpu.memory_space<hbm>> -> memref<10x500xi32, #tpu.memory_space<hbm>>
        %dma_start3A_171 = arith.constant 0 : i32
        %dma_start3A_172 = tpu.memref_slice %arg3[%add3A_20, %dma_start3A_171] : memref<3200x500xi32, #tpu.memory_space<hbm>> -> memref<10x500xi32, #tpu.memory_space<hbm>>
        tpu.enqueue_dma source(%dma_start3A_172 : memref<10x500xi32, #tpu.memory_space<hbm>>) target(%arg7 : memref<10x500xi32, #tpu.memory_space<vmem>>) target_semaphore(%run_scoped3A_168 : memref<!tpu.dma_semaphore, #tpu.memory_space<semaphore_mem>>)
        %dma_wait3A_173 = arith.constant 0 : i32
        %dma_wait3A_174 = tpu.memref_slice %arg3[%add3A_20, %dma_wait3A_173] : memref<3200x500xi32, #tpu.memory_space<hbm>> -> memref<10x500xi32, #tpu.memory_space<hbm>>
        %dma_wait3A_175 = arith.constant 0 : i32
        %dma_wait3A_176 = tpu.memref_slice %arg3[%add3A_20, %dma_wait3A_175] : memref<3200x500xi32, #tpu.memory_space<hbm>> -> memref<10x500xi32, #tpu.memory_space<hbm>>
        tpu.wait_dma2 semaphore(%run_scoped3A_168 : memref<!tpu.dma_semaphore, #tpu.memory_space<semaphore_mem>>) src(%dma_wait3A_176 : memref<10x500xi32, #tpu.memory_space<hbm>>) dst(%arg7 : memref<10x500xi32, #tpu.memory_space<vmem>>)
        tpu.yield
      }) : () -> ()
      %dma_start3A = arith.constant 0 : i32
      %dma_start3A_21 = arith.constant 0 : i32
      %dma_start3A_22 = tpu.memref_slice %arg6[%dma_start3A, %dma_start3A_21] : memref<10x500xi32, #tpu.memory_space<vmem>> -> memref<1x500xi32, #tpu.memory_space<vmem>>
      %dma_start3A_23 = tpu.memref_squeeze %dma_start3A_22 : memref<1x500xi32, #tpu.memory_space<vmem>> -> memref<500xi32, #tpu.memory_space<vmem>>
      %dma_start3A_24 = arith.constant 0 : i32
      %dma_start3A_25 = arith.constant 0 : i32
      %dma_start3A_26 = tpu.memref_slice %arg2[%dma_start3A_24, %dma_start3A_25] : memref<50000x16xf32, #tpu.memory_space<hbm>> -> memref<50000x16xf32, #tpu.memory_space<hbm>>
      tpu.enqueue_indirect_dma source(%dma_start3A_26 : memref<50000x16xf32, #tpu.memory_space<hbm>>) target(%arg8 : memref<500x16xf32, #tpu.memory_space<vmem>>) offsets(%dma_start3A_23 : memref<500xi32, #tpu.memory_space<vmem>>) semaphore(%arg10 : memref<!tpu.dma_semaphore, #tpu.memory_space<semaphore_mem>>)
      %dma_wait3A = arith.constant 0 : i32
      %dma_wait3A_27 = arith.constant 0 : i32
      %dma_wait3A_28 = tpu.memref_slice %arg6[%dma_wait3A, %dma_wait3A_27] : memref<10x500xi32, #tpu.memory_space<vmem>> -> memref<1x500xi32, #tpu.memory_space<vmem>>
      %dma_wait3A_29 = tpu.memref_squeeze %dma_wait3A_28 : memref<1x500xi32, #tpu.memory_space<vmem>> -> memref<500xi32, #tpu.memory_space<vmem>>
      %dma_wait3A_30 = arith.constant 0 : i32
      %dma_wait3A_31 = arith.constant 0 : i32
      %dma_wait3A_32 = tpu.memref_slice %arg2[%dma_wait3A_30, %dma_wait3A_31] : memref<50000x16xf32, #tpu.memory_space<hbm>> -> memref<50000x16xf32, #tpu.memory_space<hbm>>
      tpu.wait_indirect_dma semaphore(%arg10 : memref<!tpu.dma_semaphore, #tpu.memory_space<semaphore_mem>>) src(%dma_wait3A_32 : memref<50000x16xf32, #tpu.memory_space<hbm>>) dst(%arg8 : memref<500x16xf32, #tpu.memory_space<vmem>>)
      %run_scoped3A = arith.constant 0 : i32
      "tpu.region"() ({
        %run_scoped3A_168 = tpu.sem_alloc : memref<!tpu.dma_semaphore, #tpu.memory_space<semaphore_mem>>
        %dma_start3A_169 = arith.constant 0 : i32
        %dma_start3A_170 = tpu.memref_slice %arg7[%run_scoped3A, %dma_start3A_169] : memref<10x500xi32, #tpu.memory_space<vmem>> -> memref<1x500xi32, #tpu.memory_space<vmem>>
        %dma_start3A_171 = tpu.memref_squeeze %dma_start3A_170 : memref<1x500xi32, #tpu.memory_space<vmem>> -> memref<500xi32, #tpu.memory_space<vmem>>
        %dma_start3A_172 = arith.constant 0 : i32
        %dma_start3A_173 = arith.constant 0 : i32
        %dma_start3A_174 = tpu.memref_slice %arg9[%dma_start3A_172, %dma_start3A_173] : memref<50000x16xf32, #tpu.memory_space<vmem_shared>> -> memref<50000x16xf32, #tpu.memory_space<vmem_shared>>
        tpu.enqueue_indirect_dma source(%arg8 : memref<500x16xf32, #tpu.memory_space<vmem>>) target(%dma_start3A_174 : memref<50000x16xf32, #tpu.memory_space<vmem_shared>>) offsets(%dma_start3A_171 : memref<500xi32, #tpu.memory_space<vmem>>) semaphore(%run_scoped3A_168 : memref<!tpu.dma_semaphore, #tpu.memory_space<semaphore_mem>>) {add = true}
        %dma_wait3A_175 = arith.constant 0 : i32
        %dma_wait3A_176 = tpu.memref_slice %arg7[%run_scoped3A, %dma_wait3A_175] : memref<10x500xi32, #tpu.memory_space<vmem>> -> memref<1x500xi32, #tpu.memory_space<vmem>>
        %dma_wait3A_177 = tpu.memref_squeeze %dma_wait3A_176 : memref<1x500xi32, #tpu.memory_space<vmem>> -> memref<500xi32, #tpu.memory_space<vmem>>
        %dma_wait3A_178 = arith.constant 0 : i32
        %dma_wait3A_179 = arith.constant 0 : i32
        %dma_wait3A_180 = tpu.memref_slice %arg9[%dma_wait3A_178, %dma_wait3A_179] : memref<50000x16xf32, #tpu.memory_space<vmem_shared>> -> memref<50000x16xf32, #tpu.memory_space<vmem_shared>>
        tpu.wait_indirect_dma semaphore(%run_scoped3A_168 : memref<!tpu.dma_semaphore, #tpu.memory_space<semaphore_mem>>) src(%arg8 : memref<500x16xf32, #tpu.memory_space<vmem>>) dst(%dma_wait3A_180 : memref<50000x16xf32, #tpu.memory_space<vmem_shared>>)
        tpu.yield
      }) : () -> ()
      %dma_start3A_33 = arith.constant 1 : i32
      %dma_start3A_34 = arith.constant 0 : i32
      %dma_start3A_35 = tpu.memref_slice %arg6[%dma_start3A_33, %dma_start3A_34] : memref<10x500xi32, #tpu.memory_space<vmem>> -> memref<1x500xi32, #tpu.memory_space<vmem>>
      %dma_start3A_36 = tpu.memref_squeeze %dma_start3A_35 : memref<1x500xi32, #tpu.memory_space<vmem>> -> memref<500xi32, #tpu.memory_space<vmem>>
      %dma_start3A_37 = arith.constant 0 : i32
      %dma_start3A_38 = arith.constant 0 : i32
      %dma_start3A_39 = tpu.memref_slice %arg2[%dma_start3A_37, %dma_start3A_38] : memref<50000x16xf32, #tpu.memory_space<hbm>> -> memref<50000x16xf32, #tpu.memory_space<hbm>>
      tpu.enqueue_indirect_dma source(%dma_start3A_39 : memref<50000x16xf32, #tpu.memory_space<hbm>>) target(%arg8 : memref<500x16xf32, #tpu.memory_space<vmem>>) offsets(%dma_start3A_36 : memref<500xi32, #tpu.memory_space<vmem>>) semaphore(%arg10 : memref<!tpu.dma_semaphore, #tpu.memory_space<semaphore_mem>>)
      %dma_wait3A_40 = arith.constant 1 : i32
      %dma_wait3A_41 = arith.constant 0 : i32
      %dma_wait3A_42 = tpu.memref_slice %arg6[%dma_wait3A_40, %dma_wait3A_41] : memref<10x500xi32, #tpu.memory_space<vmem>> -> memref<1x500xi32, #tpu.memory_space<vmem>>
      %dma_wait3A_43 = tpu.memref_squeeze %dma_wait3A_42 : memref<1x500xi32, #tpu.memory_space<vmem>> -> memref<500xi32, #tpu.memory_space<vmem>>
      %dma_wait3A_44 = arith.constant 0 : i32
      %dma_wait3A_45 = arith.constant 0 : i32
      %dma_wait3A_46 = tpu.memref_slice %arg2[%dma_wait3A_44, %dma_wait3A_45] : memref<50000x16xf32, #tpu.memory_space<hbm>> -> memref<50000x16xf32, #tpu.memory_space<hbm>>
      tpu.wait_indirect_dma semaphore(%arg10 : memref<!tpu.dma_semaphore, #tpu.memory_space<semaphore_mem>>) src(%dma_wait3A_46 : memref<50000x16xf32, #tpu.memory_space<hbm>>) dst(%arg8 : memref<500x16xf32, #tpu.memory_space<vmem>>)
      %run_scoped3A_47 = arith.constant 1 : i32
      "tpu.region"() ({
        %run_scoped3A_168 = tpu.sem_alloc : memref<!tpu.dma_semaphore, #tpu.memory_space<semaphore_mem>>
        %dma_start3A_169 = arith.constant 0 : i32
        %dma_start3A_170 = tpu.memref_slice %arg7[%run_scoped3A_47, %dma_start3A_169] : memref<10x500xi32, #tpu.memory_space<vmem>> -> memref<1x500xi32, #tpu.memory_space<vmem>>
        %dma_start3A_171 = tpu.memref_squeeze %dma_start3A_170 : memref<1x500xi32, #tpu.memory_space<vmem>> -> memref<500xi32, #tpu.memory_space<vmem>>
        %dma_start3A_172 = arith.constant 0 : i32
        %dma_start3A_173 = arith.constant 0 : i32
        %dma_start3A_174 = tpu.memref_slice %arg9[%dma_start3A_172, %dma_start3A_173] : memref<50000x16xf32, #tpu.memory_space<vmem_shared>> -> memref<50000x16xf32, #tpu.memory_space<vmem_shared>>
        tpu.enqueue_indirect_dma source(%arg8 : memref<500x16xf32, #tpu.memory_space<vmem>>) target(%dma_start3A_174 : memref<50000x16xf32, #tpu.memory_space<vmem_shared>>) offsets(%dma_start3A_171 : memref<500xi32, #tpu.memory_space<vmem>>) semaphore(%run_scoped3A_168 : memref<!tpu.dma_semaphore, #tpu.memory_space<semaphore_mem>>) {add = true}
        %dma_wait3A_175 = arith.constant 0 : i32
        %dma_wait3A_176 = tpu.memref_slice %arg7[%run_scoped3A_47, %dma_wait3A_175] : memref<10x500xi32, #tpu.memory_space<vmem>> -> memref<1x500xi32, #tpu.memory_space<vmem>>
        %dma_wait3A_177 = tpu.memref_squeeze %dma_wait3A_176 : memref<1x500xi32, #tpu.memory_space<vmem>> -> memref<500xi32, #tpu.memory_space<vmem>>
        %dma_wait3A_178 = arith.constant 0 : i32
        %dma_wait3A_179 = arith.constant 0 : i32
        %dma_wait3A_180 = tpu.memref_slice %arg9[%dma_wait3A_178, %dma_wait3A_179] : memref<50000x16xf32, #tpu.memory_space<vmem_shared>> -> memref<50000x16xf32, #tpu.memory_space<vmem_shared>>
        tpu.wait_indirect_dma semaphore(%run_scoped3A_168 : memref<!tpu.dma_semaphore, #tpu.memory_space<semaphore_mem>>) src(%arg8 : memref<500x16xf32, #tpu.memory_space<vmem>>) dst(%dma_wait3A_180 : memref<50000x16xf32, #tpu.memory_space<vmem_shared>>)
        tpu.yield
      }) : () -> ()
      %dma_start3A_48 = arith.constant 2 : i32
      %dma_start3A_49 = arith.constant 0 : i32
      %dma_start3A_50 = tpu.memref_slice %arg6[%dma_start3A_48, %dma_start3A_49] : memref<10x500xi32, #tpu.memory_space<vmem>> -> memref<1x500xi32, #tpu.memory_space<vmem>>
      %dma_start3A_51 = tpu.memref_squeeze %dma_start3A_50 : memref<1x500xi32, #tpu.memory_space<vmem>> -> memref<500xi32, #tpu.memory_space<vmem>>
      %dma_start3A_52 = arith.constant 0 : i32
      %dma_start3A_53 = arith.constant 0 : i32
      %dma_start3A_54 = tpu.memref_slice %arg2[%dma_start3A_52, %dma_start3A_53] : memref<50000x16xf32, #tpu.memory_space<hbm>> -> memref<50000x16xf32, #tpu.memory_space<hbm>>
      tpu.enqueue_indirect_dma source(%dma_start3A_54 : memref<50000x16xf32, #tpu.memory_space<hbm>>) target(%arg8 : memref<500x16xf32, #tpu.memory_space<vmem>>) offsets(%dma_start3A_51 : memref<500xi32, #tpu.memory_space<vmem>>) semaphore(%arg10 : memref<!tpu.dma_semaphore, #tpu.memory_space<semaphore_mem>>)
      %dma_wait3A_55 = arith.constant 2 : i32
      %dma_wait3A_56 = arith.constant 0 : i32
      %dma_wait3A_57 = tpu.memref_slice %arg6[%dma_wait3A_55, %dma_wait3A_56] : memref<10x500xi32, #tpu.memory_space<vmem>> -> memref<1x500xi32, #tpu.memory_space<vmem>>
      %dma_wait3A_58 = tpu.memref_squeeze %dma_wait3A_57 : memref<1x500xi32, #tpu.memory_space<vmem>> -> memref<500xi32, #tpu.memory_space<vmem>>
      %dma_wait3A_59 = arith.constant 0 : i32
      %dma_wait3A_60 = arith.constant 0 : i32
      %dma_wait3A_61 = tpu.memref_slice %arg2[%dma_wait3A_59, %dma_wait3A_60] : memref<50000x16xf32, #tpu.memory_space<hbm>> -> memref<50000x16xf32, #tpu.memory_space<hbm>>
      tpu.wait_indirect_dma semaphore(%arg10 : memref<!tpu.dma_semaphore, #tpu.memory_space<semaphore_mem>>) src(%dma_wait3A_61 : memref<50000x16xf32, #tpu.memory_space<hbm>>) dst(%arg8 : memref<500x16xf32, #tpu.memory_space<vmem>>)
      %run_scoped3A_62 = arith.constant 2 : i32
      "tpu.region"() ({
        %run_scoped3A_168 = tpu.sem_alloc : memref<!tpu.dma_semaphore, #tpu.memory_space<semaphore_mem>>
        %dma_start3A_169 = arith.constant 0 : i32
        %dma_start3A_170 = tpu.memref_slice %arg7[%run_scoped3A_62, %dma_start3A_169] : memref<10x500xi32, #tpu.memory_space<vmem>> -> memref<1x500xi32, #tpu.memory_space<vmem>>
        %dma_start3A_171 = tpu.memref_squeeze %dma_start3A_170 : memref<1x500xi32, #tpu.memory_space<vmem>> -> memref<500xi32, #tpu.memory_space<vmem>>
        %dma_start3A_172 = arith.constant 0 : i32
        %dma_start3A_173 = arith.constant 0 : i32
        %dma_start3A_174 = tpu.memref_slice %arg9[%dma_start3A_172, %dma_start3A_173] : memref<50000x16xf32, #tpu.memory_space<vmem_shared>> -> memref<50000x16xf32, #tpu.memory_space<vmem_shared>>
        tpu.enqueue_indirect_dma source(%arg8 : memref<500x16xf32, #tpu.memory_space<vmem>>) target(%dma_start3A_174 : memref<50000x16xf32, #tpu.memory_space<vmem_shared>>) offsets(%dma_start3A_171 : memref<500xi32, #tpu.memory_space<vmem>>) semaphore(%run_scoped3A_168 : memref<!tpu.dma_semaphore, #tpu.memory_space<semaphore_mem>>) {add = true}
        %dma_wait3A_175 = arith.constant 0 : i32
        %dma_wait3A_176 = tpu.memref_slice %arg7[%run_scoped3A_62, %dma_wait3A_175] : memref<10x500xi32, #tpu.memory_space<vmem>> -> memref<1x500xi32, #tpu.memory_space<vmem>>
        %dma_wait3A_177 = tpu.memref_squeeze %dma_wait3A_176 : memref<1x500xi32, #tpu.memory_space<vmem>> -> memref<500xi32, #tpu.memory_space<vmem>>
        %dma_wait3A_178 = arith.constant 0 : i32
        %dma_wait3A_179 = arith.constant 0 : i32
        %dma_wait3A_180 = tpu.memref_slice %arg9[%dma_wait3A_178, %dma_wait3A_179] : memref<50000x16xf32, #tpu.memory_space<vmem_shared>> -> memref<50000x16xf32, #tpu.memory_space<vmem_shared>>
        tpu.wait_indirect_dma semaphore(%run_scoped3A_168 : memref<!tpu.dma_semaphore, #tpu.memory_space<semaphore_mem>>) src(%arg8 : memref<500x16xf32, #tpu.memory_space<vmem>>) dst(%dma_wait3A_180 : memref<50000x16xf32, #tpu.memory_space<vmem_shared>>)
        tpu.yield
      }) : () -> ()
      %dma_start3A_63 = arith.constant 3 : i32
      %dma_start3A_64 = arith.constant 0 : i32
      %dma_start3A_65 = tpu.memref_slice %arg6[%dma_start3A_63, %dma_start3A_64] : memref<10x500xi32, #tpu.memory_space<vmem>> -> memref<1x500xi32, #tpu.memory_space<vmem>>
      %dma_start3A_66 = tpu.memref_squeeze %dma_start3A_65 : memref<1x500xi32, #tpu.memory_space<vmem>> -> memref<500xi32, #tpu.memory_space<vmem>>
      %dma_start3A_67 = arith.constant 0 : i32
      %dma_start3A_68 = arith.constant 0 : i32
      %dma_start3A_69 = tpu.memref_slice %arg2[%dma_start3A_67, %dma_start3A_68] : memref<50000x16xf32, #tpu.memory_space<hbm>> -> memref<50000x16xf32, #tpu.memory_space<hbm>>
      tpu.enqueue_indirect_dma source(%dma_start3A_69 : memref<50000x16xf32, #tpu.memory_space<hbm>>) target(%arg8 : memref<500x16xf32, #tpu.memory_space<vmem>>) offsets(%dma_start3A_66 : memref<500xi32, #tpu.memory_space<vmem>>) semaphore(%arg10 : memref<!tpu.dma_semaphore, #tpu.memory_space<semaphore_mem>>)
      %dma_wait3A_70 = arith.constant 3 : i32
      %dma_wait3A_71 = arith.constant 0 : i32
      %dma_wait3A_72 = tpu.memref_slice %arg6[%dma_wait3A_70, %dma_wait3A_71] : memref<10x500xi32, #tpu.memory_space<vmem>> -> memref<1x500xi32, #tpu.memory_space<vmem>>
      %dma_wait3A_73 = tpu.memref_squeeze %dma_wait3A_72 : memref<1x500xi32, #tpu.memory_space<vmem>> -> memref<500xi32, #tpu.memory_space<vmem>>
      %dma_wait3A_74 = arith.constant 0 : i32
      %dma_wait3A_75 = arith.constant 0 : i32
      %dma_wait3A_76 = tpu.memref_slice %arg2[%dma_wait3A_74, %dma_wait3A_75] : memref<50000x16xf32, #tpu.memory_space<hbm>> -> memref<50000x16xf32, #tpu.memory_space<hbm>>
      tpu.wait_indirect_dma semaphore(%arg10 : memref<!tpu.dma_semaphore, #tpu.memory_space<semaphore_mem>>) src(%dma_wait3A_76 : memref<50000x16xf32, #tpu.memory_space<hbm>>) dst(%arg8 : memref<500x16xf32, #tpu.memory_space<vmem>>)
      %run_scoped3A_77 = arith.constant 3 : i32
      "tpu.region"() ({
        %run_scoped3A_168 = tpu.sem_alloc : memref<!tpu.dma_semaphore, #tpu.memory_space<semaphore_mem>>
        %dma_start3A_169 = arith.constant 0 : i32
        %dma_start3A_170 = tpu.memref_slice %arg7[%run_scoped3A_77, %dma_start3A_169] : memref<10x500xi32, #tpu.memory_space<vmem>> -> memref<1x500xi32, #tpu.memory_space<vmem>>
        %dma_start3A_171 = tpu.memref_squeeze %dma_start3A_170 : memref<1x500xi32, #tpu.memory_space<vmem>> -> memref<500xi32, #tpu.memory_space<vmem>>
        %dma_start3A_172 = arith.constant 0 : i32
        %dma_start3A_173 = arith.constant 0 : i32
        %dma_start3A_174 = tpu.memref_slice %arg9[%dma_start3A_172, %dma_start3A_173] : memref<50000x16xf32, #tpu.memory_space<vmem_shared>> -> memref<50000x16xf32, #tpu.memory_space<vmem_shared>>
        tpu.enqueue_indirect_dma source(%arg8 : memref<500x16xf32, #tpu.memory_space<vmem>>) target(%dma_start3A_174 : memref<50000x16xf32, #tpu.memory_space<vmem_shared>>) offsets(%dma_start3A_171 : memref<500xi32, #tpu.memory_space<vmem>>) semaphore(%run_scoped3A_168 : memref<!tpu.dma_semaphore, #tpu.memory_space<semaphore_mem>>) {add = true}
        %dma_wait3A_175 = arith.constant 0 : i32
        %dma_wait3A_176 = tpu.memref_slice %arg7[%run_scoped3A_77, %dma_wait3A_175] : memref<10x500xi32, #tpu.memory_space<vmem>> -> memref<1x500xi32, #tpu.memory_space<vmem>>
        %dma_wait3A_177 = tpu.memref_squeeze %dma_wait3A_176 : memref<1x500xi32, #tpu.memory_space<vmem>> -> memref<500xi32, #tpu.memory_space<vmem>>
        %dma_wait3A_178 = arith.constant 0 : i32
        %dma_wait3A_179 = arith.constant 0 : i32
        %dma_wait3A_180 = tpu.memref_slice %arg9[%dma_wait3A_178, %dma_wait3A_179] : memref<50000x16xf32, #tpu.memory_space<vmem_shared>> -> memref<50000x16xf32, #tpu.memory_space<vmem_shared>>
        tpu.wait_indirect_dma semaphore(%run_scoped3A_168 : memref<!tpu.dma_semaphore, #tpu.memory_space<semaphore_mem>>) src(%arg8 : memref<500x16xf32, #tpu.memory_space<vmem>>) dst(%dma_wait3A_180 : memref<50000x16xf32, #tpu.memory_space<vmem_shared>>)
        tpu.yield
      }) : () -> ()
      %dma_start3A_78 = arith.constant 4 : i32
      %dma_start3A_79 = arith.constant 0 : i32
      %dma_start3A_80 = tpu.memref_slice %arg6[%dma_start3A_78, %dma_start3A_79] : memref<10x500xi32, #tpu.memory_space<vmem>> -> memref<1x500xi32, #tpu.memory_space<vmem>>
      %dma_start3A_81 = tpu.memref_squeeze %dma_start3A_80 : memref<1x500xi32, #tpu.memory_space<vmem>> -> memref<500xi32, #tpu.memory_space<vmem>>
      %dma_start3A_82 = arith.constant 0 : i32
      %dma_start3A_83 = arith.constant 0 : i32
      %dma_start3A_84 = tpu.memref_slice %arg2[%dma_start3A_82, %dma_start3A_83] : memref<50000x16xf32, #tpu.memory_space<hbm>> -> memref<50000x16xf32, #tpu.memory_space<hbm>>
      tpu.enqueue_indirect_dma source(%dma_start3A_84 : memref<50000x16xf32, #tpu.memory_space<hbm>>) target(%arg8 : memref<500x16xf32, #tpu.memory_space<vmem>>) offsets(%dma_start3A_81 : memref<500xi32, #tpu.memory_space<vmem>>) semaphore(%arg10 : memref<!tpu.dma_semaphore, #tpu.memory_space<semaphore_mem>>)
      %dma_wait3A_85 = arith.constant 4 : i32
      %dma_wait3A_86 = arith.constant 0 : i32
      %dma_wait3A_87 = tpu.memref_slice %arg6[%dma_wait3A_85, %dma_wait3A_86] : memref<10x500xi32, #tpu.memory_space<vmem>> -> memref<1x500xi32, #tpu.memory_space<vmem>>
      %dma_wait3A_88 = tpu.memref_squeeze %dma_wait3A_87 : memref<1x500xi32, #tpu.memory_space<vmem>> -> memref<500xi32, #tpu.memory_space<vmem>>
      %dma_wait3A_89 = arith.constant 0 : i32
      %dma_wait3A_90 = arith.constant 0 : i32
      %dma_wait3A_91 = tpu.memref_slice %arg2[%dma_wait3A_89, %dma_wait3A_90] : memref<50000x16xf32, #tpu.memory_space<hbm>> -> memref<50000x16xf32, #tpu.memory_space<hbm>>
      tpu.wait_indirect_dma semaphore(%arg10 : memref<!tpu.dma_semaphore, #tpu.memory_space<semaphore_mem>>) src(%dma_wait3A_91 : memref<50000x16xf32, #tpu.memory_space<hbm>>) dst(%arg8 : memref<500x16xf32, #tpu.memory_space<vmem>>)
      %run_scoped3A_92 = arith.constant 4 : i32
      "tpu.region"() ({
        %run_scoped3A_168 = tpu.sem_alloc : memref<!tpu.dma_semaphore, #tpu.memory_space<semaphore_mem>>
        %dma_start3A_169 = arith.constant 0 : i32
        %dma_start3A_170 = tpu.memref_slice %arg7[%run_scoped3A_92, %dma_start3A_169] : memref<10x500xi32, #tpu.memory_space<vmem>> -> memref<1x500xi32, #tpu.memory_space<vmem>>
        %dma_start3A_171 = tpu.memref_squeeze %dma_start3A_170 : memref<1x500xi32, #tpu.memory_space<vmem>> -> memref<500xi32, #tpu.memory_space<vmem>>
        %dma_start3A_172 = arith.constant 0 : i32
        %dma_start3A_173 = arith.constant 0 : i32
        %dma_start3A_174 = tpu.memref_slice %arg9[%dma_start3A_172, %dma_start3A_173] : memref<50000x16xf32, #tpu.memory_space<vmem_shared>> -> memref<50000x16xf32, #tpu.memory_space<vmem_shared>>
        tpu.enqueue_indirect_dma source(%arg8 : memref<500x16xf32, #tpu.memory_space<vmem>>) target(%dma_start3A_174 : memref<50000x16xf32, #tpu.memory_space<vmem_shared>>) offsets(%dma_start3A_171 : memref<500xi32, #tpu.memory_space<vmem>>) semaphore(%run_scoped3A_168 : memref<!tpu.dma_semaphore, #tpu.memory_space<semaphore_mem>>) {add = true}
        %dma_wait3A_175 = arith.constant 0 : i32
        %dma_wait3A_176 = tpu.memref_slice %arg7[%run_scoped3A_92, %dma_wait3A_175] : memref<10x500xi32, #tpu.memory_space<vmem>> -> memref<1x500xi32, #tpu.memory_space<vmem>>
        %dma_wait3A_177 = tpu.memref_squeeze %dma_wait3A_176 : memref<1x500xi32, #tpu.memory_space<vmem>> -> memref<500xi32, #tpu.memory_space<vmem>>
        %dma_wait3A_178 = arith.constant 0 : i32
        %dma_wait3A_179 = arith.constant 0 : i32
        %dma_wait3A_180 = tpu.memref_slice %arg9[%dma_wait3A_178, %dma_wait3A_179] : memref<50000x16xf32, #tpu.memory_space<vmem_shared>> -> memref<50000x16xf32, #tpu.memory_space<vmem_shared>>
        tpu.wait_indirect_dma semaphore(%run_scoped3A_168 : memref<!tpu.dma_semaphore, #tpu.memory_space<semaphore_mem>>) src(%arg8 : memref<500x16xf32, #tpu.memory_space<vmem>>) dst(%dma_wait3A_180 : memref<50000x16xf32, #tpu.memory_space<vmem_shared>>)
        tpu.yield
      }) : () -> ()
      %dma_start3A_93 = arith.constant 5 : i32
      %dma_start3A_94 = arith.constant 0 : i32
      %dma_start3A_95 = tpu.memref_slice %arg6[%dma_start3A_93, %dma_start3A_94] : memref<10x500xi32, #tpu.memory_space<vmem>> -> memref<1x500xi32, #tpu.memory_space<vmem>>
      %dma_start3A_96 = tpu.memref_squeeze %dma_start3A_95 : memref<1x500xi32, #tpu.memory_space<vmem>> -> memref<500xi32, #tpu.memory_space<vmem>>
      %dma_start3A_97 = arith.constant 0 : i32
      %dma_start3A_98 = arith.constant 0 : i32
      %dma_start3A_99 = tpu.memref_slice %arg2[%dma_start3A_97, %dma_start3A_98] : memref<50000x16xf32, #tpu.memory_space<hbm>> -> memref<50000x16xf32, #tpu.memory_space<hbm>>
      tpu.enqueue_indirect_dma source(%dma_start3A_99 : memref<50000x16xf32, #tpu.memory_space<hbm>>) target(%arg8 : memref<500x16xf32, #tpu.memory_space<vmem>>) offsets(%dma_start3A_96 : memref<500xi32, #tpu.memory_space<vmem>>) semaphore(%arg10 : memref<!tpu.dma_semaphore, #tpu.memory_space<semaphore_mem>>)
      %dma_wait3A_100 = arith.constant 5 : i32
      %dma_wait3A_101 = arith.constant 0 : i32
      %dma_wait3A_102 = tpu.memref_slice %arg6[%dma_wait3A_100, %dma_wait3A_101] : memref<10x500xi32, #tpu.memory_space<vmem>> -> memref<1x500xi32, #tpu.memory_space<vmem>>
      %dma_wait3A_103 = tpu.memref_squeeze %dma_wait3A_102 : memref<1x500xi32, #tpu.memory_space<vmem>> -> memref<500xi32, #tpu.memory_space<vmem>>
      %dma_wait3A_104 = arith.constant 0 : i32
      %dma_wait3A_105 = arith.constant 0 : i32
      %dma_wait3A_106 = tpu.memref_slice %arg2[%dma_wait3A_104, %dma_wait3A_105] : memref<50000x16xf32, #tpu.memory_space<hbm>> -> memref<50000x16xf32, #tpu.memory_space<hbm>>
      tpu.wait_indirect_dma semaphore(%arg10 : memref<!tpu.dma_semaphore, #tpu.memory_space<semaphore_mem>>) src(%dma_wait3A_106 : memref<50000x16xf32, #tpu.memory_space<hbm>>) dst(%arg8 : memref<500x16xf32, #tpu.memory_space<vmem>>)
      %run_scoped3A_107 = arith.constant 5 : i32
      "tpu.region"() ({
        %run_scoped3A_168 = tpu.sem_alloc : memref<!tpu.dma_semaphore, #tpu.memory_space<semaphore_mem>>
        %dma_start3A_169 = arith.constant 0 : i32
        %dma_start3A_170 = tpu.memref_slice %arg7[%run_scoped3A_107, %dma_start3A_169] : memref<10x500xi32, #tpu.memory_space<vmem>> -> memref<1x500xi32, #tpu.memory_space<vmem>>
        %dma_start3A_171 = tpu.memref_squeeze %dma_start3A_170 : memref<1x500xi32, #tpu.memory_space<vmem>> -> memref<500xi32, #tpu.memory_space<vmem>>
        %dma_start3A_172 = arith.constant 0 : i32
        %dma_start3A_173 = arith.constant 0 : i32
        %dma_start3A_174 = tpu.memref_slice %arg9[%dma_start3A_172, %dma_start3A_173] : memref<50000x16xf32, #tpu.memory_space<vmem_shared>> -> memref<50000x16xf32, #tpu.memory_space<vmem_shared>>
        tpu.enqueue_indirect_dma source(%arg8 : memref<500x16xf32, #tpu.memory_space<vmem>>) target(%dma_start3A_174 : memref<50000x16xf32, #tpu.memory_space<vmem_shared>>) offsets(%dma_start3A_171 : memref<500xi32, #tpu.memory_space<vmem>>) semaphore(%run_scoped3A_168 : memref<!tpu.dma_semaphore, #tpu.memory_space<semaphore_mem>>) {add = true}
        %dma_wait3A_175 = arith.constant 0 : i32
        %dma_wait3A_176 = tpu.memref_slice %arg7[%run_scoped3A_107, %dma_wait3A_175] : memref<10x500xi32, #tpu.memory_space<vmem>> -> memref<1x500xi32, #tpu.memory_space<vmem>>
        %dma_wait3A_177 = tpu.memref_squeeze %dma_wait3A_176 : memref<1x500xi32, #tpu.memory_space<vmem>> -> memref<500xi32, #tpu.memory_space<vmem>>
        %dma_wait3A_178 = arith.constant 0 : i32
        %dma_wait3A_179 = arith.constant 0 : i32
        %dma_wait3A_180 = tpu.memref_slice %arg9[%dma_wait3A_178, %dma_wait3A_179] : memref<50000x16xf32, #tpu.memory_space<vmem_shared>> -> memref<50000x16xf32, #tpu.memory_space<vmem_shared>>
        tpu.wait_indirect_dma semaphore(%run_scoped3A_168 : memref<!tpu.dma_semaphore, #tpu.memory_space<semaphore_mem>>) src(%arg8 : memref<500x16xf32, #tpu.memory_space<vmem>>) dst(%dma_wait3A_180 : memref<50000x16xf32, #tpu.memory_space<vmem_shared>>)
        tpu.yield
      }) : () -> ()
      %dma_start3A_108 = arith.constant 6 : i32
      %dma_start3A_109 = arith.constant 0 : i32
      %dma_start3A_110 = tpu.memref_slice %arg6[%dma_start3A_108, %dma_start3A_109] : memref<10x500xi32, #tpu.memory_space<vmem>> -> memref<1x500xi32, #tpu.memory_space<vmem>>
      %dma_start3A_111 = tpu.memref_squeeze %dma_start3A_110 : memref<1x500xi32, #tpu.memory_space<vmem>> -> memref<500xi32, #tpu.memory_space<vmem>>
      %dma_start3A_112 = arith.constant 0 : i32
      %dma_start3A_113 = arith.constant 0 : i32
      %dma_start3A_114 = tpu.memref_slice %arg2[%dma_start3A_112, %dma_start3A_113] : memref<50000x16xf32, #tpu.memory_space<hbm>> -> memref<50000x16xf32, #tpu.memory_space<hbm>>
      tpu.enqueue_indirect_dma source(%dma_start3A_114 : memref<50000x16xf32, #tpu.memory_space<hbm>>) target(%arg8 : memref<500x16xf32, #tpu.memory_space<vmem>>) offsets(%dma_start3A_111 : memref<500xi32, #tpu.memory_space<vmem>>) semaphore(%arg10 : memref<!tpu.dma_semaphore, #tpu.memory_space<semaphore_mem>>)
      %dma_wait3A_115 = arith.constant 6 : i32
      %dma_wait3A_116 = arith.constant 0 : i32
      %dma_wait3A_117 = tpu.memref_slice %arg6[%dma_wait3A_115, %dma_wait3A_116] : memref<10x500xi32, #tpu.memory_space<vmem>> -> memref<1x500xi32, #tpu.memory_space<vmem>>
      %dma_wait3A_118 = tpu.memref_squeeze %dma_wait3A_117 : memref<1x500xi32, #tpu.memory_space<vmem>> -> memref<500xi32, #tpu.memory_space<vmem>>
      %dma_wait3A_119 = arith.constant 0 : i32
      %dma_wait3A_120 = arith.constant 0 : i32
      %dma_wait3A_121 = tpu.memref_slice %arg2[%dma_wait3A_119, %dma_wait3A_120] : memref<50000x16xf32, #tpu.memory_space<hbm>> -> memref<50000x16xf32, #tpu.memory_space<hbm>>
      tpu.wait_indirect_dma semaphore(%arg10 : memref<!tpu.dma_semaphore, #tpu.memory_space<semaphore_mem>>) src(%dma_wait3A_121 : memref<50000x16xf32, #tpu.memory_space<hbm>>) dst(%arg8 : memref<500x16xf32, #tpu.memory_space<vmem>>)
      %run_scoped3A_122 = arith.constant 6 : i32
      "tpu.region"() ({
        %run_scoped3A_168 = tpu.sem_alloc : memref<!tpu.dma_semaphore, #tpu.memory_space<semaphore_mem>>
        %dma_start3A_169 = arith.constant 0 : i32
        %dma_start3A_170 = tpu.memref_slice %arg7[%run_scoped3A_122, %dma_start3A_169] : memref<10x500xi32, #tpu.memory_space<vmem>> -> memref<1x500xi32, #tpu.memory_space<vmem>>
        %dma_start3A_171 = tpu.memref_squeeze %dma_start3A_170 : memref<1x500xi32, #tpu.memory_space<vmem>> -> memref<500xi32, #tpu.memory_space<vmem>>
        %dma_start3A_172 = arith.constant 0 : i32
        %dma_start3A_173 = arith.constant 0 : i32
        %dma_start3A_174 = tpu.memref_slice %arg9[%dma_start3A_172, %dma_start3A_173] : memref<50000x16xf32, #tpu.memory_space<vmem_shared>> -> memref<50000x16xf32, #tpu.memory_space<vmem_shared>>
        tpu.enqueue_indirect_dma source(%arg8 : memref<500x16xf32, #tpu.memory_space<vmem>>) target(%dma_start3A_174 : memref<50000x16xf32, #tpu.memory_space<vmem_shared>>) offsets(%dma_start3A_171 : memref<500xi32, #tpu.memory_space<vmem>>) semaphore(%run_scoped3A_168 : memref<!tpu.dma_semaphore, #tpu.memory_space<semaphore_mem>>) {add = true}
        %dma_wait3A_175 = arith.constant 0 : i32
        %dma_wait3A_176 = tpu.memref_slice %arg7[%run_scoped3A_122, %dma_wait3A_175] : memref<10x500xi32, #tpu.memory_space<vmem>> -> memref<1x500xi32, #tpu.memory_space<vmem>>
        %dma_wait3A_177 = tpu.memref_squeeze %dma_wait3A_176 : memref<1x500xi32, #tpu.memory_space<vmem>> -> memref<500xi32, #tpu.memory_space<vmem>>
        %dma_wait3A_178 = arith.constant 0 : i32
        %dma_wait3A_179 = arith.constant 0 : i32
        %dma_wait3A_180 = tpu.memref_slice %arg9[%dma_wait3A_178, %dma_wait3A_179] : memref<50000x16xf32, #tpu.memory_space<vmem_shared>> -> memref<50000x16xf32, #tpu.memory_space<vmem_shared>>
        tpu.wait_indirect_dma semaphore(%run_scoped3A_168 : memref<!tpu.dma_semaphore, #tpu.memory_space<semaphore_mem>>) src(%arg8 : memref<500x16xf32, #tpu.memory_space<vmem>>) dst(%dma_wait3A_180 : memref<50000x16xf32, #tpu.memory_space<vmem_shared>>)
        tpu.yield
      }) : () -> ()
      %dma_start3A_123 = arith.constant 7 : i32
      %dma_start3A_124 = arith.constant 0 : i32
      %dma_start3A_125 = tpu.memref_slice %arg6[%dma_start3A_123, %dma_start3A_124] : memref<10x500xi32, #tpu.memory_space<vmem>> -> memref<1x500xi32, #tpu.memory_space<vmem>>
      %dma_start3A_126 = tpu.memref_squeeze %dma_start3A_125 : memref<1x500xi32, #tpu.memory_space<vmem>> -> memref<500xi32, #tpu.memory_space<vmem>>
      %dma_start3A_127 = arith.constant 0 : i32
      %dma_start3A_128 = arith.constant 0 : i32
      %dma_start3A_129 = tpu.memref_slice %arg2[%dma_start3A_127, %dma_start3A_128] : memref<50000x16xf32, #tpu.memory_space<hbm>> -> memref<50000x16xf32, #tpu.memory_space<hbm>>
      tpu.enqueue_indirect_dma source(%dma_start3A_129 : memref<50000x16xf32, #tpu.memory_space<hbm>>) target(%arg8 : memref<500x16xf32, #tpu.memory_space<vmem>>) offsets(%dma_start3A_126 : memref<500xi32, #tpu.memory_space<vmem>>) semaphore(%arg10 : memref<!tpu.dma_semaphore, #tpu.memory_space<semaphore_mem>>)
      %dma_wait3A_130 = arith.constant 7 : i32
      %dma_wait3A_131 = arith.constant 0 : i32
      %dma_wait3A_132 = tpu.memref_slice %arg6[%dma_wait3A_130, %dma_wait3A_131] : memref<10x500xi32, #tpu.memory_space<vmem>> -> memref<1x500xi32, #tpu.memory_space<vmem>>
      %dma_wait3A_133 = tpu.memref_squeeze %dma_wait3A_132 : memref<1x500xi32, #tpu.memory_space<vmem>> -> memref<500xi32, #tpu.memory_space<vmem>>
      %dma_wait3A_134 = arith.constant 0 : i32
      %dma_wait3A_135 = arith.constant 0 : i32
      %dma_wait3A_136 = tpu.memref_slice %arg2[%dma_wait3A_134, %dma_wait3A_135] : memref<50000x16xf32, #tpu.memory_space<hbm>> -> memref<50000x16xf32, #tpu.memory_space<hbm>>
      tpu.wait_indirect_dma semaphore(%arg10 : memref<!tpu.dma_semaphore, #tpu.memory_space<semaphore_mem>>) src(%dma_wait3A_136 : memref<50000x16xf32, #tpu.memory_space<hbm>>) dst(%arg8 : memref<500x16xf32, #tpu.memory_space<vmem>>)
      %run_scoped3A_137 = arith.constant 7 : i32
      "tpu.region"() ({
        %run_scoped3A_168 = tpu.sem_alloc : memref<!tpu.dma_semaphore, #tpu.memory_space<semaphore_mem>>
        %dma_start3A_169 = arith.constant 0 : i32
        %dma_start3A_170 = tpu.memref_slice %arg7[%run_scoped3A_137, %dma_start3A_169] : memref<10x500xi32, #tpu.memory_space<vmem>> -> memref<1x500xi32, #tpu.memory_space<vmem>>
        %dma_start3A_171 = tpu.memref_squeeze %dma_start3A_170 : memref<1x500xi32, #tpu.memory_space<vmem>> -> memref<500xi32, #tpu.memory_space<vmem>>
        %dma_start3A_172 = arith.constant 0 : i32
        %dma_start3A_173 = arith.constant 0 : i32
        %dma_start3A_174 = tpu.memref_slice %arg9[%dma_start3A_172, %dma_start3A_173] : memref<50000x16xf32, #tpu.memory_space<vmem_shared>> -> memref<50000x16xf32, #tpu.memory_space<vmem_shared>>
        tpu.enqueue_indirect_dma source(%arg8 : memref<500x16xf32, #tpu.memory_space<vmem>>) target(%dma_start3A_174 : memref<50000x16xf32, #tpu.memory_space<vmem_shared>>) offsets(%dma_start3A_171 : memref<500xi32, #tpu.memory_space<vmem>>) semaphore(%run_scoped3A_168 : memref<!tpu.dma_semaphore, #tpu.memory_space<semaphore_mem>>) {add = true}
        %dma_wait3A_175 = arith.constant 0 : i32
        %dma_wait3A_176 = tpu.memref_slice %arg7[%run_scoped3A_137, %dma_wait3A_175] : memref<10x500xi32, #tpu.memory_space<vmem>> -> memref<1x500xi32, #tpu.memory_space<vmem>>
        %dma_wait3A_177 = tpu.memref_squeeze %dma_wait3A_176 : memref<1x500xi32, #tpu.memory_space<vmem>> -> memref<500xi32, #tpu.memory_space<vmem>>
        %dma_wait3A_178 = arith.constant 0 : i32
        %dma_wait3A_179 = arith.constant 0 : i32
        %dma_wait3A_180 = tpu.memref_slice %arg9[%dma_wait3A_178, %dma_wait3A_179] : memref<50000x16xf32, #tpu.memory_space<vmem_shared>> -> memref<50000x16xf32, #tpu.memory_space<vmem_shared>>
        tpu.wait_indirect_dma semaphore(%run_scoped3A_168 : memref<!tpu.dma_semaphore, #tpu.memory_space<semaphore_mem>>) src(%arg8 : memref<500x16xf32, #tpu.memory_space<vmem>>) dst(%dma_wait3A_180 : memref<50000x16xf32, #tpu.memory_space<vmem_shared>>)
        tpu.yield
      }) : () -> ()
      %dma_start3A_138 = arith.constant 8 : i32
      %dma_start3A_139 = arith.constant 0 : i32
      %dma_start3A_140 = tpu.memref_slice %arg6[%dma_start3A_138, %dma_start3A_139] : memref<10x500xi32, #tpu.memory_space<vmem>> -> memref<1x500xi32, #tpu.memory_space<vmem>>
      %dma_start3A_141 = tpu.memref_squeeze %dma_start3A_140 : memref<1x500xi32, #tpu.memory_space<vmem>> -> memref<500xi32, #tpu.memory_space<vmem>>
      %dma_start3A_142 = arith.constant 0 : i32
      %dma_start3A_143 = arith.constant 0 : i32
      %dma_start3A_144 = tpu.memref_slice %arg2[%dma_start3A_142, %dma_start3A_143] : memref<50000x16xf32, #tpu.memory_space<hbm>> -> memref<50000x16xf32, #tpu.memory_space<hbm>>
      tpu.enqueue_indirect_dma source(%dma_start3A_144 : memref<50000x16xf32, #tpu.memory_space<hbm>>) target(%arg8 : memref<500x16xf32, #tpu.memory_space<vmem>>) offsets(%dma_start3A_141 : memref<500xi32, #tpu.memory_space<vmem>>) semaphore(%arg10 : memref<!tpu.dma_semaphore, #tpu.memory_space<semaphore_mem>>)
      %dma_wait3A_145 = arith.constant 8 : i32
      %dma_wait3A_146 = arith.constant 0 : i32
      %dma_wait3A_147 = tpu.memref_slice %arg6[%dma_wait3A_145, %dma_wait3A_146] : memref<10x500xi32, #tpu.memory_space<vmem>> -> memref<1x500xi32, #tpu.memory_space<vmem>>
      %dma_wait3A_148 = tpu.memref_squeeze %dma_wait3A_147 : memref<1x500xi32, #tpu.memory_space<vmem>> -> memref<500xi32, #tpu.memory_space<vmem>>
      %dma_wait3A_149 = arith.constant 0 : i32
      %dma_wait3A_150 = arith.constant 0 : i32
      %dma_wait3A_151 = tpu.memref_slice %arg2[%dma_wait3A_149, %dma_wait3A_150] : memref<50000x16xf32, #tpu.memory_space<hbm>> -> memref<50000x16xf32, #tpu.memory_space<hbm>>
      tpu.wait_indirect_dma semaphore(%arg10 : memref<!tpu.dma_semaphore, #tpu.memory_space<semaphore_mem>>) src(%dma_wait3A_151 : memref<50000x16xf32, #tpu.memory_space<hbm>>) dst(%arg8 : memref<500x16xf32, #tpu.memory_space<vmem>>)
      %run_scoped3A_152 = arith.constant 8 : i32
      "tpu.region"() ({
        %run_scoped3A_168 = tpu.sem_alloc : memref<!tpu.dma_semaphore, #tpu.memory_space<semaphore_mem>>
        %dma_start3A_169 = arith.constant 0 : i32
        %dma_start3A_170 = tpu.memref_slice %arg7[%run_scoped3A_152, %dma_start3A_169] : memref<10x500xi32, #tpu.memory_space<vmem>> -> memref<1x500xi32, #tpu.memory_space<vmem>>
        %dma_start3A_171 = tpu.memref_squeeze %dma_start3A_170 : memref<1x500xi32, #tpu.memory_space<vmem>> -> memref<500xi32, #tpu.memory_space<vmem>>
        %dma_start3A_172 = arith.constant 0 : i32
        %dma_start3A_173 = arith.constant 0 : i32
        %dma_start3A_174 = tpu.memref_slice %arg9[%dma_start3A_172, %dma_start3A_173] : memref<50000x16xf32, #tpu.memory_space<vmem_shared>> -> memref<50000x16xf32, #tpu.memory_space<vmem_shared>>
        tpu.enqueue_indirect_dma source(%arg8 : memref<500x16xf32, #tpu.memory_space<vmem>>) target(%dma_start3A_174 : memref<50000x16xf32, #tpu.memory_space<vmem_shared>>) offsets(%dma_start3A_171 : memref<500xi32, #tpu.memory_space<vmem>>) semaphore(%run_scoped3A_168 : memref<!tpu.dma_semaphore, #tpu.memory_space<semaphore_mem>>) {add = true}
        %dma_wait3A_175 = arith.constant 0 : i32
        %dma_wait3A_176 = tpu.memref_slice %arg7[%run_scoped3A_152, %dma_wait3A_175] : memref<10x500xi32, #tpu.memory_space<vmem>> -> memref<1x500xi32, #tpu.memory_space<vmem>>
        %dma_wait3A_177 = tpu.memref_squeeze %dma_wait3A_176 : memref<1x500xi32, #tpu.memory_space<vmem>> -> memref<500xi32, #tpu.memory_space<vmem>>
        %dma_wait3A_178 = arith.constant 0 : i32
        %dma_wait3A_179 = arith.constant 0 : i32
        %dma_wait3A_180 = tpu.memref_slice %arg9[%dma_wait3A_178, %dma_wait3A_179] : memref<50000x16xf32, #tpu.memory_space<vmem_shared>> -> memref<50000x16xf32, #tpu.memory_space<vmem_shared>>
        tpu.wait_indirect_dma semaphore(%run_scoped3A_168 : memref<!tpu.dma_semaphore, #tpu.memory_space<semaphore_mem>>) src(%arg8 : memref<500x16xf32, #tpu.memory_space<vmem>>) dst(%dma_wait3A_180 : memref<50000x16xf32, #tpu.memory_space<vmem_shared>>)
        tpu.yield
      }) : () -> ()
      %dma_start3A_153 = arith.constant 9 : i32
      %dma_start3A_154 = arith.constant 0 : i32
      %dma_start3A_155 = tpu.memref_slice %arg6[%dma_start3A_153, %dma_start3A_154] : memref<10x500xi32, #tpu.memory_space<vmem>> -> memref<1x500xi32, #tpu.memory_space<vmem>>
      %dma_start3A_156 = tpu.memref_squeeze %dma_start3A_155 : memref<1x500xi32, #tpu.memory_space<vmem>> -> memref<500xi32, #tpu.memory_space<vmem>>
      %dma_start3A_157 = arith.constant 0 : i32
      %dma_start3A_158 = arith.constant 0 : i32
      %dma_start3A_159 = tpu.memref_slice %arg2[%dma_start3A_157, %dma_start3A_158] : memref<50000x16xf32, #tpu.memory_space<hbm>> -> memref<50000x16xf32, #tpu.memory_space<hbm>>
      tpu.enqueue_indirect_dma source(%dma_start3A_159 : memref<50000x16xf32, #tpu.memory_space<hbm>>) target(%arg8 : memref<500x16xf32, #tpu.memory_space<vmem>>) offsets(%dma_start3A_156 : memref<500xi32, #tpu.memory_space<vmem>>) semaphore(%arg10 : memref<!tpu.dma_semaphore, #tpu.memory_space<semaphore_mem>>)
      %dma_wait3A_160 = arith.constant 9 : i32
      %dma_wait3A_161 = arith.constant 0 : i32
      %dma_wait3A_162 = tpu.memref_slice %arg6[%dma_wait3A_160, %dma_wait3A_161] : memref<10x500xi32, #tpu.memory_space<vmem>> -> memref<1x500xi32, #tpu.memory_space<vmem>>
      %dma_wait3A_163 = tpu.memref_squeeze %dma_wait3A_162 : memref<1x500xi32, #tpu.memory_space<vmem>> -> memref<500xi32, #tpu.memory_space<vmem>>
      %dma_wait3A_164 = arith.constant 0 : i32
      %dma_wait3A_165 = arith.constant 0 : i32
      %dma_wait3A_166 = tpu.memref_slice %arg2[%dma_wait3A_164, %dma_wait3A_165] : memref<50000x16xf32, #tpu.memory_space<hbm>> -> memref<50000x16xf32, #tpu.memory_space<hbm>>
      tpu.wait_indirect_dma semaphore(%arg10 : memref<!tpu.dma_semaphore, #tpu.memory_space<semaphore_mem>>) src(%dma_wait3A_166 : memref<50000x16xf32, #tpu.memory_space<hbm>>) dst(%arg8 : memref<500x16xf32, #tpu.memory_space<vmem>>)
      %run_scoped3A_167 = arith.constant 9 : i32
      "tpu.region"() ({
        %run_scoped3A_168 = tpu.sem_alloc : memref<!tpu.dma_semaphore, #tpu.memory_space<semaphore_mem>>
        %dma_start3A_169 = arith.constant 0 : i32
        %dma_start3A_170 = tpu.memref_slice %arg7[%run_scoped3A_167, %dma_start3A_169] : memref<10x500xi32, #tpu.memory_space<vmem>> -> memref<1x500xi32, #tpu.memory_space<vmem>>
        %dma_start3A_171 = tpu.memref_squeeze %dma_start3A_170 : memref<1x500xi32, #tpu.memory_space<vmem>> -> memref<500xi32, #tpu.memory_space<vmem>>
        %dma_start3A_172 = arith.constant 0 : i32
        %dma_start3A_173 = arith.constant 0 : i32
        %dma_start3A_174 = tpu.memref_slice %arg9[%dma_start3A_172, %dma_start3A_173] : memref<50000x16xf32, #tpu.memory_space<vmem_shared>> -> memref<50000x16xf32, #tpu.memory_space<vmem_shared>>
        tpu.enqueue_indirect_dma source(%arg8 : memref<500x16xf32, #tpu.memory_space<vmem>>) target(%dma_start3A_174 : memref<50000x16xf32, #tpu.memory_space<vmem_shared>>) offsets(%dma_start3A_171 : memref<500xi32, #tpu.memory_space<vmem>>) semaphore(%run_scoped3A_168 : memref<!tpu.dma_semaphore, #tpu.memory_space<semaphore_mem>>) {add = true}
        %dma_wait3A_175 = arith.constant 0 : i32
        %dma_wait3A_176 = tpu.memref_slice %arg7[%run_scoped3A_167, %dma_wait3A_175] : memref<10x500xi32, #tpu.memory_space<vmem>> -> memref<1x500xi32, #tpu.memory_space<vmem>>
        %dma_wait3A_177 = tpu.memref_squeeze %dma_wait3A_176 : memref<1x500xi32, #tpu.memory_space<vmem>> -> memref<500xi32, #tpu.memory_space<vmem>>
        %dma_wait3A_178 = arith.constant 0 : i32
        %dma_wait3A_179 = arith.constant 0 : i32
        %dma_wait3A_180 = tpu.memref_slice %arg9[%dma_wait3A_178, %dma_wait3A_179] : memref<50000x16xf32, #tpu.memory_space<vmem_shared>> -> memref<50000x16xf32, #tpu.memory_space<vmem_shared>>
        tpu.wait_indirect_dma semaphore(%run_scoped3A_168 : memref<!tpu.dma_semaphore, #tpu.memory_space<semaphore_mem>>) src(%arg8 : memref<500x16xf32, #tpu.memory_space<vmem>>) dst(%dma_wait3A_180 : memref<50000x16xf32, #tpu.memory_space<vmem_shared>>)
        tpu.yield
      }) : () -> ()
    }
    %scan3A_7 = arith.constant 5 : i32
    %barrier3A_8 = arith.constant 0 : index
    tpu.barrier barrier_id(%barrier3A_8)
    "tpu.region"() ({
      %run_scoped3A = tpu.sem_alloc : memref<!tpu.dma_semaphore, #tpu.memory_space<semaphore_mem>>
      %dma_start3A = arith.constant 0 : i32
      %dma_start3A_9 = tpu.memref_slice %arg5[%arg0, %min3A_3, %dma_start3A] : memref<2x50000x16xf32, #tpu.memory_space<hbm>> -> memref<1x3128x16xf32, #tpu.memory_space<hbm>>
      %dma_start3A_10 = tpu.memref_squeeze %dma_start3A_9 : memref<1x3128x16xf32, #tpu.memory_space<hbm>> -> memref<3128x16xf32, #tpu.memory_space<hbm>>
      %dma_start3A_11 = arith.constant 0 : i32
      %dma_start3A_12 = tpu.memref_slice %arg9[%min3A_3, %dma_start3A_11] : memref<50000x16xf32, #tpu.memory_space<vmem_shared>> -> memref<3128x16xf32, #tpu.memory_space<vmem_shared>>
      tpu.enqueue_dma source(%dma_start3A_12 : memref<3128x16xf32, #tpu.memory_space<vmem_shared>>) target(%dma_start3A_10 : memref<3128x16xf32, #tpu.memory_space<hbm>>) target_semaphore(%run_scoped3A : memref<!tpu.dma_semaphore, #tpu.memory_space<semaphore_mem>>)
      %dma_wait3A = arith.constant 0 : i32
      %dma_wait3A_13 = tpu.memref_slice %arg5[%arg0, %min3A_3, %dma_wait3A] : memref<2x50000x16xf32, #tpu.memory_space<hbm>> -> memref<1x3128x16xf32, #tpu.memory_space<hbm>>
      %dma_wait3A_14 = tpu.memref_squeeze %dma_wait3A_13 : memref<1x3128x16xf32, #tpu.memory_space<hbm>> -> memref<3128x16xf32, #tpu.memory_space<hbm>>
      %dma_wait3A_15 = arith.constant 0 : i32
      %dma_wait3A_16 = tpu.memref_slice %arg9[%min3A_3, %dma_wait3A_15] : memref<50000x16xf32, #tpu.memory_space<vmem_shared>> -> memref<3128x16xf32, #tpu.memory_space<vmem_shared>>
      tpu.wait_dma2 semaphore(%run_scoped3A : memref<!tpu.dma_semaphore, #tpu.memory_space<semaphore_mem>>) src(%dma_wait3A_16 : memref<3128x16xf32, #tpu.memory_space<vmem_shared>>) dst(%dma_wait3A_14 : memref<3128x16xf32, #tpu.memory_space<hbm>>)
      tpu.yield
    }) : () -> ()
    return
  }
}

#map = affine_map<(d0, d1) -> (0, 0)>
#map1 = affine_map<(d0, d1) -> (0)>
#map2 = affine_map<(d0, d1) -> (0, 0, 0)>
module attributes {stable_mosaic.version = 14 : i64} {
  func.func @_sc1_body(%arg0: i32, %arg1: i32, %arg2: memref<50000x32xf32, #tpu.memory_space<hbm>>, %arg3: memref<3200x500xi32, #tpu.memory_space<hbm>>, %arg4: memref<50000x32xf32, #tpu.memory_space<hbm>>, %arg5: memref<50000xf32, #tpu.memory_space<hbm>>, %arg6: memref<500xf32, #tpu.memory_space<hbm>>, %arg7: memref<2x50000x32xf32, #tpu.memory_space<hbm>>, %arg8: memref<2x50000xf32, #tpu.memory_space<hbm>>, %arg9: memref<10x500xi32, #tpu.memory_space<vmem>>, %arg10: memref<10x500xi32, #tpu.memory_space<vmem>>, %arg11: memref<500x32xf32, #tpu.memory_space<vmem>>, %arg12: memref<500xf32, #tpu.memory_space<vmem>>, %arg13: memref<50000x32xf32, #tpu.memory_space<vmem_shared>>, %arg14: memref<50000xf32, #tpu.memory_space<vmem_shared>>, %arg15: memref<!tpu.dma_semaphore, #tpu.memory_space<semaphore_mem>>) attributes {dimension_semantics = [#tpu.dimension_semantics<core_parallel>, #tpu.dimension_semantics<subcore_parallel>], iteration_bounds = array<i64: 2, 16>, scalar_prefetch = 0 : i64, scratch_operands = 7 : i64, tpu.core_type = #tpu.core_type<sc_vector_subcore>, window_params = [{transform_indices = #map}, {transform_indices = #map}, {transform_indices = #map}, {transform_indices = #map1}, {transform_indices = #map1}, {transform_indices = #map2}, {transform_indices = #map}]} {
    %mul3A = arith.constant 16 : i32
    %mul3A_0 = arith.muli %arg0, %mul3A : i32
    %add3A = arith.addi %mul3A_0, %arg1 : i32
    %mul3A_1 = arith.constant 3128 : i32
    %mul3A_2 = arith.muli %arg1, %mul3A_1 : i32
    %min3A = arith.constant 46872 : i32
    %min3A_3 = arith.minsi %mul3A_2, %min3A : i32
    "tpu.region"() ({
      %run_scoped3A = tpu.sem_alloc : memref<!tpu.dma_semaphore, #tpu.memory_space<semaphore_mem>>
      %dma_start3A = arith.constant 0 : i32
      %dma_start3A_16 = tpu.memref_slice %arg13[%min3A_3, %dma_start3A] : memref<50000x32xf32, #tpu.memory_space<vmem_shared>> -> memref<3128x32xf32, #tpu.memory_space<vmem_shared>>
      %dma_start3A_17 = arith.constant 0 : i32
      %dma_start3A_18 = tpu.memref_slice %arg4[%min3A_3, %dma_start3A_17] : memref<50000x32xf32, #tpu.memory_space<hbm>> -> memref<3128x32xf32, #tpu.memory_space<hbm>>
      tpu.enqueue_dma source(%dma_start3A_18 : memref<3128x32xf32, #tpu.memory_space<hbm>>) target(%dma_start3A_16 : memref<3128x32xf32, #tpu.memory_space<vmem_shared>>) target_semaphore(%run_scoped3A : memref<!tpu.dma_semaphore, #tpu.memory_space<semaphore_mem>>)
      %dma_wait3A = arith.constant 0 : i32
      %dma_wait3A_19 = tpu.memref_slice %arg13[%min3A_3, %dma_wait3A] : memref<50000x32xf32, #tpu.memory_space<vmem_shared>> -> memref<3128x32xf32, #tpu.memory_space<vmem_shared>>
      %dma_wait3A_20 = arith.constant 0 : i32
      %dma_wait3A_21 = tpu.memref_slice %arg4[%min3A_3, %dma_wait3A_20] : memref<50000x32xf32, #tpu.memory_space<hbm>> -> memref<3128x32xf32, #tpu.memory_space<hbm>>
      tpu.wait_dma2 semaphore(%run_scoped3A : memref<!tpu.dma_semaphore, #tpu.memory_space<semaphore_mem>>) src(%dma_wait3A_21 : memref<3128x32xf32, #tpu.memory_space<hbm>>) dst(%dma_wait3A_19 : memref<3128x32xf32, #tpu.memory_space<vmem_shared>>)
      tpu.yield
    }) : () -> ()
    %eq3A = arith.constant 0 : i32
    %eq3A_4 = arith.cmpi eq, %arg1, %eq3A : i32
    %convert_element_type3A = arith.extui %eq3A_4 : i1 to i32
    %cond3A = arith.constant 0 : i32
    %cond3A_5 = arith.cmpi ne, %convert_element_type3A, %cond3A : i32
    scf.if %cond3A_5 {
      "tpu.region"() ({
        %run_scoped3A = tpu.sem_alloc : memref<!tpu.dma_semaphore, #tpu.memory_space<semaphore_mem>>
        tpu.enqueue_dma source(%arg5 : memref<50000xf32, #tpu.memory_space<hbm>>) target(%arg14 : memref<50000xf32, #tpu.memory_space<vmem_shared>>) target_semaphore(%run_scoped3A : memref<!tpu.dma_semaphore, #tpu.memory_space<semaphore_mem>>)
        tpu.wait_dma2 semaphore(%run_scoped3A : memref<!tpu.dma_semaphore, #tpu.memory_space<semaphore_mem>>) src(%arg5 : memref<50000xf32, #tpu.memory_space<hbm>>) dst(%arg14 : memref<50000xf32, #tpu.memory_space<vmem_shared>>)
        tpu.yield
      }) : () -> ()
    } else {
    }
    "tpu.region"() ({
      %run_scoped3A = tpu.sem_alloc : memref<!tpu.dma_semaphore, #tpu.memory_space<semaphore_mem>>
      tpu.enqueue_dma source(%arg6 : memref<500xf32, #tpu.memory_space<hbm>>) target(%arg12 : memref<500xf32, #tpu.memory_space<vmem>>) target_semaphore(%run_scoped3A : memref<!tpu.dma_semaphore, #tpu.memory_space<semaphore_mem>>)
      tpu.wait_dma2 semaphore(%run_scoped3A : memref<!tpu.dma_semaphore, #tpu.memory_space<semaphore_mem>>) src(%arg6 : memref<500xf32, #tpu.memory_space<hbm>>) dst(%arg12 : memref<500xf32, #tpu.memory_space<vmem>>)
      tpu.yield
    }) : () -> ()
    %barrier3A = arith.constant 0 : index
    tpu.barrier barrier_id(%barrier3A)
    %scan3A = arith.constant 0 : i32
    %scan3A_6 = arith.constant 5 : i32
    %scan3A_7 = arith.addi %scan3A, %scan3A_6 : i32
    %scan3A_8 = arith.constant 1 : i32
    scf.for %scan3A_16 = %scan3A to %scan3A_7 step %scan3A_8  : i32 {
      %mul3A_17 = arith.constant 1 : i32
      %mul3A_18 = arith.muli %scan3A_16, %mul3A_17 : i32
      %add3A_19 = arith.constant 0 : i32
      %add3A_20 = arith.addi %add3A_19, %mul3A_18 : i32
      %mul3A_21 = arith.constant 50 : i32
      %mul3A_22 = arith.muli %add3A, %mul3A_21 : i32
      %mul3A_23 = arith.constant 10 : i32
      %mul3A_24 = arith.muli %add3A_20, %mul3A_23 : i32
      %add3A_25 = arith.addi %mul3A_22, %mul3A_24 : i32
      "tpu.region"() ({
        %run_scoped3A_185 = tpu.sem_alloc : memref<!tpu.dma_semaphore, #tpu.memory_space<semaphore_mem>>
        %dma_start3A_186 = arith.constant 0 : i32
        %dma_start3A_187 = tpu.memref_slice %arg3[%add3A_25, %dma_start3A_186] : memref<3200x500xi32, #tpu.memory_space<hbm>> -> memref<10x500xi32, #tpu.memory_space<hbm>>
        %dma_start3A_188 = arith.constant 0 : i32
        %dma_start3A_189 = tpu.memref_slice %arg3[%add3A_25, %dma_start3A_188] : memref<3200x500xi32, #tpu.memory_space<hbm>> -> memref<10x500xi32, #tpu.memory_space<hbm>>
        tpu.enqueue_dma source(%dma_start3A_189 : memref<10x500xi32, #tpu.memory_space<hbm>>) target(%arg9 : memref<10x500xi32, #tpu.memory_space<vmem>>) target_semaphore(%run_scoped3A_185 : memref<!tpu.dma_semaphore, #tpu.memory_space<semaphore_mem>>)
        %dma_wait3A_190 = arith.constant 0 : i32
        %dma_wait3A_191 = tpu.memref_slice %arg3[%add3A_25, %dma_wait3A_190] : memref<3200x500xi32, #tpu.memory_space<hbm>> -> memref<10x500xi32, #tpu.memory_space<hbm>>
        %dma_wait3A_192 = arith.constant 0 : i32
        %dma_wait3A_193 = tpu.memref_slice %arg3[%add3A_25, %dma_wait3A_192] : memref<3200x500xi32, #tpu.memory_space<hbm>> -> memref<10x500xi32, #tpu.memory_space<hbm>>
        tpu.wait_dma2 semaphore(%run_scoped3A_185 : memref<!tpu.dma_semaphore, #tpu.memory_space<semaphore_mem>>) src(%dma_wait3A_193 : memref<10x500xi32, #tpu.memory_space<hbm>>) dst(%arg9 : memref<10x500xi32, #tpu.memory_space<vmem>>)
        tpu.yield
      }) : () -> ()
      %add3A_26 = arith.constant 1600 : i32
      %add3A_27 = arith.addi %add3A_26, %add3A_25 : i32
      "tpu.region"() ({
        %run_scoped3A_185 = tpu.sem_alloc : memref<!tpu.dma_semaphore, #tpu.memory_space<semaphore_mem>>
        %dma_start3A_186 = arith.constant 0 : i32
        %dma_start3A_187 = tpu.memref_slice %arg3[%add3A_27, %dma_start3A_186] : memref<3200x500xi32, #tpu.memory_space<hbm>> -> memref<10x500xi32, #tpu.memory_space<hbm>>
        %dma_start3A_188 = arith.constant 0 : i32
        %dma_start3A_189 = tpu.memref_slice %arg3[%add3A_27, %dma_start3A_188] : memref<3200x500xi32, #tpu.memory_space<hbm>> -> memref<10x500xi32, #tpu.memory_space<hbm>>
        tpu.enqueue_dma source(%dma_start3A_189 : memref<10x500xi32, #tpu.memory_space<hbm>>) target(%arg10 : memref<10x500xi32, #tpu.memory_space<vmem>>) target_semaphore(%run_scoped3A_185 : memref<!tpu.dma_semaphore, #tpu.memory_space<semaphore_mem>>)
        %dma_wait3A_190 = arith.constant 0 : i32
        %dma_wait3A_191 = tpu.memref_slice %arg3[%add3A_27, %dma_wait3A_190] : memref<3200x500xi32, #tpu.memory_space<hbm>> -> memref<10x500xi32, #tpu.memory_space<hbm>>
        %dma_wait3A_192 = arith.constant 0 : i32
        %dma_wait3A_193 = tpu.memref_slice %arg3[%add3A_27, %dma_wait3A_192] : memref<3200x500xi32, #tpu.memory_space<hbm>> -> memref<10x500xi32, #tpu.memory_space<hbm>>
        tpu.wait_dma2 semaphore(%run_scoped3A_185 : memref<!tpu.dma_semaphore, #tpu.memory_space<semaphore_mem>>) src(%dma_wait3A_193 : memref<10x500xi32, #tpu.memory_space<hbm>>) dst(%arg10 : memref<10x500xi32, #tpu.memory_space<vmem>>)
        tpu.yield
      }) : () -> ()
      %dma_start3A = arith.constant 0 : i32
      %dma_start3A_28 = arith.constant 0 : i32
      %dma_start3A_29 = tpu.memref_slice %arg9[%dma_start3A, %dma_start3A_28] : memref<10x500xi32, #tpu.memory_space<vmem>> -> memref<1x500xi32, #tpu.memory_space<vmem>>
      %dma_start3A_30 = tpu.memref_squeeze %dma_start3A_29 : memref<1x500xi32, #tpu.memory_space<vmem>> -> memref<500xi32, #tpu.memory_space<vmem>>
      %dma_start3A_31 = arith.constant 0 : i32
      %dma_start3A_32 = arith.constant 0 : i32
      %dma_start3A_33 = tpu.memref_slice %arg2[%dma_start3A_31, %dma_start3A_32] : memref<50000x32xf32, #tpu.memory_space<hbm>> -> memref<50000x32xf32, #tpu.memory_space<hbm>>
      tpu.enqueue_indirect_dma source(%dma_start3A_33 : memref<50000x32xf32, #tpu.memory_space<hbm>>) target(%arg11 : memref<500x32xf32, #tpu.memory_space<vmem>>) offsets(%dma_start3A_30 : memref<500xi32, #tpu.memory_space<vmem>>) semaphore(%arg15 : memref<!tpu.dma_semaphore, #tpu.memory_space<semaphore_mem>>)
      %dma_wait3A = arith.constant 0 : i32
      %dma_wait3A_34 = arith.constant 0 : i32
      %dma_wait3A_35 = tpu.memref_slice %arg9[%dma_wait3A, %dma_wait3A_34] : memref<10x500xi32, #tpu.memory_space<vmem>> -> memref<1x500xi32, #tpu.memory_space<vmem>>
      %dma_wait3A_36 = tpu.memref_squeeze %dma_wait3A_35 : memref<1x500xi32, #tpu.memory_space<vmem>> -> memref<500xi32, #tpu.memory_space<vmem>>
      %dma_wait3A_37 = arith.constant 0 : i32
      %dma_wait3A_38 = arith.constant 0 : i32
      %dma_wait3A_39 = tpu.memref_slice %arg2[%dma_wait3A_37, %dma_wait3A_38] : memref<50000x32xf32, #tpu.memory_space<hbm>> -> memref<50000x32xf32, #tpu.memory_space<hbm>>
      tpu.wait_indirect_dma semaphore(%arg15 : memref<!tpu.dma_semaphore, #tpu.memory_space<semaphore_mem>>) src(%dma_wait3A_39 : memref<50000x32xf32, #tpu.memory_space<hbm>>) dst(%arg11 : memref<500x32xf32, #tpu.memory_space<vmem>>)
      %run_scoped3A = arith.constant 0 : i32
      "tpu.region"() ({
        %run_scoped3A_185 = tpu.sem_alloc : memref<!tpu.dma_semaphore, #tpu.memory_space<semaphore_mem>>
        %dma_start3A_186 = arith.constant 0 : i32
        %dma_start3A_187 = tpu.memref_slice %arg10[%run_scoped3A, %dma_start3A_186] : memref<10x500xi32, #tpu.memory_space<vmem>> -> memref<1x500xi32, #tpu.memory_space<vmem>>
        %dma_start3A_188 = tpu.memref_squeeze %dma_start3A_187 : memref<1x500xi32, #tpu.memory_space<vmem>> -> memref<500xi32, #tpu.memory_space<vmem>>
        %dma_start3A_189 = arith.constant 0 : i32
        %dma_start3A_190 = arith.constant 0 : i32
        %dma_start3A_191 = tpu.memref_slice %arg13[%dma_start3A_189, %dma_start3A_190] : memref<50000x32xf32, #tpu.memory_space<vmem_shared>> -> memref<50000x32xf32, #tpu.memory_space<vmem_shared>>
        tpu.enqueue_indirect_dma source(%arg11 : memref<500x32xf32, #tpu.memory_space<vmem>>) target(%dma_start3A_191 : memref<50000x32xf32, #tpu.memory_space<vmem_shared>>) offsets(%dma_start3A_188 : memref<500xi32, #tpu.memory_space<vmem>>) semaphore(%run_scoped3A_185 : memref<!tpu.dma_semaphore, #tpu.memory_space<semaphore_mem>>) {add = true}
        %dma_wait3A_192 = arith.constant 0 : i32
        %dma_wait3A_193 = tpu.memref_slice %arg10[%run_scoped3A, %dma_wait3A_192] : memref<10x500xi32, #tpu.memory_space<vmem>> -> memref<1x500xi32, #tpu.memory_space<vmem>>
        %dma_wait3A_194 = tpu.memref_squeeze %dma_wait3A_193 : memref<1x500xi32, #tpu.memory_space<vmem>> -> memref<500xi32, #tpu.memory_space<vmem>>
        %dma_wait3A_195 = arith.constant 0 : i32
        %dma_wait3A_196 = arith.constant 0 : i32
        %dma_wait3A_197 = tpu.memref_slice %arg13[%dma_wait3A_195, %dma_wait3A_196] : memref<50000x32xf32, #tpu.memory_space<vmem_shared>> -> memref<50000x32xf32, #tpu.memory_space<vmem_shared>>
        tpu.wait_indirect_dma semaphore(%run_scoped3A_185 : memref<!tpu.dma_semaphore, #tpu.memory_space<semaphore_mem>>) src(%arg11 : memref<500x32xf32, #tpu.memory_space<vmem>>) dst(%dma_wait3A_197 : memref<50000x32xf32, #tpu.memory_space<vmem_shared>>)
        tpu.yield
      }) : () -> ()
      %run_scoped3A_40 = arith.constant 0 : i32
      "tpu.region"() ({
        %run_scoped3A_185 = tpu.sem_alloc : memref<!tpu.dma_semaphore, #tpu.memory_space<semaphore_mem>>
        %dma_start3A_186 = arith.constant 0 : i32
        %dma_start3A_187 = tpu.memref_slice %arg10[%run_scoped3A_40, %dma_start3A_186] : memref<10x500xi32, #tpu.memory_space<vmem>> -> memref<1x500xi32, #tpu.memory_space<vmem>>
        %dma_start3A_188 = tpu.memref_squeeze %dma_start3A_187 : memref<1x500xi32, #tpu.memory_space<vmem>> -> memref<500xi32, #tpu.memory_space<vmem>>
        %dma_start3A_189 = arith.constant 0 : i32
        %dma_start3A_190 = tpu.memref_slice %arg14[%dma_start3A_189] : memref<50000xf32, #tpu.memory_space<vmem_shared>> -> memref<50000xf32, #tpu.memory_space<vmem_shared>>
        tpu.enqueue_indirect_dma source(%arg12 : memref<500xf32, #tpu.memory_space<vmem>>) target(%dma_start3A_190 : memref<50000xf32, #tpu.memory_space<vmem_shared>>) offsets(%dma_start3A_188 : memref<500xi32, #tpu.memory_space<vmem>>) semaphore(%run_scoped3A_185 : memref<!tpu.dma_semaphore, #tpu.memory_space<semaphore_mem>>) {add = true}
        %dma_wait3A_191 = arith.constant 0 : i32
        %dma_wait3A_192 = tpu.memref_slice %arg10[%run_scoped3A_40, %dma_wait3A_191] : memref<10x500xi32, #tpu.memory_space<vmem>> -> memref<1x500xi32, #tpu.memory_space<vmem>>
        %dma_wait3A_193 = tpu.memref_squeeze %dma_wait3A_192 : memref<1x500xi32, #tpu.memory_space<vmem>> -> memref<500xi32, #tpu.memory_space<vmem>>
        %dma_wait3A_194 = arith.constant 0 : i32
        %dma_wait3A_195 = tpu.memref_slice %arg14[%dma_wait3A_194] : memref<50000xf32, #tpu.memory_space<vmem_shared>> -> memref<50000xf32, #tpu.memory_space<vmem_shared>>
        tpu.wait_indirect_dma semaphore(%run_scoped3A_185 : memref<!tpu.dma_semaphore, #tpu.memory_space<semaphore_mem>>) src(%arg12 : memref<500xf32, #tpu.memory_space<vmem>>) dst(%dma_wait3A_195 : memref<50000xf32, #tpu.memory_space<vmem_shared>>)
        tpu.yield
      }) : () -> ()
      %dma_start3A_41 = arith.constant 1 : i32
      %dma_start3A_42 = arith.constant 0 : i32
      %dma_start3A_43 = tpu.memref_slice %arg9[%dma_start3A_41, %dma_start3A_42] : memref<10x500xi32, #tpu.memory_space<vmem>> -> memref<1x500xi32, #tpu.memory_space<vmem>>
      %dma_start3A_44 = tpu.memref_squeeze %dma_start3A_43 : memref<1x500xi32, #tpu.memory_space<vmem>> -> memref<500xi32, #tpu.memory_space<vmem>>
      %dma_start3A_45 = arith.constant 0 : i32
      %dma_start3A_46 = arith.constant 0 : i32
      %dma_start3A_47 = tpu.memref_slice %arg2[%dma_start3A_45, %dma_start3A_46] : memref<50000x32xf32, #tpu.memory_space<hbm>> -> memref<50000x32xf32, #tpu.memory_space<hbm>>
      tpu.enqueue_indirect_dma source(%dma_start3A_47 : memref<50000x32xf32, #tpu.memory_space<hbm>>) target(%arg11 : memref<500x32xf32, #tpu.memory_space<vmem>>) offsets(%dma_start3A_44 : memref<500xi32, #tpu.memory_space<vmem>>) semaphore(%arg15 : memref<!tpu.dma_semaphore, #tpu.memory_space<semaphore_mem>>)
      %dma_wait3A_48 = arith.constant 1 : i32
      %dma_wait3A_49 = arith.constant 0 : i32
      %dma_wait3A_50 = tpu.memref_slice %arg9[%dma_wait3A_48, %dma_wait3A_49] : memref<10x500xi32, #tpu.memory_space<vmem>> -> memref<1x500xi32, #tpu.memory_space<vmem>>
      %dma_wait3A_51 = tpu.memref_squeeze %dma_wait3A_50 : memref<1x500xi32, #tpu.memory_space<vmem>> -> memref<500xi32, #tpu.memory_space<vmem>>
      %dma_wait3A_52 = arith.constant 0 : i32
      %dma_wait3A_53 = arith.constant 0 : i32
      %dma_wait3A_54 = tpu.memref_slice %arg2[%dma_wait3A_52, %dma_wait3A_53] : memref<50000x32xf32, #tpu.memory_space<hbm>> -> memref<50000x32xf32, #tpu.memory_space<hbm>>
      tpu.wait_indirect_dma semaphore(%arg15 : memref<!tpu.dma_semaphore, #tpu.memory_space<semaphore_mem>>) src(%dma_wait3A_54 : memref<50000x32xf32, #tpu.memory_space<hbm>>) dst(%arg11 : memref<500x32xf32, #tpu.memory_space<vmem>>)
      %run_scoped3A_55 = arith.constant 1 : i32
      "tpu.region"() ({
        %run_scoped3A_185 = tpu.sem_alloc : memref<!tpu.dma_semaphore, #tpu.memory_space<semaphore_mem>>
        %dma_start3A_186 = arith.constant 0 : i32
        %dma_start3A_187 = tpu.memref_slice %arg10[%run_scoped3A_55, %dma_start3A_186] : memref<10x500xi32, #tpu.memory_space<vmem>> -> memref<1x500xi32, #tpu.memory_space<vmem>>
        %dma_start3A_188 = tpu.memref_squeeze %dma_start3A_187 : memref<1x500xi32, #tpu.memory_space<vmem>> -> memref<500xi32, #tpu.memory_space<vmem>>
        %dma_start3A_189 = arith.constant 0 : i32
        %dma_start3A_190 = arith.constant 0 : i32
        %dma_start3A_191 = tpu.memref_slice %arg13[%dma_start3A_189, %dma_start3A_190] : memref<50000x32xf32, #tpu.memory_space<vmem_shared>> -> memref<50000x32xf32, #tpu.memory_space<vmem_shared>>
        tpu.enqueue_indirect_dma source(%arg11 : memref<500x32xf32, #tpu.memory_space<vmem>>) target(%dma_start3A_191 : memref<50000x32xf32, #tpu.memory_space<vmem_shared>>) offsets(%dma_start3A_188 : memref<500xi32, #tpu.memory_space<vmem>>) semaphore(%run_scoped3A_185 : memref<!tpu.dma_semaphore, #tpu.memory_space<semaphore_mem>>) {add = true}
        %dma_wait3A_192 = arith.constant 0 : i32
        %dma_wait3A_193 = tpu.memref_slice %arg10[%run_scoped3A_55, %dma_wait3A_192] : memref<10x500xi32, #tpu.memory_space<vmem>> -> memref<1x500xi32, #tpu.memory_space<vmem>>
        %dma_wait3A_194 = tpu.memref_squeeze %dma_wait3A_193 : memref<1x500xi32, #tpu.memory_space<vmem>> -> memref<500xi32, #tpu.memory_space<vmem>>
        %dma_wait3A_195 = arith.constant 0 : i32
        %dma_wait3A_196 = arith.constant 0 : i32
        %dma_wait3A_197 = tpu.memref_slice %arg13[%dma_wait3A_195, %dma_wait3A_196] : memref<50000x32xf32, #tpu.memory_space<vmem_shared>> -> memref<50000x32xf32, #tpu.memory_space<vmem_shared>>
        tpu.wait_indirect_dma semaphore(%run_scoped3A_185 : memref<!tpu.dma_semaphore, #tpu.memory_space<semaphore_mem>>) src(%arg11 : memref<500x32xf32, #tpu.memory_space<vmem>>) dst(%dma_wait3A_197 : memref<50000x32xf32, #tpu.memory_space<vmem_shared>>)
        tpu.yield
      }) : () -> ()
      %run_scoped3A_56 = arith.constant 1 : i32
      "tpu.region"() ({
        %run_scoped3A_185 = tpu.sem_alloc : memref<!tpu.dma_semaphore, #tpu.memory_space<semaphore_mem>>
        %dma_start3A_186 = arith.constant 0 : i32
        %dma_start3A_187 = tpu.memref_slice %arg10[%run_scoped3A_56, %dma_start3A_186] : memref<10x500xi32, #tpu.memory_space<vmem>> -> memref<1x500xi32, #tpu.memory_space<vmem>>
        %dma_start3A_188 = tpu.memref_squeeze %dma_start3A_187 : memref<1x500xi32, #tpu.memory_space<vmem>> -> memref<500xi32, #tpu.memory_space<vmem>>
        %dma_start3A_189 = arith.constant 0 : i32
        %dma_start3A_190 = tpu.memref_slice %arg14[%dma_start3A_189] : memref<50000xf32, #tpu.memory_space<vmem_shared>> -> memref<50000xf32, #tpu.memory_space<vmem_shared>>
        tpu.enqueue_indirect_dma source(%arg12 : memref<500xf32, #tpu.memory_space<vmem>>) target(%dma_start3A_190 : memref<50000xf32, #tpu.memory_space<vmem_shared>>) offsets(%dma_start3A_188 : memref<500xi32, #tpu.memory_space<vmem>>) semaphore(%run_scoped3A_185 : memref<!tpu.dma_semaphore, #tpu.memory_space<semaphore_mem>>) {add = true}
        %dma_wait3A_191 = arith.constant 0 : i32
        %dma_wait3A_192 = tpu.memref_slice %arg10[%run_scoped3A_56, %dma_wait3A_191] : memref<10x500xi32, #tpu.memory_space<vmem>> -> memref<1x500xi32, #tpu.memory_space<vmem>>
        %dma_wait3A_193 = tpu.memref_squeeze %dma_wait3A_192 : memref<1x500xi32, #tpu.memory_space<vmem>> -> memref<500xi32, #tpu.memory_space<vmem>>
        %dma_wait3A_194 = arith.constant 0 : i32
        %dma_wait3A_195 = tpu.memref_slice %arg14[%dma_wait3A_194] : memref<50000xf32, #tpu.memory_space<vmem_shared>> -> memref<50000xf32, #tpu.memory_space<vmem_shared>>
        tpu.wait_indirect_dma semaphore(%run_scoped3A_185 : memref<!tpu.dma_semaphore, #tpu.memory_space<semaphore_mem>>) src(%arg12 : memref<500xf32, #tpu.memory_space<vmem>>) dst(%dma_wait3A_195 : memref<50000xf32, #tpu.memory_space<vmem_shared>>)
        tpu.yield
      }) : () -> ()
      %dma_start3A_57 = arith.constant 2 : i32
      %dma_start3A_58 = arith.constant 0 : i32
      %dma_start3A_59 = tpu.memref_slice %arg9[%dma_start3A_57, %dma_start3A_58] : memref<10x500xi32, #tpu.memory_space<vmem>> -> memref<1x500xi32, #tpu.memory_space<vmem>>
      %dma_start3A_60 = tpu.memref_squeeze %dma_start3A_59 : memref<1x500xi32, #tpu.memory_space<vmem>> -> memref<500xi32, #tpu.memory_space<vmem>>
      %dma_start3A_61 = arith.constant 0 : i32
      %dma_start3A_62 = arith.constant 0 : i32
      %dma_start3A_63 = tpu.memref_slice %arg2[%dma_start3A_61, %dma_start3A_62] : memref<50000x32xf32, #tpu.memory_space<hbm>> -> memref<50000x32xf32, #tpu.memory_space<hbm>>
      tpu.enqueue_indirect_dma source(%dma_start3A_63 : memref<50000x32xf32, #tpu.memory_space<hbm>>) target(%arg11 : memref<500x32xf32, #tpu.memory_space<vmem>>) offsets(%dma_start3A_60 : memref<500xi32, #tpu.memory_space<vmem>>) semaphore(%arg15 : memref<!tpu.dma_semaphore, #tpu.memory_space<semaphore_mem>>)
      %dma_wait3A_64 = arith.constant 2 : i32
      %dma_wait3A_65 = arith.constant 0 : i32
      %dma_wait3A_66 = tpu.memref_slice %arg9[%dma_wait3A_64, %dma_wait3A_65] : memref<10x500xi32, #tpu.memory_space<vmem>> -> memref<1x500xi32, #tpu.memory_space<vmem>>
      %dma_wait3A_67 = tpu.memref_squeeze %dma_wait3A_66 : memref<1x500xi32, #tpu.memory_space<vmem>> -> memref<500xi32, #tpu.memory_space<vmem>>
      %dma_wait3A_68 = arith.constant 0 : i32
      %dma_wait3A_69 = arith.constant 0 : i32
      %dma_wait3A_70 = tpu.memref_slice %arg2[%dma_wait3A_68, %dma_wait3A_69] : memref<50000x32xf32, #tpu.memory_space<hbm>> -> memref<50000x32xf32, #tpu.memory_space<hbm>>
      tpu.wait_indirect_dma semaphore(%arg15 : memref<!tpu.dma_semaphore, #tpu.memory_space<semaphore_mem>>) src(%dma_wait3A_70 : memref<50000x32xf32, #tpu.memory_space<hbm>>) dst(%arg11 : memref<500x32xf32, #tpu.memory_space<vmem>>)
      %run_scoped3A_71 = arith.constant 2 : i32
      "tpu.region"() ({
        %run_scoped3A_185 = tpu.sem_alloc : memref<!tpu.dma_semaphore, #tpu.memory_space<semaphore_mem>>
        %dma_start3A_186 = arith.constant 0 : i32
        %dma_start3A_187 = tpu.memref_slice %arg10[%run_scoped3A_71, %dma_start3A_186] : memref<10x500xi32, #tpu.memory_space<vmem>> -> memref<1x500xi32, #tpu.memory_space<vmem>>
        %dma_start3A_188 = tpu.memref_squeeze %dma_start3A_187 : memref<1x500xi32, #tpu.memory_space<vmem>> -> memref<500xi32, #tpu.memory_space<vmem>>
        %dma_start3A_189 = arith.constant 0 : i32
        %dma_start3A_190 = arith.constant 0 : i32
        %dma_start3A_191 = tpu.memref_slice %arg13[%dma_start3A_189, %dma_start3A_190] : memref<50000x32xf32, #tpu.memory_space<vmem_shared>> -> memref<50000x32xf32, #tpu.memory_space<vmem_shared>>
        tpu.enqueue_indirect_dma source(%arg11 : memref<500x32xf32, #tpu.memory_space<vmem>>) target(%dma_start3A_191 : memref<50000x32xf32, #tpu.memory_space<vmem_shared>>) offsets(%dma_start3A_188 : memref<500xi32, #tpu.memory_space<vmem>>) semaphore(%run_scoped3A_185 : memref<!tpu.dma_semaphore, #tpu.memory_space<semaphore_mem>>) {add = true}
        %dma_wait3A_192 = arith.constant 0 : i32
        %dma_wait3A_193 = tpu.memref_slice %arg10[%run_scoped3A_71, %dma_wait3A_192] : memref<10x500xi32, #tpu.memory_space<vmem>> -> memref<1x500xi32, #tpu.memory_space<vmem>>
        %dma_wait3A_194 = tpu.memref_squeeze %dma_wait3A_193 : memref<1x500xi32, #tpu.memory_space<vmem>> -> memref<500xi32, #tpu.memory_space<vmem>>
        %dma_wait3A_195 = arith.constant 0 : i32
        %dma_wait3A_196 = arith.constant 0 : i32
        %dma_wait3A_197 = tpu.memref_slice %arg13[%dma_wait3A_195, %dma_wait3A_196] : memref<50000x32xf32, #tpu.memory_space<vmem_shared>> -> memref<50000x32xf32, #tpu.memory_space<vmem_shared>>
        tpu.wait_indirect_dma semaphore(%run_scoped3A_185 : memref<!tpu.dma_semaphore, #tpu.memory_space<semaphore_mem>>) src(%arg11 : memref<500x32xf32, #tpu.memory_space<vmem>>) dst(%dma_wait3A_197 : memref<50000x32xf32, #tpu.memory_space<vmem_shared>>)
        tpu.yield
      }) : () -> ()
      %run_scoped3A_72 = arith.constant 2 : i32
      "tpu.region"() ({
        %run_scoped3A_185 = tpu.sem_alloc : memref<!tpu.dma_semaphore, #tpu.memory_space<semaphore_mem>>
        %dma_start3A_186 = arith.constant 0 : i32
        %dma_start3A_187 = tpu.memref_slice %arg10[%run_scoped3A_72, %dma_start3A_186] : memref<10x500xi32, #tpu.memory_space<vmem>> -> memref<1x500xi32, #tpu.memory_space<vmem>>
        %dma_start3A_188 = tpu.memref_squeeze %dma_start3A_187 : memref<1x500xi32, #tpu.memory_space<vmem>> -> memref<500xi32, #tpu.memory_space<vmem>>
        %dma_start3A_189 = arith.constant 0 : i32
        %dma_start3A_190 = tpu.memref_slice %arg14[%dma_start3A_189] : memref<50000xf32, #tpu.memory_space<vmem_shared>> -> memref<50000xf32, #tpu.memory_space<vmem_shared>>
        tpu.enqueue_indirect_dma source(%arg12 : memref<500xf32, #tpu.memory_space<vmem>>) target(%dma_start3A_190 : memref<50000xf32, #tpu.memory_space<vmem_shared>>) offsets(%dma_start3A_188 : memref<500xi32, #tpu.memory_space<vmem>>) semaphore(%run_scoped3A_185 : memref<!tpu.dma_semaphore, #tpu.memory_space<semaphore_mem>>) {add = true}
        %dma_wait3A_191 = arith.constant 0 : i32
        %dma_wait3A_192 = tpu.memref_slice %arg10[%run_scoped3A_72, %dma_wait3A_191] : memref<10x500xi32, #tpu.memory_space<vmem>> -> memref<1x500xi32, #tpu.memory_space<vmem>>
        %dma_wait3A_193 = tpu.memref_squeeze %dma_wait3A_192 : memref<1x500xi32, #tpu.memory_space<vmem>> -> memref<500xi32, #tpu.memory_space<vmem>>
        %dma_wait3A_194 = arith.constant 0 : i32
        %dma_wait3A_195 = tpu.memref_slice %arg14[%dma_wait3A_194] : memref<50000xf32, #tpu.memory_space<vmem_shared>> -> memref<50000xf32, #tpu.memory_space<vmem_shared>>
        tpu.wait_indirect_dma semaphore(%run_scoped3A_185 : memref<!tpu.dma_semaphore, #tpu.memory_space<semaphore_mem>>) src(%arg12 : memref<500xf32, #tpu.memory_space<vmem>>) dst(%dma_wait3A_195 : memref<50000xf32, #tpu.memory_space<vmem_shared>>)
        tpu.yield
      }) : () -> ()
      %dma_start3A_73 = arith.constant 3 : i32
      %dma_start3A_74 = arith.constant 0 : i32
      %dma_start3A_75 = tpu.memref_slice %arg9[%dma_start3A_73, %dma_start3A_74] : memref<10x500xi32, #tpu.memory_space<vmem>> -> memref<1x500xi32, #tpu.memory_space<vmem>>
      %dma_start3A_76 = tpu.memref_squeeze %dma_start3A_75 : memref<1x500xi32, #tpu.memory_space<vmem>> -> memref<500xi32, #tpu.memory_space<vmem>>
      %dma_start3A_77 = arith.constant 0 : i32
      %dma_start3A_78 = arith.constant 0 : i32
      %dma_start3A_79 = tpu.memref_slice %arg2[%dma_start3A_77, %dma_start3A_78] : memref<50000x32xf32, #tpu.memory_space<hbm>> -> memref<50000x32xf32, #tpu.memory_space<hbm>>
      tpu.enqueue_indirect_dma source(%dma_start3A_79 : memref<50000x32xf32, #tpu.memory_space<hbm>>) target(%arg11 : memref<500x32xf32, #tpu.memory_space<vmem>>) offsets(%dma_start3A_76 : memref<500xi32, #tpu.memory_space<vmem>>) semaphore(%arg15 : memref<!tpu.dma_semaphore, #tpu.memory_space<semaphore_mem>>)
      %dma_wait3A_80 = arith.constant 3 : i32
      %dma_wait3A_81 = arith.constant 0 : i32
      %dma_wait3A_82 = tpu.memref_slice %arg9[%dma_wait3A_80, %dma_wait3A_81] : memref<10x500xi32, #tpu.memory_space<vmem>> -> memref<1x500xi32, #tpu.memory_space<vmem>>
      %dma_wait3A_83 = tpu.memref_squeeze %dma_wait3A_82 : memref<1x500xi32, #tpu.memory_space<vmem>> -> memref<500xi32, #tpu.memory_space<vmem>>
      %dma_wait3A_84 = arith.constant 0 : i32
      %dma_wait3A_85 = arith.constant 0 : i32
      %dma_wait3A_86 = tpu.memref_slice %arg2[%dma_wait3A_84, %dma_wait3A_85] : memref<50000x32xf32, #tpu.memory_space<hbm>> -> memref<50000x32xf32, #tpu.memory_space<hbm>>
      tpu.wait_indirect_dma semaphore(%arg15 : memref<!tpu.dma_semaphore, #tpu.memory_space<semaphore_mem>>) src(%dma_wait3A_86 : memref<50000x32xf32, #tpu.memory_space<hbm>>) dst(%arg11 : memref<500x32xf32, #tpu.memory_space<vmem>>)
      %run_scoped3A_87 = arith.constant 3 : i32
      "tpu.region"() ({
        %run_scoped3A_185 = tpu.sem_alloc : memref<!tpu.dma_semaphore, #tpu.memory_space<semaphore_mem>>
        %dma_start3A_186 = arith.constant 0 : i32
        %dma_start3A_187 = tpu.memref_slice %arg10[%run_scoped3A_87, %dma_start3A_186] : memref<10x500xi32, #tpu.memory_space<vmem>> -> memref<1x500xi32, #tpu.memory_space<vmem>>
        %dma_start3A_188 = tpu.memref_squeeze %dma_start3A_187 : memref<1x500xi32, #tpu.memory_space<vmem>> -> memref<500xi32, #tpu.memory_space<vmem>>
        %dma_start3A_189 = arith.constant 0 : i32
        %dma_start3A_190 = arith.constant 0 : i32
        %dma_start3A_191 = tpu.memref_slice %arg13[%dma_start3A_189, %dma_start3A_190] : memref<50000x32xf32, #tpu.memory_space<vmem_shared>> -> memref<50000x32xf32, #tpu.memory_space<vmem_shared>>
        tpu.enqueue_indirect_dma source(%arg11 : memref<500x32xf32, #tpu.memory_space<vmem>>) target(%dma_start3A_191 : memref<50000x32xf32, #tpu.memory_space<vmem_shared>>) offsets(%dma_start3A_188 : memref<500xi32, #tpu.memory_space<vmem>>) semaphore(%run_scoped3A_185 : memref<!tpu.dma_semaphore, #tpu.memory_space<semaphore_mem>>) {add = true}
        %dma_wait3A_192 = arith.constant 0 : i32
        %dma_wait3A_193 = tpu.memref_slice %arg10[%run_scoped3A_87, %dma_wait3A_192] : memref<10x500xi32, #tpu.memory_space<vmem>> -> memref<1x500xi32, #tpu.memory_space<vmem>>
        %dma_wait3A_194 = tpu.memref_squeeze %dma_wait3A_193 : memref<1x500xi32, #tpu.memory_space<vmem>> -> memref<500xi32, #tpu.memory_space<vmem>>
        %dma_wait3A_195 = arith.constant 0 : i32
        %dma_wait3A_196 = arith.constant 0 : i32
        %dma_wait3A_197 = tpu.memref_slice %arg13[%dma_wait3A_195, %dma_wait3A_196] : memref<50000x32xf32, #tpu.memory_space<vmem_shared>> -> memref<50000x32xf32, #tpu.memory_space<vmem_shared>>
        tpu.wait_indirect_dma semaphore(%run_scoped3A_185 : memref<!tpu.dma_semaphore, #tpu.memory_space<semaphore_mem>>) src(%arg11 : memref<500x32xf32, #tpu.memory_space<vmem>>) dst(%dma_wait3A_197 : memref<50000x32xf32, #tpu.memory_space<vmem_shared>>)
        tpu.yield
      }) : () -> ()
      %run_scoped3A_88 = arith.constant 3 : i32
      "tpu.region"() ({
        %run_scoped3A_185 = tpu.sem_alloc : memref<!tpu.dma_semaphore, #tpu.memory_space<semaphore_mem>>
        %dma_start3A_186 = arith.constant 0 : i32
        %dma_start3A_187 = tpu.memref_slice %arg10[%run_scoped3A_88, %dma_start3A_186] : memref<10x500xi32, #tpu.memory_space<vmem>> -> memref<1x500xi32, #tpu.memory_space<vmem>>
        %dma_start3A_188 = tpu.memref_squeeze %dma_start3A_187 : memref<1x500xi32, #tpu.memory_space<vmem>> -> memref<500xi32, #tpu.memory_space<vmem>>
        %dma_start3A_189 = arith.constant 0 : i32
        %dma_start3A_190 = tpu.memref_slice %arg14[%dma_start3A_189] : memref<50000xf32, #tpu.memory_space<vmem_shared>> -> memref<50000xf32, #tpu.memory_space<vmem_shared>>
        tpu.enqueue_indirect_dma source(%arg12 : memref<500xf32, #tpu.memory_space<vmem>>) target(%dma_start3A_190 : memref<50000xf32, #tpu.memory_space<vmem_shared>>) offsets(%dma_start3A_188 : memref<500xi32, #tpu.memory_space<vmem>>) semaphore(%run_scoped3A_185 : memref<!tpu.dma_semaphore, #tpu.memory_space<semaphore_mem>>) {add = true}
        %dma_wait3A_191 = arith.constant 0 : i32
        %dma_wait3A_192 = tpu.memref_slice %arg10[%run_scoped3A_88, %dma_wait3A_191] : memref<10x500xi32, #tpu.memory_space<vmem>> -> memref<1x500xi32, #tpu.memory_space<vmem>>
        %dma_wait3A_193 = tpu.memref_squeeze %dma_wait3A_192 : memref<1x500xi32, #tpu.memory_space<vmem>> -> memref<500xi32, #tpu.memory_space<vmem>>
        %dma_wait3A_194 = arith.constant 0 : i32
        %dma_wait3A_195 = tpu.memref_slice %arg14[%dma_wait3A_194] : memref<50000xf32, #tpu.memory_space<vmem_shared>> -> memref<50000xf32, #tpu.memory_space<vmem_shared>>
        tpu.wait_indirect_dma semaphore(%run_scoped3A_185 : memref<!tpu.dma_semaphore, #tpu.memory_space<semaphore_mem>>) src(%arg12 : memref<500xf32, #tpu.memory_space<vmem>>) dst(%dma_wait3A_195 : memref<50000xf32, #tpu.memory_space<vmem_shared>>)
        tpu.yield
      }) : () -> ()
      %dma_start3A_89 = arith.constant 4 : i32
      %dma_start3A_90 = arith.constant 0 : i32
      %dma_start3A_91 = tpu.memref_slice %arg9[%dma_start3A_89, %dma_start3A_90] : memref<10x500xi32, #tpu.memory_space<vmem>> -> memref<1x500xi32, #tpu.memory_space<vmem>>
      %dma_start3A_92 = tpu.memref_squeeze %dma_start3A_91 : memref<1x500xi32, #tpu.memory_space<vmem>> -> memref<500xi32, #tpu.memory_space<vmem>>
      %dma_start3A_93 = arith.constant 0 : i32
      %dma_start3A_94 = arith.constant 0 : i32
      %dma_start3A_95 = tpu.memref_slice %arg2[%dma_start3A_93, %dma_start3A_94] : memref<50000x32xf32, #tpu.memory_space<hbm>> -> memref<50000x32xf32, #tpu.memory_space<hbm>>
      tpu.enqueue_indirect_dma source(%dma_start3A_95 : memref<50000x32xf32, #tpu.memory_space<hbm>>) target(%arg11 : memref<500x32xf32, #tpu.memory_space<vmem>>) offsets(%dma_start3A_92 : memref<500xi32, #tpu.memory_space<vmem>>) semaphore(%arg15 : memref<!tpu.dma_semaphore, #tpu.memory_space<semaphore_mem>>)
      %dma_wait3A_96 = arith.constant 4 : i32
      %dma_wait3A_97 = arith.constant 0 : i32
      %dma_wait3A_98 = tpu.memref_slice %arg9[%dma_wait3A_96, %dma_wait3A_97] : memref<10x500xi32, #tpu.memory_space<vmem>> -> memref<1x500xi32, #tpu.memory_space<vmem>>
      %dma_wait3A_99 = tpu.memref_squeeze %dma_wait3A_98 : memref<1x500xi32, #tpu.memory_space<vmem>> -> memref<500xi32, #tpu.memory_space<vmem>>
      %dma_wait3A_100 = arith.constant 0 : i32
      %dma_wait3A_101 = arith.constant 0 : i32
      %dma_wait3A_102 = tpu.memref_slice %arg2[%dma_wait3A_100, %dma_wait3A_101] : memref<50000x32xf32, #tpu.memory_space<hbm>> -> memref<50000x32xf32, #tpu.memory_space<hbm>>
      tpu.wait_indirect_dma semaphore(%arg15 : memref<!tpu.dma_semaphore, #tpu.memory_space<semaphore_mem>>) src(%dma_wait3A_102 : memref<50000x32xf32, #tpu.memory_space<hbm>>) dst(%arg11 : memref<500x32xf32, #tpu.memory_space<vmem>>)
      %run_scoped3A_103 = arith.constant 4 : i32
      "tpu.region"() ({
        %run_scoped3A_185 = tpu.sem_alloc : memref<!tpu.dma_semaphore, #tpu.memory_space<semaphore_mem>>
        %dma_start3A_186 = arith.constant 0 : i32
        %dma_start3A_187 = tpu.memref_slice %arg10[%run_scoped3A_103, %dma_start3A_186] : memref<10x500xi32, #tpu.memory_space<vmem>> -> memref<1x500xi32, #tpu.memory_space<vmem>>
        %dma_start3A_188 = tpu.memref_squeeze %dma_start3A_187 : memref<1x500xi32, #tpu.memory_space<vmem>> -> memref<500xi32, #tpu.memory_space<vmem>>
        %dma_start3A_189 = arith.constant 0 : i32
        %dma_start3A_190 = arith.constant 0 : i32
        %dma_start3A_191 = tpu.memref_slice %arg13[%dma_start3A_189, %dma_start3A_190] : memref<50000x32xf32, #tpu.memory_space<vmem_shared>> -> memref<50000x32xf32, #tpu.memory_space<vmem_shared>>
        tpu.enqueue_indirect_dma source(%arg11 : memref<500x32xf32, #tpu.memory_space<vmem>>) target(%dma_start3A_191 : memref<50000x32xf32, #tpu.memory_space<vmem_shared>>) offsets(%dma_start3A_188 : memref<500xi32, #tpu.memory_space<vmem>>) semaphore(%run_scoped3A_185 : memref<!tpu.dma_semaphore, #tpu.memory_space<semaphore_mem>>) {add = true}
        %dma_wait3A_192 = arith.constant 0 : i32
        %dma_wait3A_193 = tpu.memref_slice %arg10[%run_scoped3A_103, %dma_wait3A_192] : memref<10x500xi32, #tpu.memory_space<vmem>> -> memref<1x500xi32, #tpu.memory_space<vmem>>
        %dma_wait3A_194 = tpu.memref_squeeze %dma_wait3A_193 : memref<1x500xi32, #tpu.memory_space<vmem>> -> memref<500xi32, #tpu.memory_space<vmem>>
        %dma_wait3A_195 = arith.constant 0 : i32
        %dma_wait3A_196 = arith.constant 0 : i32
        %dma_wait3A_197 = tpu.memref_slice %arg13[%dma_wait3A_195, %dma_wait3A_196] : memref<50000x32xf32, #tpu.memory_space<vmem_shared>> -> memref<50000x32xf32, #tpu.memory_space<vmem_shared>>
        tpu.wait_indirect_dma semaphore(%run_scoped3A_185 : memref<!tpu.dma_semaphore, #tpu.memory_space<semaphore_mem>>) src(%arg11 : memref<500x32xf32, #tpu.memory_space<vmem>>) dst(%dma_wait3A_197 : memref<50000x32xf32, #tpu.memory_space<vmem_shared>>)
        tpu.yield
      }) : () -> ()
      %run_scoped3A_104 = arith.constant 4 : i32
      "tpu.region"() ({
        %run_scoped3A_185 = tpu.sem_alloc : memref<!tpu.dma_semaphore, #tpu.memory_space<semaphore_mem>>
        %dma_start3A_186 = arith.constant 0 : i32
        %dma_start3A_187 = tpu.memref_slice %arg10[%run_scoped3A_104, %dma_start3A_186] : memref<10x500xi32, #tpu.memory_space<vmem>> -> memref<1x500xi32, #tpu.memory_space<vmem>>
        %dma_start3A_188 = tpu.memref_squeeze %dma_start3A_187 : memref<1x500xi32, #tpu.memory_space<vmem>> -> memref<500xi32, #tpu.memory_space<vmem>>
        %dma_start3A_189 = arith.constant 0 : i32
        %dma_start3A_190 = tpu.memref_slice %arg14[%dma_start3A_189] : memref<50000xf32, #tpu.memory_space<vmem_shared>> -> memref<50000xf32, #tpu.memory_space<vmem_shared>>
        tpu.enqueue_indirect_dma source(%arg12 : memref<500xf32, #tpu.memory_space<vmem>>) target(%dma_start3A_190 : memref<50000xf32, #tpu.memory_space<vmem_shared>>) offsets(%dma_start3A_188 : memref<500xi32, #tpu.memory_space<vmem>>) semaphore(%run_scoped3A_185 : memref<!tpu.dma_semaphore, #tpu.memory_space<semaphore_mem>>) {add = true}
        %dma_wait3A_191 = arith.constant 0 : i32
        %dma_wait3A_192 = tpu.memref_slice %arg10[%run_scoped3A_104, %dma_wait3A_191] : memref<10x500xi32, #tpu.memory_space<vmem>> -> memref<1x500xi32, #tpu.memory_space<vmem>>
        %dma_wait3A_193 = tpu.memref_squeeze %dma_wait3A_192 : memref<1x500xi32, #tpu.memory_space<vmem>> -> memref<500xi32, #tpu.memory_space<vmem>>
        %dma_wait3A_194 = arith.constant 0 : i32
        %dma_wait3A_195 = tpu.memref_slice %arg14[%dma_wait3A_194] : memref<50000xf32, #tpu.memory_space<vmem_shared>> -> memref<50000xf32, #tpu.memory_space<vmem_shared>>
        tpu.wait_indirect_dma semaphore(%run_scoped3A_185 : memref<!tpu.dma_semaphore, #tpu.memory_space<semaphore_mem>>) src(%arg12 : memref<500xf32, #tpu.memory_space<vmem>>) dst(%dma_wait3A_195 : memref<50000xf32, #tpu.memory_space<vmem_shared>>)
        tpu.yield
      }) : () -> ()
      %dma_start3A_105 = arith.constant 5 : i32
      %dma_start3A_106 = arith.constant 0 : i32
      %dma_start3A_107 = tpu.memref_slice %arg9[%dma_start3A_105, %dma_start3A_106] : memref<10x500xi32, #tpu.memory_space<vmem>> -> memref<1x500xi32, #tpu.memory_space<vmem>>
      %dma_start3A_108 = tpu.memref_squeeze %dma_start3A_107 : memref<1x500xi32, #tpu.memory_space<vmem>> -> memref<500xi32, #tpu.memory_space<vmem>>
      %dma_start3A_109 = arith.constant 0 : i32
      %dma_start3A_110 = arith.constant 0 : i32
      %dma_start3A_111 = tpu.memref_slice %arg2[%dma_start3A_109, %dma_start3A_110] : memref<50000x32xf32, #tpu.memory_space<hbm>> -> memref<50000x32xf32, #tpu.memory_space<hbm>>
      tpu.enqueue_indirect_dma source(%dma_start3A_111 : memref<50000x32xf32, #tpu.memory_space<hbm>>) target(%arg11 : memref<500x32xf32, #tpu.memory_space<vmem>>) offsets(%dma_start3A_108 : memref<500xi32, #tpu.memory_space<vmem>>) semaphore(%arg15 : memref<!tpu.dma_semaphore, #tpu.memory_space<semaphore_mem>>)
      %dma_wait3A_112 = arith.constant 5 : i32
      %dma_wait3A_113 = arith.constant 0 : i32
      %dma_wait3A_114 = tpu.memref_slice %arg9[%dma_wait3A_112, %dma_wait3A_113] : memref<10x500xi32, #tpu.memory_space<vmem>> -> memref<1x500xi32, #tpu.memory_space<vmem>>
      %dma_wait3A_115 = tpu.memref_squeeze %dma_wait3A_114 : memref<1x500xi32, #tpu.memory_space<vmem>> -> memref<500xi32, #tpu.memory_space<vmem>>
      %dma_wait3A_116 = arith.constant 0 : i32
      %dma_wait3A_117 = arith.constant 0 : i32
      %dma_wait3A_118 = tpu.memref_slice %arg2[%dma_wait3A_116, %dma_wait3A_117] : memref<50000x32xf32, #tpu.memory_space<hbm>> -> memref<50000x32xf32, #tpu.memory_space<hbm>>
      tpu.wait_indirect_dma semaphore(%arg15 : memref<!tpu.dma_semaphore, #tpu.memory_space<semaphore_mem>>) src(%dma_wait3A_118 : memref<50000x32xf32, #tpu.memory_space<hbm>>) dst(%arg11 : memref<500x32xf32, #tpu.memory_space<vmem>>)
      %run_scoped3A_119 = arith.constant 5 : i32
      "tpu.region"() ({
        %run_scoped3A_185 = tpu.sem_alloc : memref<!tpu.dma_semaphore, #tpu.memory_space<semaphore_mem>>
        %dma_start3A_186 = arith.constant 0 : i32
        %dma_start3A_187 = tpu.memref_slice %arg10[%run_scoped3A_119, %dma_start3A_186] : memref<10x500xi32, #tpu.memory_space<vmem>> -> memref<1x500xi32, #tpu.memory_space<vmem>>
        %dma_start3A_188 = tpu.memref_squeeze %dma_start3A_187 : memref<1x500xi32, #tpu.memory_space<vmem>> -> memref<500xi32, #tpu.memory_space<vmem>>
        %dma_start3A_189 = arith.constant 0 : i32
        %dma_start3A_190 = arith.constant 0 : i32
        %dma_start3A_191 = tpu.memref_slice %arg13[%dma_start3A_189, %dma_start3A_190] : memref<50000x32xf32, #tpu.memory_space<vmem_shared>> -> memref<50000x32xf32, #tpu.memory_space<vmem_shared>>
        tpu.enqueue_indirect_dma source(%arg11 : memref<500x32xf32, #tpu.memory_space<vmem>>) target(%dma_start3A_191 : memref<50000x32xf32, #tpu.memory_space<vmem_shared>>) offsets(%dma_start3A_188 : memref<500xi32, #tpu.memory_space<vmem>>) semaphore(%run_scoped3A_185 : memref<!tpu.dma_semaphore, #tpu.memory_space<semaphore_mem>>) {add = true}
        %dma_wait3A_192 = arith.constant 0 : i32
        %dma_wait3A_193 = tpu.memref_slice %arg10[%run_scoped3A_119, %dma_wait3A_192] : memref<10x500xi32, #tpu.memory_space<vmem>> -> memref<1x500xi32, #tpu.memory_space<vmem>>
        %dma_wait3A_194 = tpu.memref_squeeze %dma_wait3A_193 : memref<1x500xi32, #tpu.memory_space<vmem>> -> memref<500xi32, #tpu.memory_space<vmem>>
        %dma_wait3A_195 = arith.constant 0 : i32
        %dma_wait3A_196 = arith.constant 0 : i32
        %dma_wait3A_197 = tpu.memref_slice %arg13[%dma_wait3A_195, %dma_wait3A_196] : memref<50000x32xf32, #tpu.memory_space<vmem_shared>> -> memref<50000x32xf32, #tpu.memory_space<vmem_shared>>
        tpu.wait_indirect_dma semaphore(%run_scoped3A_185 : memref<!tpu.dma_semaphore, #tpu.memory_space<semaphore_mem>>) src(%arg11 : memref<500x32xf32, #tpu.memory_space<vmem>>) dst(%dma_wait3A_197 : memref<50000x32xf32, #tpu.memory_space<vmem_shared>>)
        tpu.yield
      }) : () -> ()
      %run_scoped3A_120 = arith.constant 5 : i32
      "tpu.region"() ({
        %run_scoped3A_185 = tpu.sem_alloc : memref<!tpu.dma_semaphore, #tpu.memory_space<semaphore_mem>>
        %dma_start3A_186 = arith.constant 0 : i32
        %dma_start3A_187 = tpu.memref_slice %arg10[%run_scoped3A_120, %dma_start3A_186] : memref<10x500xi32, #tpu.memory_space<vmem>> -> memref<1x500xi32, #tpu.memory_space<vmem>>
        %dma_start3A_188 = tpu.memref_squeeze %dma_start3A_187 : memref<1x500xi32, #tpu.memory_space<vmem>> -> memref<500xi32, #tpu.memory_space<vmem>>
        %dma_start3A_189 = arith.constant 0 : i32
        %dma_start3A_190 = tpu.memref_slice %arg14[%dma_start3A_189] : memref<50000xf32, #tpu.memory_space<vmem_shared>> -> memref<50000xf32, #tpu.memory_space<vmem_shared>>
        tpu.enqueue_indirect_dma source(%arg12 : memref<500xf32, #tpu.memory_space<vmem>>) target(%dma_start3A_190 : memref<50000xf32, #tpu.memory_space<vmem_shared>>) offsets(%dma_start3A_188 : memref<500xi32, #tpu.memory_space<vmem>>) semaphore(%run_scoped3A_185 : memref<!tpu.dma_semaphore, #tpu.memory_space<semaphore_mem>>) {add = true}
        %dma_wait3A_191 = arith.constant 0 : i32
        %dma_wait3A_192 = tpu.memref_slice %arg10[%run_scoped3A_120, %dma_wait3A_191] : memref<10x500xi32, #tpu.memory_space<vmem>> -> memref<1x500xi32, #tpu.memory_space<vmem>>
        %dma_wait3A_193 = tpu.memref_squeeze %dma_wait3A_192 : memref<1x500xi32, #tpu.memory_space<vmem>> -> memref<500xi32, #tpu.memory_space<vmem>>
        %dma_wait3A_194 = arith.constant 0 : i32
        %dma_wait3A_195 = tpu.memref_slice %arg14[%dma_wait3A_194] : memref<50000xf32, #tpu.memory_space<vmem_shared>> -> memref<50000xf32, #tpu.memory_space<vmem_shared>>
        tpu.wait_indirect_dma semaphore(%run_scoped3A_185 : memref<!tpu.dma_semaphore, #tpu.memory_space<semaphore_mem>>) src(%arg12 : memref<500xf32, #tpu.memory_space<vmem>>) dst(%dma_wait3A_195 : memref<50000xf32, #tpu.memory_space<vmem_shared>>)
        tpu.yield
      }) : () -> ()
      %dma_start3A_121 = arith.constant 6 : i32
      %dma_start3A_122 = arith.constant 0 : i32
      %dma_start3A_123 = tpu.memref_slice %arg9[%dma_start3A_121, %dma_start3A_122] : memref<10x500xi32, #tpu.memory_space<vmem>> -> memref<1x500xi32, #tpu.memory_space<vmem>>
      %dma_start3A_124 = tpu.memref_squeeze %dma_start3A_123 : memref<1x500xi32, #tpu.memory_space<vmem>> -> memref<500xi32, #tpu.memory_space<vmem>>
      %dma_start3A_125 = arith.constant 0 : i32
      %dma_start3A_126 = arith.constant 0 : i32
      %dma_start3A_127 = tpu.memref_slice %arg2[%dma_start3A_125, %dma_start3A_126] : memref<50000x32xf32, #tpu.memory_space<hbm>> -> memref<50000x32xf32, #tpu.memory_space<hbm>>
      tpu.enqueue_indirect_dma source(%dma_start3A_127 : memref<50000x32xf32, #tpu.memory_space<hbm>>) target(%arg11 : memref<500x32xf32, #tpu.memory_space<vmem>>) offsets(%dma_start3A_124 : memref<500xi32, #tpu.memory_space<vmem>>) semaphore(%arg15 : memref<!tpu.dma_semaphore, #tpu.memory_space<semaphore_mem>>)
      %dma_wait3A_128 = arith.constant 6 : i32
      %dma_wait3A_129 = arith.constant 0 : i32
      %dma_wait3A_130 = tpu.memref_slice %arg9[%dma_wait3A_128, %dma_wait3A_129] : memref<10x500xi32, #tpu.memory_space<vmem>> -> memref<1x500xi32, #tpu.memory_space<vmem>>
      %dma_wait3A_131 = tpu.memref_squeeze %dma_wait3A_130 : memref<1x500xi32, #tpu.memory_space<vmem>> -> memref<500xi32, #tpu.memory_space<vmem>>
      %dma_wait3A_132 = arith.constant 0 : i32
      %dma_wait3A_133 = arith.constant 0 : i32
      %dma_wait3A_134 = tpu.memref_slice %arg2[%dma_wait3A_132, %dma_wait3A_133] : memref<50000x32xf32, #tpu.memory_space<hbm>> -> memref<50000x32xf32, #tpu.memory_space<hbm>>
      tpu.wait_indirect_dma semaphore(%arg15 : memref<!tpu.dma_semaphore, #tpu.memory_space<semaphore_mem>>) src(%dma_wait3A_134 : memref<50000x32xf32, #tpu.memory_space<hbm>>) dst(%arg11 : memref<500x32xf32, #tpu.memory_space<vmem>>)
      %run_scoped3A_135 = arith.constant 6 : i32
      "tpu.region"() ({
        %run_scoped3A_185 = tpu.sem_alloc : memref<!tpu.dma_semaphore, #tpu.memory_space<semaphore_mem>>
        %dma_start3A_186 = arith.constant 0 : i32
        %dma_start3A_187 = tpu.memref_slice %arg10[%run_scoped3A_135, %dma_start3A_186] : memref<10x500xi32, #tpu.memory_space<vmem>> -> memref<1x500xi32, #tpu.memory_space<vmem>>
        %dma_start3A_188 = tpu.memref_squeeze %dma_start3A_187 : memref<1x500xi32, #tpu.memory_space<vmem>> -> memref<500xi32, #tpu.memory_space<vmem>>
        %dma_start3A_189 = arith.constant 0 : i32
        %dma_start3A_190 = arith.constant 0 : i32
        %dma_start3A_191 = tpu.memref_slice %arg13[%dma_start3A_189, %dma_start3A_190] : memref<50000x32xf32, #tpu.memory_space<vmem_shared>> -> memref<50000x32xf32, #tpu.memory_space<vmem_shared>>
        tpu.enqueue_indirect_dma source(%arg11 : memref<500x32xf32, #tpu.memory_space<vmem>>) target(%dma_start3A_191 : memref<50000x32xf32, #tpu.memory_space<vmem_shared>>) offsets(%dma_start3A_188 : memref<500xi32, #tpu.memory_space<vmem>>) semaphore(%run_scoped3A_185 : memref<!tpu.dma_semaphore, #tpu.memory_space<semaphore_mem>>) {add = true}
        %dma_wait3A_192 = arith.constant 0 : i32
        %dma_wait3A_193 = tpu.memref_slice %arg10[%run_scoped3A_135, %dma_wait3A_192] : memref<10x500xi32, #tpu.memory_space<vmem>> -> memref<1x500xi32, #tpu.memory_space<vmem>>
        %dma_wait3A_194 = tpu.memref_squeeze %dma_wait3A_193 : memref<1x500xi32, #tpu.memory_space<vmem>> -> memref<500xi32, #tpu.memory_space<vmem>>
        %dma_wait3A_195 = arith.constant 0 : i32
        %dma_wait3A_196 = arith.constant 0 : i32
        %dma_wait3A_197 = tpu.memref_slice %arg13[%dma_wait3A_195, %dma_wait3A_196] : memref<50000x32xf32, #tpu.memory_space<vmem_shared>> -> memref<50000x32xf32, #tpu.memory_space<vmem_shared>>
        tpu.wait_indirect_dma semaphore(%run_scoped3A_185 : memref<!tpu.dma_semaphore, #tpu.memory_space<semaphore_mem>>) src(%arg11 : memref<500x32xf32, #tpu.memory_space<vmem>>) dst(%dma_wait3A_197 : memref<50000x32xf32, #tpu.memory_space<vmem_shared>>)
        tpu.yield
      }) : () -> ()
      %run_scoped3A_136 = arith.constant 6 : i32
      "tpu.region"() ({
        %run_scoped3A_185 = tpu.sem_alloc : memref<!tpu.dma_semaphore, #tpu.memory_space<semaphore_mem>>
        %dma_start3A_186 = arith.constant 0 : i32
        %dma_start3A_187 = tpu.memref_slice %arg10[%run_scoped3A_136, %dma_start3A_186] : memref<10x500xi32, #tpu.memory_space<vmem>> -> memref<1x500xi32, #tpu.memory_space<vmem>>
        %dma_start3A_188 = tpu.memref_squeeze %dma_start3A_187 : memref<1x500xi32, #tpu.memory_space<vmem>> -> memref<500xi32, #tpu.memory_space<vmem>>
        %dma_start3A_189 = arith.constant 0 : i32
        %dma_start3A_190 = tpu.memref_slice %arg14[%dma_start3A_189] : memref<50000xf32, #tpu.memory_space<vmem_shared>> -> memref<50000xf32, #tpu.memory_space<vmem_shared>>
        tpu.enqueue_indirect_dma source(%arg12 : memref<500xf32, #tpu.memory_space<vmem>>) target(%dma_start3A_190 : memref<50000xf32, #tpu.memory_space<vmem_shared>>) offsets(%dma_start3A_188 : memref<500xi32, #tpu.memory_space<vmem>>) semaphore(%run_scoped3A_185 : memref<!tpu.dma_semaphore, #tpu.memory_space<semaphore_mem>>) {add = true}
        %dma_wait3A_191 = arith.constant 0 : i32
        %dma_wait3A_192 = tpu.memref_slice %arg10[%run_scoped3A_136, %dma_wait3A_191] : memref<10x500xi32, #tpu.memory_space<vmem>> -> memref<1x500xi32, #tpu.memory_space<vmem>>
        %dma_wait3A_193 = tpu.memref_squeeze %dma_wait3A_192 : memref<1x500xi32, #tpu.memory_space<vmem>> -> memref<500xi32, #tpu.memory_space<vmem>>
        %dma_wait3A_194 = arith.constant 0 : i32
        %dma_wait3A_195 = tpu.memref_slice %arg14[%dma_wait3A_194] : memref<50000xf32, #tpu.memory_space<vmem_shared>> -> memref<50000xf32, #tpu.memory_space<vmem_shared>>
        tpu.wait_indirect_dma semaphore(%run_scoped3A_185 : memref<!tpu.dma_semaphore, #tpu.memory_space<semaphore_mem>>) src(%arg12 : memref<500xf32, #tpu.memory_space<vmem>>) dst(%dma_wait3A_195 : memref<50000xf32, #tpu.memory_space<vmem_shared>>)
        tpu.yield
      }) : () -> ()
      %dma_start3A_137 = arith.constant 7 : i32
      %dma_start3A_138 = arith.constant 0 : i32
      %dma_start3A_139 = tpu.memref_slice %arg9[%dma_start3A_137, %dma_start3A_138] : memref<10x500xi32, #tpu.memory_space<vmem>> -> memref<1x500xi32, #tpu.memory_space<vmem>>
      %dma_start3A_140 = tpu.memref_squeeze %dma_start3A_139 : memref<1x500xi32, #tpu.memory_space<vmem>> -> memref<500xi32, #tpu.memory_space<vmem>>
      %dma_start3A_141 = arith.constant 0 : i32
      %dma_start3A_142 = arith.constant 0 : i32
      %dma_start3A_143 = tpu.memref_slice %arg2[%dma_start3A_141, %dma_start3A_142] : memref<50000x32xf32, #tpu.memory_space<hbm>> -> memref<50000x32xf32, #tpu.memory_space<hbm>>
      tpu.enqueue_indirect_dma source(%dma_start3A_143 : memref<50000x32xf32, #tpu.memory_space<hbm>>) target(%arg11 : memref<500x32xf32, #tpu.memory_space<vmem>>) offsets(%dma_start3A_140 : memref<500xi32, #tpu.memory_space<vmem>>) semaphore(%arg15 : memref<!tpu.dma_semaphore, #tpu.memory_space<semaphore_mem>>)
      %dma_wait3A_144 = arith.constant 7 : i32
      %dma_wait3A_145 = arith.constant 0 : i32
      %dma_wait3A_146 = tpu.memref_slice %arg9[%dma_wait3A_144, %dma_wait3A_145] : memref<10x500xi32, #tpu.memory_space<vmem>> -> memref<1x500xi32, #tpu.memory_space<vmem>>
      %dma_wait3A_147 = tpu.memref_squeeze %dma_wait3A_146 : memref<1x500xi32, #tpu.memory_space<vmem>> -> memref<500xi32, #tpu.memory_space<vmem>>
      %dma_wait3A_148 = arith.constant 0 : i32
      %dma_wait3A_149 = arith.constant 0 : i32
      %dma_wait3A_150 = tpu.memref_slice %arg2[%dma_wait3A_148, %dma_wait3A_149] : memref<50000x32xf32, #tpu.memory_space<hbm>> -> memref<50000x32xf32, #tpu.memory_space<hbm>>
      tpu.wait_indirect_dma semaphore(%arg15 : memref<!tpu.dma_semaphore, #tpu.memory_space<semaphore_mem>>) src(%dma_wait3A_150 : memref<50000x32xf32, #tpu.memory_space<hbm>>) dst(%arg11 : memref<500x32xf32, #tpu.memory_space<vmem>>)
      %run_scoped3A_151 = arith.constant 7 : i32
      "tpu.region"() ({
        %run_scoped3A_185 = tpu.sem_alloc : memref<!tpu.dma_semaphore, #tpu.memory_space<semaphore_mem>>
        %dma_start3A_186 = arith.constant 0 : i32
        %dma_start3A_187 = tpu.memref_slice %arg10[%run_scoped3A_151, %dma_start3A_186] : memref<10x500xi32, #tpu.memory_space<vmem>> -> memref<1x500xi32, #tpu.memory_space<vmem>>
        %dma_start3A_188 = tpu.memref_squeeze %dma_start3A_187 : memref<1x500xi32, #tpu.memory_space<vmem>> -> memref<500xi32, #tpu.memory_space<vmem>>
        %dma_start3A_189 = arith.constant 0 : i32
        %dma_start3A_190 = arith.constant 0 : i32
        %dma_start3A_191 = tpu.memref_slice %arg13[%dma_start3A_189, %dma_start3A_190] : memref<50000x32xf32, #tpu.memory_space<vmem_shared>> -> memref<50000x32xf32, #tpu.memory_space<vmem_shared>>
        tpu.enqueue_indirect_dma source(%arg11 : memref<500x32xf32, #tpu.memory_space<vmem>>) target(%dma_start3A_191 : memref<50000x32xf32, #tpu.memory_space<vmem_shared>>) offsets(%dma_start3A_188 : memref<500xi32, #tpu.memory_space<vmem>>) semaphore(%run_scoped3A_185 : memref<!tpu.dma_semaphore, #tpu.memory_space<semaphore_mem>>) {add = true}
        %dma_wait3A_192 = arith.constant 0 : i32
        %dma_wait3A_193 = tpu.memref_slice %arg10[%run_scoped3A_151, %dma_wait3A_192] : memref<10x500xi32, #tpu.memory_space<vmem>> -> memref<1x500xi32, #tpu.memory_space<vmem>>
        %dma_wait3A_194 = tpu.memref_squeeze %dma_wait3A_193 : memref<1x500xi32, #tpu.memory_space<vmem>> -> memref<500xi32, #tpu.memory_space<vmem>>
        %dma_wait3A_195 = arith.constant 0 : i32
        %dma_wait3A_196 = arith.constant 0 : i32
        %dma_wait3A_197 = tpu.memref_slice %arg13[%dma_wait3A_195, %dma_wait3A_196] : memref<50000x32xf32, #tpu.memory_space<vmem_shared>> -> memref<50000x32xf32, #tpu.memory_space<vmem_shared>>
        tpu.wait_indirect_dma semaphore(%run_scoped3A_185 : memref<!tpu.dma_semaphore, #tpu.memory_space<semaphore_mem>>) src(%arg11 : memref<500x32xf32, #tpu.memory_space<vmem>>) dst(%dma_wait3A_197 : memref<50000x32xf32, #tpu.memory_space<vmem_shared>>)
        tpu.yield
      }) : () -> ()
      %run_scoped3A_152 = arith.constant 7 : i32
      "tpu.region"() ({
        %run_scoped3A_185 = tpu.sem_alloc : memref<!tpu.dma_semaphore, #tpu.memory_space<semaphore_mem>>
        %dma_start3A_186 = arith.constant 0 : i32
        %dma_start3A_187 = tpu.memref_slice %arg10[%run_scoped3A_152, %dma_start3A_186] : memref<10x500xi32, #tpu.memory_space<vmem>> -> memref<1x500xi32, #tpu.memory_space<vmem>>
        %dma_start3A_188 = tpu.memref_squeeze %dma_start3A_187 : memref<1x500xi32, #tpu.memory_space<vmem>> -> memref<500xi32, #tpu.memory_space<vmem>>
        %dma_start3A_189 = arith.constant 0 : i32
        %dma_start3A_190 = tpu.memref_slice %arg14[%dma_start3A_189] : memref<50000xf32, #tpu.memory_space<vmem_shared>> -> memref<50000xf32, #tpu.memory_space<vmem_shared>>
        tpu.enqueue_indirect_dma source(%arg12 : memref<500xf32, #tpu.memory_space<vmem>>) target(%dma_start3A_190 : memref<50000xf32, #tpu.memory_space<vmem_shared>>) offsets(%dma_start3A_188 : memref<500xi32, #tpu.memory_space<vmem>>) semaphore(%run_scoped3A_185 : memref<!tpu.dma_semaphore, #tpu.memory_space<semaphore_mem>>) {add = true}
        %dma_wait3A_191 = arith.constant 0 : i32
        %dma_wait3A_192 = tpu.memref_slice %arg10[%run_scoped3A_152, %dma_wait3A_191] : memref<10x500xi32, #tpu.memory_space<vmem>> -> memref<1x500xi32, #tpu.memory_space<vmem>>
        %dma_wait3A_193 = tpu.memref_squeeze %dma_wait3A_192 : memref<1x500xi32, #tpu.memory_space<vmem>> -> memref<500xi32, #tpu.memory_space<vmem>>
        %dma_wait3A_194 = arith.constant 0 : i32
        %dma_wait3A_195 = tpu.memref_slice %arg14[%dma_wait3A_194] : memref<50000xf32, #tpu.memory_space<vmem_shared>> -> memref<50000xf32, #tpu.memory_space<vmem_shared>>
        tpu.wait_indirect_dma semaphore(%run_scoped3A_185 : memref<!tpu.dma_semaphore, #tpu.memory_space<semaphore_mem>>) src(%arg12 : memref<500xf32, #tpu.memory_space<vmem>>) dst(%dma_wait3A_195 : memref<50000xf32, #tpu.memory_space<vmem_shared>>)
        tpu.yield
      }) : () -> ()
      %dma_start3A_153 = arith.constant 8 : i32
      %dma_start3A_154 = arith.constant 0 : i32
      %dma_start3A_155 = tpu.memref_slice %arg9[%dma_start3A_153, %dma_start3A_154] : memref<10x500xi32, #tpu.memory_space<vmem>> -> memref<1x500xi32, #tpu.memory_space<vmem>>
      %dma_start3A_156 = tpu.memref_squeeze %dma_start3A_155 : memref<1x500xi32, #tpu.memory_space<vmem>> -> memref<500xi32, #tpu.memory_space<vmem>>
      %dma_start3A_157 = arith.constant 0 : i32
      %dma_start3A_158 = arith.constant 0 : i32
      %dma_start3A_159 = tpu.memref_slice %arg2[%dma_start3A_157, %dma_start3A_158] : memref<50000x32xf32, #tpu.memory_space<hbm>> -> memref<50000x32xf32, #tpu.memory_space<hbm>>
      tpu.enqueue_indirect_dma source(%dma_start3A_159 : memref<50000x32xf32, #tpu.memory_space<hbm>>) target(%arg11 : memref<500x32xf32, #tpu.memory_space<vmem>>) offsets(%dma_start3A_156 : memref<500xi32, #tpu.memory_space<vmem>>) semaphore(%arg15 : memref<!tpu.dma_semaphore, #tpu.memory_space<semaphore_mem>>)
      %dma_wait3A_160 = arith.constant 8 : i32
      %dma_wait3A_161 = arith.constant 0 : i32
      %dma_wait3A_162 = tpu.memref_slice %arg9[%dma_wait3A_160, %dma_wait3A_161] : memref<10x500xi32, #tpu.memory_space<vmem>> -> memref<1x500xi32, #tpu.memory_space<vmem>>
      %dma_wait3A_163 = tpu.memref_squeeze %dma_wait3A_162 : memref<1x500xi32, #tpu.memory_space<vmem>> -> memref<500xi32, #tpu.memory_space<vmem>>
      %dma_wait3A_164 = arith.constant 0 : i32
      %dma_wait3A_165 = arith.constant 0 : i32
      %dma_wait3A_166 = tpu.memref_slice %arg2[%dma_wait3A_164, %dma_wait3A_165] : memref<50000x32xf32, #tpu.memory_space<hbm>> -> memref<50000x32xf32, #tpu.memory_space<hbm>>
      tpu.wait_indirect_dma semaphore(%arg15 : memref<!tpu.dma_semaphore, #tpu.memory_space<semaphore_mem>>) src(%dma_wait3A_166 : memref<50000x32xf32, #tpu.memory_space<hbm>>) dst(%arg11 : memref<500x32xf32, #tpu.memory_space<vmem>>)
      %run_scoped3A_167 = arith.constant 8 : i32
      "tpu.region"() ({
        %run_scoped3A_185 = tpu.sem_alloc : memref<!tpu.dma_semaphore, #tpu.memory_space<semaphore_mem>>
        %dma_start3A_186 = arith.constant 0 : i32
        %dma_start3A_187 = tpu.memref_slice %arg10[%run_scoped3A_167, %dma_start3A_186] : memref<10x500xi32, #tpu.memory_space<vmem>> -> memref<1x500xi32, #tpu.memory_space<vmem>>
        %dma_start3A_188 = tpu.memref_squeeze %dma_start3A_187 : memref<1x500xi32, #tpu.memory_space<vmem>> -> memref<500xi32, #tpu.memory_space<vmem>>
        %dma_start3A_189 = arith.constant 0 : i32
        %dma_start3A_190 = arith.constant 0 : i32
        %dma_start3A_191 = tpu.memref_slice %arg13[%dma_start3A_189, %dma_start3A_190] : memref<50000x32xf32, #tpu.memory_space<vmem_shared>> -> memref<50000x32xf32, #tpu.memory_space<vmem_shared>>
        tpu.enqueue_indirect_dma source(%arg11 : memref<500x32xf32, #tpu.memory_space<vmem>>) target(%dma_start3A_191 : memref<50000x32xf32, #tpu.memory_space<vmem_shared>>) offsets(%dma_start3A_188 : memref<500xi32, #tpu.memory_space<vmem>>) semaphore(%run_scoped3A_185 : memref<!tpu.dma_semaphore, #tpu.memory_space<semaphore_mem>>) {add = true}
        %dma_wait3A_192 = arith.constant 0 : i32
        %dma_wait3A_193 = tpu.memref_slice %arg10[%run_scoped3A_167, %dma_wait3A_192] : memref<10x500xi32, #tpu.memory_space<vmem>> -> memref<1x500xi32, #tpu.memory_space<vmem>>
        %dma_wait3A_194 = tpu.memref_squeeze %dma_wait3A_193 : memref<1x500xi32, #tpu.memory_space<vmem>> -> memref<500xi32, #tpu.memory_space<vmem>>
        %dma_wait3A_195 = arith.constant 0 : i32
        %dma_wait3A_196 = arith.constant 0 : i32
        %dma_wait3A_197 = tpu.memref_slice %arg13[%dma_wait3A_195, %dma_wait3A_196] : memref<50000x32xf32, #tpu.memory_space<vmem_shared>> -> memref<50000x32xf32, #tpu.memory_space<vmem_shared>>
        tpu.wait_indirect_dma semaphore(%run_scoped3A_185 : memref<!tpu.dma_semaphore, #tpu.memory_space<semaphore_mem>>) src(%arg11 : memref<500x32xf32, #tpu.memory_space<vmem>>) dst(%dma_wait3A_197 : memref<50000x32xf32, #tpu.memory_space<vmem_shared>>)
        tpu.yield
      }) : () -> ()
      %run_scoped3A_168 = arith.constant 8 : i32
      "tpu.region"() ({
        %run_scoped3A_185 = tpu.sem_alloc : memref<!tpu.dma_semaphore, #tpu.memory_space<semaphore_mem>>
        %dma_start3A_186 = arith.constant 0 : i32
        %dma_start3A_187 = tpu.memref_slice %arg10[%run_scoped3A_168, %dma_start3A_186] : memref<10x500xi32, #tpu.memory_space<vmem>> -> memref<1x500xi32, #tpu.memory_space<vmem>>
        %dma_start3A_188 = tpu.memref_squeeze %dma_start3A_187 : memref<1x500xi32, #tpu.memory_space<vmem>> -> memref<500xi32, #tpu.memory_space<vmem>>
        %dma_start3A_189 = arith.constant 0 : i32
        %dma_start3A_190 = tpu.memref_slice %arg14[%dma_start3A_189] : memref<50000xf32, #tpu.memory_space<vmem_shared>> -> memref<50000xf32, #tpu.memory_space<vmem_shared>>
        tpu.enqueue_indirect_dma source(%arg12 : memref<500xf32, #tpu.memory_space<vmem>>) target(%dma_start3A_190 : memref<50000xf32, #tpu.memory_space<vmem_shared>>) offsets(%dma_start3A_188 : memref<500xi32, #tpu.memory_space<vmem>>) semaphore(%run_scoped3A_185 : memref<!tpu.dma_semaphore, #tpu.memory_space<semaphore_mem>>) {add = true}
        %dma_wait3A_191 = arith.constant 0 : i32
        %dma_wait3A_192 = tpu.memref_slice %arg10[%run_scoped3A_168, %dma_wait3A_191] : memref<10x500xi32, #tpu.memory_space<vmem>> -> memref<1x500xi32, #tpu.memory_space<vmem>>
        %dma_wait3A_193 = tpu.memref_squeeze %dma_wait3A_192 : memref<1x500xi32, #tpu.memory_space<vmem>> -> memref<500xi32, #tpu.memory_space<vmem>>
        %dma_wait3A_194 = arith.constant 0 : i32
        %dma_wait3A_195 = tpu.memref_slice %arg14[%dma_wait3A_194] : memref<50000xf32, #tpu.memory_space<vmem_shared>> -> memref<50000xf32, #tpu.memory_space<vmem_shared>>
        tpu.wait_indirect_dma semaphore(%run_scoped3A_185 : memref<!tpu.dma_semaphore, #tpu.memory_space<semaphore_mem>>) src(%arg12 : memref<500xf32, #tpu.memory_space<vmem>>) dst(%dma_wait3A_195 : memref<50000xf32, #tpu.memory_space<vmem_shared>>)
        tpu.yield
      }) : () -> ()
      %dma_start3A_169 = arith.constant 9 : i32
      %dma_start3A_170 = arith.constant 0 : i32
      %dma_start3A_171 = tpu.memref_slice %arg9[%dma_start3A_169, %dma_start3A_170] : memref<10x500xi32, #tpu.memory_space<vmem>> -> memref<1x500xi32, #tpu.memory_space<vmem>>
      %dma_start3A_172 = tpu.memref_squeeze %dma_start3A_171 : memref<1x500xi32, #tpu.memory_space<vmem>> -> memref<500xi32, #tpu.memory_space<vmem>>
      %dma_start3A_173 = arith.constant 0 : i32
      %dma_start3A_174 = arith.constant 0 : i32
      %dma_start3A_175 = tpu.memref_slice %arg2[%dma_start3A_173, %dma_start3A_174] : memref<50000x32xf32, #tpu.memory_space<hbm>> -> memref<50000x32xf32, #tpu.memory_space<hbm>>
      tpu.enqueue_indirect_dma source(%dma_start3A_175 : memref<50000x32xf32, #tpu.memory_space<hbm>>) target(%arg11 : memref<500x32xf32, #tpu.memory_space<vmem>>) offsets(%dma_start3A_172 : memref<500xi32, #tpu.memory_space<vmem>>) semaphore(%arg15 : memref<!tpu.dma_semaphore, #tpu.memory_space<semaphore_mem>>)
      %dma_wait3A_176 = arith.constant 9 : i32
      %dma_wait3A_177 = arith.constant 0 : i32
      %dma_wait3A_178 = tpu.memref_slice %arg9[%dma_wait3A_176, %dma_wait3A_177] : memref<10x500xi32, #tpu.memory_space<vmem>> -> memref<1x500xi32, #tpu.memory_space<vmem>>
      %dma_wait3A_179 = tpu.memref_squeeze %dma_wait3A_178 : memref<1x500xi32, #tpu.memory_space<vmem>> -> memref<500xi32, #tpu.memory_space<vmem>>
      %dma_wait3A_180 = arith.constant 0 : i32
      %dma_wait3A_181 = arith.constant 0 : i32
      %dma_wait3A_182 = tpu.memref_slice %arg2[%dma_wait3A_180, %dma_wait3A_181] : memref<50000x32xf32, #tpu.memory_space<hbm>> -> memref<50000x32xf32, #tpu.memory_space<hbm>>
      tpu.wait_indirect_dma semaphore(%arg15 : memref<!tpu.dma_semaphore, #tpu.memory_space<semaphore_mem>>) src(%dma_wait3A_182 : memref<50000x32xf32, #tpu.memory_space<hbm>>) dst(%arg11 : memref<500x32xf32, #tpu.memory_space<vmem>>)
      %run_scoped3A_183 = arith.constant 9 : i32
      "tpu.region"() ({
        %run_scoped3A_185 = tpu.sem_alloc : memref<!tpu.dma_semaphore, #tpu.memory_space<semaphore_mem>>
        %dma_start3A_186 = arith.constant 0 : i32
        %dma_start3A_187 = tpu.memref_slice %arg10[%run_scoped3A_183, %dma_start3A_186] : memref<10x500xi32, #tpu.memory_space<vmem>> -> memref<1x500xi32, #tpu.memory_space<vmem>>
        %dma_start3A_188 = tpu.memref_squeeze %dma_start3A_187 : memref<1x500xi32, #tpu.memory_space<vmem>> -> memref<500xi32, #tpu.memory_space<vmem>>
        %dma_start3A_189 = arith.constant 0 : i32
        %dma_start3A_190 = arith.constant 0 : i32
        %dma_start3A_191 = tpu.memref_slice %arg13[%dma_start3A_189, %dma_start3A_190] : memref<50000x32xf32, #tpu.memory_space<vmem_shared>> -> memref<50000x32xf32, #tpu.memory_space<vmem_shared>>
        tpu.enqueue_indirect_dma source(%arg11 : memref<500x32xf32, #tpu.memory_space<vmem>>) target(%dma_start3A_191 : memref<50000x32xf32, #tpu.memory_space<vmem_shared>>) offsets(%dma_start3A_188 : memref<500xi32, #tpu.memory_space<vmem>>) semaphore(%run_scoped3A_185 : memref<!tpu.dma_semaphore, #tpu.memory_space<semaphore_mem>>) {add = true}
        %dma_wait3A_192 = arith.constant 0 : i32
        %dma_wait3A_193 = tpu.memref_slice %arg10[%run_scoped3A_183, %dma_wait3A_192] : memref<10x500xi32, #tpu.memory_space<vmem>> -> memref<1x500xi32, #tpu.memory_space<vmem>>
        %dma_wait3A_194 = tpu.memref_squeeze %dma_wait3A_193 : memref<1x500xi32, #tpu.memory_space<vmem>> -> memref<500xi32, #tpu.memory_space<vmem>>
        %dma_wait3A_195 = arith.constant 0 : i32
        %dma_wait3A_196 = arith.constant 0 : i32
        %dma_wait3A_197 = tpu.memref_slice %arg13[%dma_wait3A_195, %dma_wait3A_196] : memref<50000x32xf32, #tpu.memory_space<vmem_shared>> -> memref<50000x32xf32, #tpu.memory_space<vmem_shared>>
        tpu.wait_indirect_dma semaphore(%run_scoped3A_185 : memref<!tpu.dma_semaphore, #tpu.memory_space<semaphore_mem>>) src(%arg11 : memref<500x32xf32, #tpu.memory_space<vmem>>) dst(%dma_wait3A_197 : memref<50000x32xf32, #tpu.memory_space<vmem_shared>>)
        tpu.yield
      }) : () -> ()
      %run_scoped3A_184 = arith.constant 9 : i32
      "tpu.region"() ({
        %run_scoped3A_185 = tpu.sem_alloc : memref<!tpu.dma_semaphore, #tpu.memory_space<semaphore_mem>>
        %dma_start3A_186 = arith.constant 0 : i32
        %dma_start3A_187 = tpu.memref_slice %arg10[%run_scoped3A_184, %dma_start3A_186] : memref<10x500xi32, #tpu.memory_space<vmem>> -> memref<1x500xi32, #tpu.memory_space<vmem>>
        %dma_start3A_188 = tpu.memref_squeeze %dma_start3A_187 : memref<1x500xi32, #tpu.memory_space<vmem>> -> memref<500xi32, #tpu.memory_space<vmem>>
        %dma_start3A_189 = arith.constant 0 : i32
        %dma_start3A_190 = tpu.memref_slice %arg14[%dma_start3A_189] : memref<50000xf32, #tpu.memory_space<vmem_shared>> -> memref<50000xf32, #tpu.memory_space<vmem_shared>>
        tpu.enqueue_indirect_dma source(%arg12 : memref<500xf32, #tpu.memory_space<vmem>>) target(%dma_start3A_190 : memref<50000xf32, #tpu.memory_space<vmem_shared>>) offsets(%dma_start3A_188 : memref<500xi32, #tpu.memory_space<vmem>>) semaphore(%run_scoped3A_185 : memref<!tpu.dma_semaphore, #tpu.memory_space<semaphore_mem>>) {add = true}
        %dma_wait3A_191 = arith.constant 0 : i32
        %dma_wait3A_192 = tpu.memref_slice %arg10[%run_scoped3A_184, %dma_wait3A_191] : memref<10x500xi32, #tpu.memory_space<vmem>> -> memref<1x500xi32, #tpu.memory_space<vmem>>
        %dma_wait3A_193 = tpu.memref_squeeze %dma_wait3A_192 : memref<1x500xi32, #tpu.memory_space<vmem>> -> memref<500xi32, #tpu.memory_space<vmem>>
        %dma_wait3A_194 = arith.constant 0 : i32
        %dma_wait3A_195 = tpu.memref_slice %arg14[%dma_wait3A_194] : memref<50000xf32, #tpu.memory_space<vmem_shared>> -> memref<50000xf32, #tpu.memory_space<vmem_shared>>
        tpu.wait_indirect_dma semaphore(%run_scoped3A_185 : memref<!tpu.dma_semaphore, #tpu.memory_space<semaphore_mem>>) src(%arg12 : memref<500xf32, #tpu.memory_space<vmem>>) dst(%dma_wait3A_195 : memref<50000xf32, #tpu.memory_space<vmem_shared>>)
        tpu.yield
      }) : () -> ()
    }
    %scan3A_9 = arith.constant 5 : i32
    %barrier3A_10 = arith.constant 0 : index
    tpu.barrier barrier_id(%barrier3A_10)
    "tpu.region"() ({
      %run_scoped3A = tpu.sem_alloc : memref<!tpu.dma_semaphore, #tpu.memory_space<semaphore_mem>>
      %dma_start3A = arith.constant 0 : i32
      %dma_start3A_16 = tpu.memref_slice %arg7[%arg0, %min3A_3, %dma_start3A] : memref<2x50000x32xf32, #tpu.memory_space<hbm>> -> memref<1x3128x32xf32, #tpu.memory_space<hbm>>
      %dma_start3A_17 = tpu.memref_squeeze %dma_start3A_16 : memref<1x3128x32xf32, #tpu.memory_space<hbm>> -> memref<3128x32xf32, #tpu.memory_space<hbm>>
      %dma_start3A_18 = arith.constant 0 : i32
      %dma_start3A_19 = tpu.memref_slice %arg13[%min3A_3, %dma_start3A_18] : memref<50000x32xf32, #tpu.memory_space<vmem_shared>> -> memref<3128x32xf32, #tpu.memory_space<vmem_shared>>
      tpu.enqueue_dma source(%dma_start3A_19 : memref<3128x32xf32, #tpu.memory_space<vmem_shared>>) target(%dma_start3A_17 : memref<3128x32xf32, #tpu.memory_space<hbm>>) target_semaphore(%run_scoped3A : memref<!tpu.dma_semaphore, #tpu.memory_space<semaphore_mem>>)
      %dma_wait3A = arith.constant 0 : i32
      %dma_wait3A_20 = tpu.memref_slice %arg7[%arg0, %min3A_3, %dma_wait3A] : memref<2x50000x32xf32, #tpu.memory_space<hbm>> -> memref<1x3128x32xf32, #tpu.memory_space<hbm>>
      %dma_wait3A_21 = tpu.memref_squeeze %dma_wait3A_20 : memref<1x3128x32xf32, #tpu.memory_space<hbm>> -> memref<3128x32xf32, #tpu.memory_space<hbm>>
      %dma_wait3A_22 = arith.constant 0 : i32
      %dma_wait3A_23 = tpu.memref_slice %arg13[%min3A_3, %dma_wait3A_22] : memref<50000x32xf32, #tpu.memory_space<vmem_shared>> -> memref<3128x32xf32, #tpu.memory_space<vmem_shared>>
      tpu.wait_dma2 semaphore(%run_scoped3A : memref<!tpu.dma_semaphore, #tpu.memory_space<semaphore_mem>>) src(%dma_wait3A_23 : memref<3128x32xf32, #tpu.memory_space<vmem_shared>>) dst(%dma_wait3A_21 : memref<3128x32xf32, #tpu.memory_space<hbm>>)
      tpu.yield
    }) : () -> ()
    %eq3A_11 = arith.constant 0 : i32
    %eq3A_12 = arith.cmpi eq, %arg1, %eq3A_11 : i32
    %convert_element_type3A_13 = arith.extui %eq3A_12 : i1 to i32
    %cond3A_14 = arith.constant 0 : i32
    %cond3A_15 = arith.cmpi ne, %convert_element_type3A_13, %cond3A_14 : i32
    scf.if %cond3A_15 {
      "tpu.region"() ({
        %run_scoped3A = tpu.sem_alloc : memref<!tpu.dma_semaphore, #tpu.memory_space<semaphore_mem>>
        %dma_start3A = arith.constant 0 : i32
        %dma_start3A_16 = tpu.memref_slice %arg8[%arg0, %dma_start3A] : memref<2x50000xf32, #tpu.memory_space<hbm>> -> memref<1x50000xf32, #tpu.memory_space<hbm>>
        %dma_start3A_17 = tpu.memref_squeeze %dma_start3A_16 : memref<1x50000xf32, #tpu.memory_space<hbm>> -> memref<50000xf32, #tpu.memory_space<hbm>>
        tpu.enqueue_dma source(%arg14 : memref<50000xf32, #tpu.memory_space<vmem_shared>>) target(%dma_start3A_17 : memref<50000xf32, #tpu.memory_space<hbm>>) target_semaphore(%run_scoped3A : memref<!tpu.dma_semaphore, #tpu.memory_space<semaphore_mem>>)
        %dma_wait3A = arith.constant 0 : i32
        %dma_wait3A_18 = tpu.memref_slice %arg8[%arg0, %dma_wait3A] : memref<2x50000xf32, #tpu.memory_space<hbm>> -> memref<1x50000xf32, #tpu.memory_space<hbm>>
        %dma_wait3A_19 = tpu.memref_squeeze %dma_wait3A_18 : memref<1x50000xf32, #tpu.memory_space<hbm>> -> memref<50000xf32, #tpu.memory_space<hbm>>
        tpu.wait_dma2 semaphore(%run_scoped3A : memref<!tpu.dma_semaphore, #tpu.memory_space<semaphore_mem>>) src(%arg14 : memref<50000xf32, #tpu.memory_space<vmem_shared>>) dst(%dma_wait3A_19 : memref<50000xf32, #tpu.memory_space<hbm>>)
        tpu.yield
      }) : () -> ()
    } else {
    }
    return
  }
}

module attributes {stable_mosaic.version = 14 : i64} {
  func.func @_proj1_body(%arg0: i32, %arg1: memref<1000x100xf32, #tpu.memory_space<vmem>>, %arg2: memref<100x32xf32, #tpu.memory_space<vmem>>, %arg3: memref<100x32xf32, #tpu.memory_space<vmem>>, %arg4: memref<1000x32xf32, #tpu.memory_space<vmem>>, %arg5: memref<1000x32xf32, #tpu.memory_space<vmem>>) attributes {dimension_semantics = [#tpu.dimension_semantics<arbitrary>], iteration_bounds = array<i64: 50>, scalar_prefetch = 0 : i64, scratch_operands = 0 : i64, tpu.core_type = #tpu.core_type<tc>, window_params = [{transform_indices = @transform_0, window_bounds = array<i64: 1000, 100>}, {pipeline_mode = #tpu.pipeline_mode<synchronous>, transform_indices = @transform_1, window_bounds = array<i64: 100, 32>}, {pipeline_mode = #tpu.pipeline_mode<synchronous>, transform_indices = @transform_2, window_bounds = array<i64: 100, 32>}, {transform_indices = @transform_3, window_bounds = array<i64: 1000, 32>}, {transform_indices = @transform_4, window_bounds = array<i64: 1000, 32>}]} {
    %get3A = arith.constant 0 : index
    %get3A_0 = arith.constant 0 : index
    %get3A_1 = vector.load %arg1[%get3A, %get3A_0] : memref<1000x100xf32, #tpu.memory_space<vmem>>, vector<1000x100xf32>
    %get3A_2 = arith.constant 0 : index
    %get3A_3 = arith.constant 0 : index
    %get3A_4 = vector.load %arg2[%get3A_2, %get3A_3] : memref<100x32xf32, #tpu.memory_space<vmem>>, vector<100x32xf32>
    %dot_general3A = arith.constant dense<0.000000e+00> : vector<1000x32xf32>
    %dot_general3A_5 = tpu.matmul %get3A_1, %get3A_4, %dot_general3A {dimension_numbers = #tpu.dot_dimension_numbers<[1], [0], [0], [1], [0, 0, 1, 1], [], []>, transpose_lhs_hint = false} : vector<1000x100xf32>, vector<100x32xf32>, vector<1000x32xf32> -> vector<1000x32xf32>
    %swap3A = arith.constant 0 : index
    %swap3A_6 = arith.constant 0 : index
    %swap3A_7 = vector.load %arg4[%swap3A, %swap3A_6] : memref<1000x32xf32, #tpu.memory_space<vmem>>, vector<1000x32xf32>
    tpu.vector_store %arg4[%swap3A, %swap3A_6], %dot_general3A_5 {strides = array<i32>} : memref<1000x32xf32, #tpu.memory_space<vmem>>, vector<1000x32xf32>,
    %get3A_8 = arith.constant 0 : index
    %get3A_9 = arith.constant 0 : index
    %get3A_10 = vector.load %arg3[%get3A_8, %get3A_9] : memref<100x32xf32, #tpu.memory_space<vmem>>, vector<100x32xf32>
    %dot_general3A_11 = arith.constant dense<0.000000e+00> : vector<1000x32xf32>
    %dot_general3A_12 = tpu.matmul %get3A_1, %get3A_10, %dot_general3A_11 {dimension_numbers = #tpu.dot_dimension_numbers<[1], [0], [0], [1], [0, 0, 1, 1], [], []>, transpose_lhs_hint = false} : vector<1000x100xf32>, vector<100x32xf32>, vector<1000x32xf32> -> vector<1000x32xf32>
    %swap3A_13 = arith.constant 0 : index
    %swap3A_14 = arith.constant 0 : index
    %swap3A_15 = vector.load %arg5[%swap3A_13, %swap3A_14] : memref<1000x32xf32, #tpu.memory_space<vmem>>, vector<1000x32xf32>
    tpu.vector_store %arg5[%swap3A_13, %swap3A_14], %dot_general3A_12 {strides = array<i32>} : memref<1000x32xf32, #tpu.memory_space<vmem>>, vector<1000x32xf32>,
    return
  }
  func.func @transform_0(%arg0: i32) -> (i32, i32) {
    %c0_i32 = arith.constant 0 : i32
    %c0_i32_0 = arith.constant 0 : i32
    return %arg0, %c0_i32 : i32, i32
  }
  func.func @transform_1(%arg0: i32) -> (i32, i32) {
    %c0_i32 = arith.constant 0 : i32
    %c0_i32_0 = arith.constant 0 : i32
    %c0_i32_1 = arith.constant 0 : i32
    return %c0_i32, %c0_i32_0 : i32, i32
  }
  func.func @transform_2(%arg0: i32) -> (i32, i32) {
    %c0_i32 = arith.constant 0 : i32
    %c0_i32_0 = arith.constant 0 : i32
    %c0_i32_1 = arith.constant 0 : i32
    return %c0_i32, %c0_i32_0 : i32, i32
  }
  func.func @transform_3(%arg0: i32) -> (i32, i32) {
    %c0_i32 = arith.constant 0 : i32
    %c0_i32_0 = arith.constant 0 : i32
    return %arg0, %c0_i32 : i32, i32
  }
  func.func @transform_4(%arg0: i32) -> (i32, i32) {
    %c0_i32 = arith.constant 0 : i32
    %c0_i32_0 = arith.constant 0 : i32
    return %arg0, %c0_i32 : i32, i32
  }
}

module attributes {stable_mosaic.version = 14 : i64} {
  func.func @_mid_body(%arg0: i32, %arg1: memref<2x1000x32xf32, #tpu.memory_space<vmem>>, %arg2: memref<2x1000x1xf32, #tpu.memory_space<vmem>>, %arg3: memref<1000x32xf32, #tpu.memory_space<vmem>>, %arg4: memref<1x32xf32, #tpu.memory_space<vmem>>, %arg5: memref<32x16xf32, #tpu.memory_space<vmem>>, %arg6: memref<32x16xf32, #tpu.memory_space<vmem>>, %arg7: memref<1x16xf32, #tpu.memory_space<vmem>>, %arg8: memref<1000x16xf32, #tpu.memory_space<vmem>>, %arg9: memref<1000x16xf32, #tpu.memory_space<vmem>>, %arg10: memref<1000x1xf32, #tpu.memory_space<vmem>>) attributes {dimension_semantics = [#tpu.dimension_semantics<arbitrary>], iteration_bounds = array<i64: 50>, scalar_prefetch = 0 : i64, scratch_operands = 0 : i64, tpu.core_type = #tpu.core_type<tc>, window_params = [{transform_indices = @transform_0, window_bounds = array<i64: 2, 1000, 32>}, {transform_indices = @transform_1, window_bounds = array<i64: 2, 1000, 1>}, {transform_indices = @transform_2, window_bounds = array<i64: 1000, 32>}, {pipeline_mode = #tpu.pipeline_mode<synchronous>, transform_indices = @transform_3, window_bounds = array<i64: 1, 32>}, {pipeline_mode = #tpu.pipeline_mode<synchronous>, transform_indices = @transform_4, window_bounds = array<i64: 32, 16>}, {pipeline_mode = #tpu.pipeline_mode<synchronous>, transform_indices = @transform_5, window_bounds = array<i64: 32, 16>}, {pipeline_mode = #tpu.pipeline_mode<synchronous>, transform_indices = @transform_6, window_bounds = array<i64: 1, 16>}, {transform_indices = @transform_7, window_bounds = array<i64: 1000, 16>}, {transform_indices = @transform_8, window_bounds = array<i64: 1000, 16>}, {transform_indices = @transform_9, window_bounds = array<i64: 1000, 1>}]} {
    %get3A = arith.constant 0 : index
    %get3A_0 = arith.constant 0 : index
    %get3A_1 = arith.constant 0 : index
    %get3A_2 = vector.load %arg1[%get3A, %get3A_0, %get3A_1] : memref<2x1000x32xf32, #tpu.memory_space<vmem>>, vector<1x1000x32xf32>
    %get3A_3 = vector.shape_cast %get3A_2 : vector<1x1000x32xf32> to vector<1000x32xf32>
    %get3A_4 = arith.constant 1 : index
    %get3A_5 = arith.constant 0 : index
    %get3A_6 = arith.constant 0 : index
    %get3A_7 = vector.load %arg1[%get3A_4, %get3A_5, %get3A_6] : memref<2x1000x32xf32, #tpu.memory_space<vmem>>, vector<1x1000x32xf32>
    %get3A_8 = vector.shape_cast %get3A_7 : vector<1x1000x32xf32> to vector<1000x32xf32>
    %add3A = arith.addf %get3A_3, %get3A_8 : vector<1000x32xf32>
    %get3A_9 = arith.constant 0 : index
    %get3A_10 = arith.constant 0 : index
    %get3A_11 = arith.constant 0 : index
    %get3A_12 = vector.load %arg2[%get3A_9, %get3A_10, %get3A_11] : memref<2x1000x1xf32, #tpu.memory_space<vmem>>, vector<1x1000x1xf32>
    %get3A_13 = vector.shape_cast %get3A_12 : vector<1x1000x1xf32> to vector<1000x1xf32>
    %get3A_14 = arith.constant 1 : index
    %get3A_15 = arith.constant 0 : index
    %get3A_16 = arith.constant 0 : index
    %get3A_17 = vector.load %arg2[%get3A_14, %get3A_15, %get3A_16] : memref<2x1000x1xf32, #tpu.memory_space<vmem>>, vector<1x1000x1xf32>
    %get3A_18 = vector.shape_cast %get3A_17 : vector<1x1000x1xf32> to vector<1000x1xf32>
    %add3A_19 = arith.addf %get3A_13, %get3A_18 : vector<1000x1xf32>
    %max3A = arith.constant 1.000000e+00 : f32
    %max3A_20 = vector.broadcast %max3A : f32 to vector<1000x1xf32>
    %max3A_21 = arith.maximumf %add3A_19, %max3A_20 : vector<1000x1xf32>
    %div3A = arith.constant 1.000000e+00 : f32
    %div3A_22 = vector.broadcast %div3A : f32 to vector<1000x1xf32>
    %div3A_23 = arith.divf %div3A_22, %max3A_21 : vector<1000x1xf32>
    %mul3A = vector.broadcast %div3A_23 : vector<1000x1xf32> to vector<1000x32xf32>
    %mul3A_24 = arith.mulf %add3A, %mul3A : vector<1000x32xf32>
    %get3A_25 = arith.constant 0 : index
    %get3A_26 = arith.constant 0 : index
    %get3A_27 = vector.load %arg4[%get3A_25, %get3A_26] : memref<1x32xf32, #tpu.memory_space<vmem>>, vector<1x32xf32>
    %add3A_28 = vector.broadcast %get3A_27 : vector<1x32xf32> to vector<1000x32xf32>
    %add3A_29 = arith.addf %mul3A_24, %add3A_28 : vector<1000x32xf32>
    %get3A_30 = arith.constant 0 : index
    %get3A_31 = arith.constant 0 : index
    %get3A_32 = vector.load %arg3[%get3A_30, %get3A_31] : memref<1000x32xf32, #tpu.memory_space<vmem>>, vector<1000x32xf32>
    %add3A_33 = arith.addf %add3A_29, %get3A_32 : vector<1000x32xf32>
    %max3A_34 = arith.constant 0.000000e+00 : f32
    %max3A_35 = vector.broadcast %max3A_34 : f32 to vector<1000x32xf32>
    %max3A_36 = arith.maximumf %add3A_33, %max3A_35 : vector<1000x32xf32>
    %get3A_37 = arith.constant 0 : index
    %get3A_38 = arith.constant 0 : index
    %get3A_39 = vector.load %arg5[%get3A_37, %get3A_38] : memref<32x16xf32, #tpu.memory_space<vmem>>, vector<32x16xf32>
    %dot_general3A = arith.constant dense<0.000000e+00> : vector<1000x16xf32>
    %dot_general3A_40 = tpu.matmul %max3A_36, %get3A_39, %dot_general3A {dimension_numbers = #tpu.dot_dimension_numbers<[1], [0], [0], [1], [0, 0, 1, 1], [], []>, transpose_lhs_hint = false} : vector<1000x32xf32>, vector<32x16xf32>, vector<1000x16xf32> -> vector<1000x16xf32>
    %swap3A = arith.constant 0 : index
    %swap3A_41 = arith.constant 0 : index
    %swap3A_42 = vector.load %arg8[%swap3A, %swap3A_41] : memref<1000x16xf32, #tpu.memory_space<vmem>>, vector<1000x16xf32>
    tpu.vector_store %arg8[%swap3A, %swap3A_41], %dot_general3A_40 {strides = array<i32>} : memref<1000x16xf32, #tpu.memory_space<vmem>>, vector<1000x16xf32>,
    %get3A_43 = arith.constant 0 : index
    %get3A_44 = arith.constant 0 : index
    %get3A_45 = vector.load %arg6[%get3A_43, %get3A_44] : memref<32x16xf32, #tpu.memory_space<vmem>>, vector<32x16xf32>
    %dot_general3A_46 = arith.constant dense<0.000000e+00> : vector<1000x16xf32>
    %dot_general3A_47 = tpu.matmul %max3A_36, %get3A_45, %dot_general3A_46 {dimension_numbers = #tpu.dot_dimension_numbers<[1], [0], [0], [1], [0, 0, 1, 1], [], []>, transpose_lhs_hint = false} : vector<1000x32xf32>, vector<32x16xf32>, vector<1000x16xf32> -> vector<1000x16xf32>
    %get3A_48 = arith.constant 0 : index
    %get3A_49 = arith.constant 0 : index
    %get3A_50 = vector.load %arg7[%get3A_48, %get3A_49] : memref<1x16xf32, #tpu.memory_space<vmem>>, vector<1x16xf32>
    %add3A_51 = vector.broadcast %get3A_50 : vector<1x16xf32> to vector<1000x16xf32>
    %add3A_52 = arith.addf %dot_general3A_47, %add3A_51 : vector<1000x16xf32>
    %swap3A_53 = arith.constant 0 : index
    %swap3A_54 = arith.constant 0 : index
    %swap3A_55 = vector.load %arg9[%swap3A_53, %swap3A_54] : memref<1000x16xf32, #tpu.memory_space<vmem>>, vector<1000x16xf32>
    tpu.vector_store %arg9[%swap3A_53, %swap3A_54], %add3A_52 {strides = array<i32>} : memref<1000x16xf32, #tpu.memory_space<vmem>>, vector<1000x16xf32>,
    %swap3A_56 = arith.constant 0 : index
    %swap3A_57 = arith.constant 0 : index
    %swap3A_58 = vector.load %arg10[%swap3A_56, %swap3A_57] : memref<1000x1xf32, #tpu.memory_space<vmem>>, vector<1000x1xf32>
    tpu.vector_store %arg10[%swap3A_56, %swap3A_57], %div3A_23 {strides = array<i32>} : memref<1000x1xf32, #tpu.memory_space<vmem>>, vector<1000x1xf32>,
    return
  }
  func.func @transform_0(%arg0: i32) -> (i32, i32, i32) {
    %c0_i32 = arith.constant 0 : i32
    %c0_i32_0 = arith.constant 0 : i32
    %c0_i32_1 = arith.constant 0 : i32
    return %c0_i32, %arg0, %c0_i32_0 : i32, i32, i32
  }
  func.func @transform_1(%arg0: i32) -> (i32, i32, i32) {
    %c0_i32 = arith.constant 0 : i32
    %c0_i32_0 = arith.constant 0 : i32
    %c0_i32_1 = arith.constant 0 : i32
    return %c0_i32, %arg0, %c0_i32_0 : i32, i32, i32
  }
  func.func @transform_2(%arg0: i32) -> (i32, i32) {
    %c0_i32 = arith.constant 0 : i32
    %c0_i32_0 = arith.constant 0 : i32
    return %arg0, %c0_i32 : i32, i32
  }
  func.func @transform_3(%arg0: i32) -> (i32, i32) {
    %c0_i32 = arith.constant 0 : i32
    %c0_i32_0 = arith.constant 0 : i32
    %c0_i32_1 = arith.constant 0 : i32
    return %c0_i32, %c0_i32_0 : i32, i32
  }
  func.func @transform_4(%arg0: i32) -> (i32, i32) {
    %c0_i32 = arith.constant 0 : i32
    %c0_i32_0 = arith.constant 0 : i32
    %c0_i32_1 = arith.constant 0 : i32
    return %c0_i32, %c0_i32_0 : i32, i32
  }
  func.func @transform_5(%arg0: i32) -> (i32, i32) {
    %c0_i32 = arith.constant 0 : i32
    %c0_i32_0 = arith.constant 0 : i32
    %c0_i32_1 = arith.constant 0 : i32
    return %c0_i32, %c0_i32_0 : i32, i32
  }
  func.func @transform_6(%arg0: i32) -> (i32, i32) {
    %c0_i32 = arith.constant 0 : i32
    %c0_i32_0 = arith.constant 0 : i32
    %c0_i32_1 = arith.constant 0 : i32
    return %c0_i32, %c0_i32_0 : i32, i32
  }
  func.func @transform_7(%arg0: i32) -> (i32, i32) {
    %c0_i32 = arith.constant 0 : i32
    %c0_i32_0 = arith.constant 0 : i32
    return %arg0, %c0_i32 : i32, i32
  }
  func.func @transform_8(%arg0: i32) -> (i32, i32) {
    %c0_i32 = arith.constant 0 : i32
    %c0_i32_0 = arith.constant 0 : i32
    return %arg0, %c0_i32 : i32, i32
  }
  func.func @transform_9(%arg0: i32) -> (i32, i32) {
    %c0_i32 = arith.constant 0 : i32
    %c0_i32_0 = arith.constant 0 : i32
    return %arg0, %c0_i32 : i32, i32
  }
}

module attributes {stable_mosaic.version = 14 : i64} {
  func.func @_out_body(%arg0: i32, %arg1: memref<2x1000x16xf32, #tpu.memory_space<vmem>>, %arg2: memref<1000x1xf32, #tpu.memory_space<vmem>>, %arg3: memref<1000x16xf32, #tpu.memory_space<vmem>>, %arg4: memref<1000x2xf32, #tpu.memory_space<vmem>>) attributes {dimension_semantics = [#tpu.dimension_semantics<arbitrary>], iteration_bounds = array<i64: 50>, scalar_prefetch = 0 : i64, scratch_operands = 0 : i64, tpu.core_type = #tpu.core_type<tc>, window_params = [{transform_indices = @transform_0, window_bounds = array<i64: 2, 1000, 16>}, {transform_indices = @transform_1, window_bounds = array<i64: 1000, 1>}, {transform_indices = @transform_2, window_bounds = array<i64: 1000, 16>}, {transform_indices = @transform_3, window_bounds = array<i64: 1000, 2>}]} {
    %get3A = arith.constant 0 : index
    %get3A_0 = arith.constant 0 : index
    %get3A_1 = arith.constant 0 : index
    %get3A_2 = vector.load %arg1[%get3A, %get3A_0, %get3A_1] : memref<2x1000x16xf32, #tpu.memory_space<vmem>>, vector<1x1000x16xf32>
    %get3A_3 = vector.shape_cast %get3A_2 : vector<1x1000x16xf32> to vector<1000x16xf32>
    %get3A_4 = arith.constant 1 : index
    %get3A_5 = arith.constant 0 : index
    %get3A_6 = arith.constant 0 : index
    %get3A_7 = vector.load %arg1[%get3A_4, %get3A_5, %get3A_6] : memref<2x1000x16xf32, #tpu.memory_space<vmem>>, vector<1x1000x16xf32>
    %get3A_8 = vector.shape_cast %get3A_7 : vector<1x1000x16xf32> to vector<1000x16xf32>
    %add3A = arith.addf %get3A_3, %get3A_8 : vector<1000x16xf32>
    %get3A_9 = arith.constant 0 : index
    %get3A_10 = arith.constant 0 : index
    %get3A_11 = vector.load %arg2[%get3A_9, %get3A_10] : memref<1000x1xf32, #tpu.memory_space<vmem>>, vector<1000x1xf32>
    %mul3A = vector.broadcast %get3A_11 : vector<1000x1xf32> to vector<1000x16xf32>
    %mul3A_12 = arith.mulf %add3A, %mul3A : vector<1000x16xf32>
    %get3A_13 = arith.constant 0 : index
    %get3A_14 = arith.constant 0 : index
    %get3A_15 = vector.load %arg3[%get3A_13, %get3A_14] : memref<1000x16xf32, #tpu.memory_space<vmem>>, vector<1000x16xf32>
    %add3A_16 = arith.addf %mul3A_12, %get3A_15 : vector<1000x16xf32>
    %slice3A = vector.extract_strided_slice %add3A_16 {offsets = [0, 0], sizes = [1000, 2], strides = [1, 1]} : vector<1000x16xf32> to vector<1000x2xf32>
    %reduce_max3A = arith.constant dense<0xFF800000> : vector<1000xf32>
    %reduce_max3A_17 = vector.multi_reduction <maximumf>, %slice3A, %reduce_max3A [1] : vector<1000x2xf32> to vector<1000xf32>
    %broadcast_in_dim3A = vector.shape_cast %reduce_max3A_17 : vector<1000xf32> to vector<1000x1xf32>
    %sub3A = vector.broadcast %broadcast_in_dim3A : vector<1000x1xf32> to vector<1000x2xf32>
    %sub3A_18 = arith.subf %slice3A, %sub3A : vector<1000x2xf32>
    %exp3A = math.exp %sub3A_18 : vector<1000x2xf32>
    %reduce_sum3A = arith.constant dense<0.000000e+00> : vector<1000xf32>
    %reduce_sum3A_19 = vector.multi_reduction <add>, %exp3A, %reduce_sum3A [1] : vector<1000x2xf32> to vector<1000xf32>
    %broadcast_in_dim3A_20 = vector.shape_cast %reduce_sum3A_19 : vector<1000xf32> to vector<1000x1xf32>
    %log3A = math.log %broadcast_in_dim3A_20 : vector<1000x1xf32>
    %add3A_21 = arith.addf %broadcast_in_dim3A, %log3A : vector<1000x1xf32>
    %sub3A_22 = vector.broadcast %add3A_21 : vector<1000x1xf32> to vector<1000x2xf32>
    %sub3A_23 = arith.subf %slice3A, %sub3A_22 : vector<1000x2xf32>
    %swap3A = arith.constant 0 : index
    %swap3A_24 = arith.constant 0 : index
    %swap3A_25 = vector.load %arg4[%swap3A, %swap3A_24] : memref<1000x2xf32, #tpu.memory_space<vmem>>, vector<1000x2xf32>
    tpu.vector_store %arg4[%swap3A, %swap3A_24], %sub3A_23 {strides = array<i32>} : memref<1000x2xf32, #tpu.memory_space<vmem>>, vector<1000x2xf32>,
    return
  }
  func.func @transform_0(%arg0: i32) -> (i32, i32, i32) {
    %c0_i32 = arith.constant 0 : i32
    %c0_i32_0 = arith.constant 0 : i32
    %c0_i32_1 = arith.constant 0 : i32
    return %c0_i32, %arg0, %c0_i32_0 : i32, i32, i32
  }
  func.func @transform_1(%arg0: i32) -> (i32, i32) {
    %c0_i32 = arith.constant 0 : i32
    %c0_i32_0 = arith.constant 0 : i32
    return %arg0, %c0_i32 : i32, i32
  }
  func.func @transform_2(%arg0: i32) -> (i32, i32) {
    %c0_i32 = arith.constant 0 : i32
    %c0_i32_0 = arith.constant 0 : i32
    return %arg0, %c0_i32 : i32, i32
  }
  func.func @transform_3(%arg0: i32) -> (i32, i32) {
    %c0_i32 = arith.constant 0 : i32
    %c0_i32_0 = arith.constant 0 : i32
    return %arg0, %c0_i32 : i32, i32
  }
}

</mosaic_0001>

<sc_bundles>
// kernel: kernel.10.cloned.1.call-start
scs
__scs_entry_jumppad:
0x0: {  	(pc) =	sbr.rel $0x88, $3  }
0x1: {  	(tag) =	ssettag $0x0;
	lr =	simm.s32 $0x1  }
0x2: {  	[smem:$0x3F99] =	sst lr;
	_ =	strace $0xD0000000  }
0x3: {  	_ = 	snop  }
0x4: {  	_ = 	snop  }
0x5: {  	_ = 	snop  }
0x6: {  	_ = 	snop  }
0x7: {  	_ = 	snop  }
__scs_overlays_trampoline_lowered:
0x8: {  	[smem:$0x3FA8] =	sst s0  }
0x9: {  	[smem:$0x3FA9] =	sst s1  }
0xa: {  	[smem:$0x3FAA] =	sst s2  }
0xb: {  	[smem:$0x3FAB] =	sst s3  }
0xc: {  	[smem:$0x3FAC] =	sst s4  }
0xd: {  	[smem:$0x3FAD] =	sst s5  }
0xe: {  	[smem:$0x3FAE] =	sst s6  }
0xf: {  	[smem:$0x3FAF] =	sst s7  }
0x10: {  	[smem:$0x3FB0] =	sst s8  }
0x11: {  	[smem:$0x3FB1] =	sst s9;
	s0 =	simm.s32 @!p0 $0x0  }
0x12: {  	s1 =	sld [smem:$0x3F97];
	s0 =	simm.s32 @p0 $0x1  }
0x13: {  	[smem:$0x3FB2] =	sst s0;
	s0 =	simm.s32 @!p1 $0x0  }
0x14: {  	s2 =	sld [smem:$0x3F96];
	s0 =	simm.s32 @p1 $0x1  }
0x15: {  	[smem:$0x3FB3] =	sst s0;
	s0 =	simm.s32 @!p2 $0x0  }
0x16: {  	s3 =	sld [smem:$0x3FDB];
	s0 =	simm.s32 @p2 $0x1  }
0x17: {  	s4 =	simm.s32 $0x1BF5;
	[smem:$0x3FB5] =	sst s0  }
0x18: {  	s0 =	sld [smem:$0x3F98];
	_ =	swait.ge [sflag:s4], $0x0  }
0x19: {  	s7 =	sld [smem:$0x3F99]  }
0x1a: {  	s8 =	sadd.s32 $0xFFFFE003, lr  }
0x1b: {  	s9 =	sadd.s32 $0xFFFFFEF7, lr;
	s5 =	simm.s32 $0xFFFFFFFF;
	p2 =	slt.u32 s8, $0xFFFFF086  }
0x1c: {  	p1 =	slt.u32 s9, $0xF7A;
	s5 =	simm.s32 @!p2 $0x0  }
0x1d: {  	s5 =	simm.s32 @p1 $0x1;
	p0 =	seq.s32 s7, s2  }
0x1e: {  	s7 =	smul.u32 @!p0 $0xF7A, s2;
	p2 =	seq.s32 @!p0 s5, $0x0  }
0x1f: {  	s9 =	smul.u32 $0xF7A, s1;
	s8 =	simm.s32 @!p0 $0x1BF5;
	p2 =	por !p2, p0  }
0x20: {  	[sflag:s8] =	ssyncset.s32 @!p0 $0xFFFFF086;
	s6 =	sadd.s32 @!p0 s3, s7;
	s7 =	simm.s32 @!p0 $0x108  }
0x21: {  	s3 =	sadd.s32 s3, s9;
	s6 =	sadd.s32 @!p0 $0x88, s6;
	s7 =	simm.s32 @p2 $0x1082  }
0x22: {  	[simem:s7], [sflag:s8] =	dma.local @!p0 [hbm:s6], $0xF7A  }
0x23: {  	s9 =	sor.u32 $0xD0000000, s2;
	s6 =	simm.s32 $0x108;
	_ =	swait.ge @!p0 [sflag:s8], $0x0  }
0x24: {  	s3 =	sadd.s32 $0x88, s3;
	s6 =	simm.s32 @!p1 $0x1082;
	[sflag:s4] =	ssyncset.s32 $0xFFFFF086  }
0x25: {  	[simem:s6], [sflag:s4] =	dma.local [hbm:s3], $0xF7A  }
0x26: {  	[smem:$0x3F99] =	sst s1;
	(tag) =	ssettag s2;
	_ =	strace s9  }
0x27: {  	s1 =	sld [smem:$0x3FA9]  }
0x28: {  	s2 =	sld [smem:$0x3FAA]  }
0x29: {  	s4 =	sld [smem:$0x3FAC]  }
0x2a: {  	p0 =	seq.s32 s5, $0x0;
	s5 =	sld [smem:$0x3FAD]  }
0x2b: {  	s6 =	sld [smem:$0x3FAE]  }
0x2c: {  	s7 =	sld [smem:$0x3FAF]  }
0x2d: {  	s3 =	simm.s32 $0x108;
	s8 =	sld [smem:$0x3FB0]  }
0x2e: {  	s3 =	simm.s32 @!p0 $0x1082;
	s9 =	sld [smem:$0x3FB1]  }
0x2f: {  	lr =	sadd.s32 s0, s3;
	s0 =	sld [smem:$0x3FA8]  }
0x30: {  	s3 =	sld [smem:$0x3FAB]  }
0x31: {  	[smem:$0x3FB4] =	sst s10  }
0x32: {  	s10 =	sld [smem:$0x3FB2];
	_ =	sdelay $0x3  }
0x33: {  	p0 =	seq.s32 s10, $0x1;
	s10 =	sld [smem:$0x3FB4];
	_ =	sdelay $0x3  }
0x34: {  	[smem:$0x3FB4] =	sst s10  }
0x35: {  	s10 =	sld [smem:$0x3FB3];
	_ =	sdelay $0x3  }
0x36: {  	p1 =	seq.s32 s10, $0x1;
	s10 =	sld [smem:$0x3FB4];
	_ =	sdelay $0x3  }
0x37: {  	[smem:$0x3FB4] =	sst s10  }
0x38: {  	s10 =	sld [smem:$0x3FB5]  }
0x39: {  	_ = 	snop;
	(pc) =	sbr.ind lr, $3  }
0x3a: {  	_ = 	snop  }
0x3b: {  	_ = 	snop  }
0x3c: {  	p2 =	seq.s32 s10, $0x1;
	s10 =	sld [smem:$0x3FB4]  }
0x3d: {  	_ =	shalt  }
0x3e: {  	_ =	shalt  }
0x3f: {  	_ =	shalt  }
0x40: {  	_ =	shalt  }
0x41: {  	_ =	shalt  }
0x42: {  	_ =	shalt  }
0x43: {  	_ =	shalt  }
0x44: {  	_ =	shalt  }
0x45: {  	_ =	shalt  }
0x46: {  	_ =	shalt  }
0x47: {  	_ =	shalt  }
0x48: {  	_ =	shalt  }
0x49: {  	_ =	shalt  }
0x4a: {  	_ =	shalt  }
0x4b: {  	_ =	shalt  }
0x4c: {  	_ =	shalt  }
0x4d: {  	_ =	shalt  }
0x4e: {  	_ =	shalt  }
0x4f: {  	_ =	shalt  }
0x50: {  	_ =	shalt  }
0x51: {  	_ =	shalt  }
0x52: {  	_ =	shalt  }
0x53: {  	_ =	shalt  }
0x54: {  	_ =	shalt  }
0x55: {  	_ =	shalt  }
0x56: {  	_ =	shalt  }
0x57: {  	_ =	shalt  }
0x58: {  	_ =	shalt  }
0x59: {  	_ =	shalt  }
0x5a: {  	_ =	shalt  }
0x5b: {  	_ =	shalt  }
0x5c: {  	_ =	shalt  }
0x5d: {  	_ =	shalt  }
0x5e: {  	_ =	shalt  }
0x5f: {  	_ =	shalt  }
0x60: {  	_ =	shalt  }
0x61: {  	_ =	shalt  }
0x62: {  	_ =	shalt  }
0x63: {  	_ =	shalt  }
0x64: {  	_ =	shalt  }
0x65: {  	_ =	shalt  }
0x66: {  	_ =	shalt  }
0x67: {  	_ =	shalt  }
0x68: {  	_ =	shalt  }
0x69: {  	_ =	shalt  }
0x6a: {  	_ =	shalt  }
0x6b: {  	_ =	shalt  }
0x6c: {  	_ =	shalt  }
0x6d: {  	_ =	shalt  }
0x6e: {  	_ =	shalt  }
0x6f: {  	_ =	shalt  }
0x70: {  	_ =	shalt  }
0x71: {  	_ =	shalt  }
0x72: {  	_ =	shalt  }
0x73: {  	_ =	shalt  }
0x74: {  	_ =	shalt  }
0x75: {  	_ =	shalt  }
0x76: {  	_ =	shalt  }
0x77: {  	_ =	shalt  }
0x78: {  	_ =	shalt  }
0x79: {  	_ =	shalt  }
0x7a: {  	_ =	shalt  }
0x7b: {  	_ =	shalt  }
0x7c: {  	_ =	shalt  }
0x7d: {  	_ =	shalt  }
0x7e: {  	_ =	shalt  }
0x7f: {  	_ =	shalt  }
0x80: {  	_ =	shalt  }
0x81: {  	_ =	shalt  }
0x82: {  	_ =	shalt  }
0x83: {  	_ =	shalt  }
0x84: {  	_ =	shalt  }
0x85: {  	_ =	shalt  }
0x86: {  	_ =	shalt  }
0x87: {  	_ =	shalt  }
.Lfunc_end0:
.L_simem_size_0:
called_computation.1_lowered:
.L_overlay_start_0:
0x88: {  	s2 =	sld [smem:$0x3FD9]  }
0x89: {  	s3 =	sld [smem:$0x3FFE];
	_ =	sdelay $0x1  }
0x8a: {  	s1 =	srdreg.scid  }
0x8b: {  	s0 =	sand.u32 $0x1, s1  }
0x8c: {  	s16 =	sshll.u32 s0, $0xA;
	s2 =	sadd.s32 s3, s2  }
0x8d: {  	s2 =	sadd.s32 s2, s16  }
0x8e: {  	[smem:$0x3FC0] =	sst s2  }
0x8f: {  	_ = 	snop  }
0x90: {  	(tm) =	ssettm $0x1  }
0x91: {  	s17 =	sld [smem:$0x3FFB];
	_ =	sdelay $0x3  }
0x92: {  	_ =	strace s17  }
0x93: {  	s2 =	sld [smem:$0x3FFC];
	_ =	sdelay $0x3  }
0x94: {  	_ =	strace s2  }
0x95: {  	s2 =	sld [smem:$0x3FFD];
	_ =	sdelay $0x3  }
0x96: {  	_ =	strace s2  }
0x97: {  	_ =	strace $0x8FFFFFFF  }
0x98: {  	s18 =	sld [smem:$0x3FDB];
	_ =	sdelay $0x1  }
0x99: {  	s19 =	simm.s32 $_scs_section_size  }
0x9a: {  	s4 =	simm.s32 $_size__tile_overlayer_lowered;
	s5 =	simm.s32 $_tile_overlayer_lowered  }
0x9b: {  	s22 =	simm.s32 $0x1BFF;
	s21 =	sshll.u32 s5, $0x1;
	s2 =	sadd.s32 s19, s18  }
0x9c: {  	s6 =	simm.s32 $0x0;
	s20 =	sshll.u32 s4, $0x1;
	s4 =	sadd.s32 s21, s2  }
0x9d: {  	[timem:s6], [sflag:s22] =	dma.local [hbm:s4], s20  }
0x9e: {  	_ =	swait.ge [sflag:s22], s20  }
0x9f: {  	s3 =	ssub.s32 $0x0, s20;
	[sflag:s22] =	ssyncset.done $0x0  }
0xa0: {  	[sflag:s22] =	ssyncadd.s32 s3;
	_ =	sdelay $0x1  }
0xa1: {  	s23 =	simm.s32 $0x1B8B  }
0xa2: {  	_ =	swait.ge [sflag:s23], $0x1  }
0xa3: {  	[sflag:s23] =	ssyncset.done $0x0  }
0xa4: {  	s25 =	simm.s32 $0x1B8E;
	s24 =	sld [smem:$0x3FFE];
	[sflag:s23] =	ssyncadd.s32 $0xFFFFFFFF  }
0xa5: {  	s26 =	simm.s32 $execute0_lowered;
	[smem:$0x3FD2] =	sst s25  }
0xa6: {  	s4 =	sshll.u32 s26, $0x1;
	_ =	strace $0x80000049;
	[dreg:$0x1] =	wrdreg $0xFFFFFFFF  }
0xa7: {  	s28 =	simm.s32 $_size_execute0_lowered;
	s2 =	sadd.s32 s2, s4;
	[dreg:$0x0] =	wrdreg $0x0  }
0xa8: {  	s4 =	sshll.u32 s28, $0x1;
	[dreg:$0x2] =	wrdreg s2  }
0xa9: {  	[dreg:$0x3] =	wrdreg s4  }
0xaa: {  	[dreg:$0x4] =	wrdreg $0xC0  }
0xab: {  	_ =	task [dreg:s6], $0x5FFFF  }
0xac: {  	[dreg:$0x1] =	wrdreg $0xFFFFFFFF  }
0xad: {  	[dreg:$0x0] =	wrdreg $0x60  }
0xae: {  	[dreg:$0x2] =	wrdreg s24  }
0xaf: {  	[dreg:$0x3] =	wrdreg $0x46A00  }
0xb0: {  	[dreg:$0x4] =	wrdreg $0x9  }
0xb1: {  	_ =	task.clear_ibuf [dreg:s6], $0x5FFFF;
	_ =	strace $0x90000049  }
0xb2: {  	s29 =	simm.s32 $0x9;
	_ =	strace $0x8000004B  }
0xb3: {  	_ =	swait.ge [sflag:s29], $0x1  }
0xb4: {  	[sflag:s29] =	ssyncadd.s32 $0xFFFFFFFF  }
0xb5: {  	_ =	strace $0x9000004B  }
0xb6: {  	_ =	sfence  }
0xb7: {  	s30 =	sld [smem:$0x0];
	_ =	sdelay $0x2  }
0xb8: {  	s31 =	sshll.u32 s1, $0xD;
	s1 =	sshrl.u32 s1, $0x2  }
0xb9: {  	s3 =	sand.u32 $0x4000, s31;
	s1 =	sadd.s32 s1, s30  }
0xba: {  	s0 =	sor.u32 s3, s0;
	s1 =	sshll.u32 s1, $0x11  }
0xbb: {  	s0 =	sor.u32 s1, s0  }
0xbc: {  	s0 =	sadd.s32 $0x8F2B, s0  }
0xbd: {  	[sflag:s0] =	ssyncadd.remote.s32 $0x1  }
0xbe: {  	_ =	sfence.sel $0xFFFF  }
0xbf: {  	[dreg:$0x0] =	wrdreg $0xFFFFFFFF;
	(pc) =	sbr.abs _section_cstart, $3  }
0xc0: {  	[dreg:$0x1] =	wrdreg $0xFFFFFFFF  }
0xc1: {  	_ =	task.clear_ibuf [dreg:s6], $0x2FFFF;
	_ =	strace $0x9FFFFFFF  }
0xc2: {  	(tm) =	ssettm $0x7FFFFFFF  }
0xc3: {  	_ =	shalt  }
tec
execute0_lowered:
.L_overlay_start_1:
0x0: {  	(tag) =	ssettag $0x1  }
0x1: {  	s0 =	rddreg [dreg:$0x0]  }
0x2: {  	s2 =	rddreg [dreg:$0x1]  }
0x3: {  	s12 =	stileid.u32;
	s4 =	srdreg.scid  }
0x4: {  	s3 =	simm.s32 $0x0;
	s13 =	simm.s32 $0x1F4;
	s14 =	simm.s32 $0x2760  }
0x5: {  	s15 =	simm.s32 $0x1;
	s16 =	simm.s32 $0x1F8;
	s17 =	simm.s32 $0x15A8  }
0x6: {  	s18 =	simm.s32 $0x3F0;
	s19 =	simm.s32 $0x17A0;
	s28 =	simm.s32 $0x1F80  }
0x7: {  	s29 =	simm.s32 $0xDC8;
	s30 =	simm.s32 $0x2178;
	s1 =	smul.u32 $0xC38, s12  }
0x8: {  	s31 =	simm.s32 $0xFC0;
	s5 =	sand.u32 $0x1, s4;
	s11 =	smul.u32 $0x6270, s12  }
0x9: {  	[smem:$0x7FF] =	sst s3;
	s4 =	sadd.s32 $0x2600, s0;
	s23 =	smul.u32 $0xC4E, s12  }
0xa: {  	s8 =	sadd.s32 $0x33400, s0;
	s21 =	sshll.u32 s12, $0x6;
	s6 =	smul.u32 $0xC3500, s5  }
0xb: {  	s12 =	simm.s32 $0x13B0;
	_ =	strace $0x8000004A;
	s10 =	smul.u32 $0x62700, s5  }
0xc: {  	s9 =	ssub.s32 $0x2, s5;
	s5 =	smul.u32 $0xC4E0, s5;
	s22 =	sor.u32 $0x1C02, s21  }
0xd: {  	s21 =	simm.s32 $0x1998;
	s1 =	smin.u32 s1, $0xB718;
	s20 =	sshrl.u32 s9, $0x1  }
0xe: {  	s7 =	sshll.u32 s1, $0x4;
	s1 =	sshll.u32 s1, $0x1;
	s9 =	ssub.s32 s9, s20  }
0xf: {  	s10 =	sadd.s32 s11, s10;
	s24 =	sadd.s32 s5, s8;
	s11 =	simm.s32 $0x2  }
0x10: {  	s20 =	simm.s32 $0x5E8;
	s5 =	simm.s32 $0x2568;
	s6 =	sadd.s32 s6, s7  }
0x11: {  	s1 =	sadd.s32 s1, s0;
	s7 =	sadd.s32 s7, s2;
	s25 =	sadd.s32 $0xC4E00, s10  }
0x12: {  	s9 =	smax.u32 s9, $0x1;
	s6 =	sshrl.u32 s6, $0x3;
	s1 =	sadd.s32 $0x64800, s1  }
0x13: {  	[dreg:$0x7] =	wrdreg s9;
	s26 =	sshrl.u32 s25, $0x3;
	s10 =	sshrl.u32 s7, $0x3  }
0x14: {  	s25 =	simm.s32 $0x1D88;
	s7 =	simm.s32 $0x0;
	s0 =	sadd.s32 s6, s0  }
0x15: {  	[dreg:$0x4] =	wrdreg s1;
	s9 =	sadd.s32 s26, s8;
	s8 =	smov.u32 s22  }
0x16: {  	s22 =	simm.s32 $0x7E0;
	s26 =	simm.s32 $0xBD0;
	[dreg:$0x8] =	wrdreg s10  }
0x17: {  	s1 =	simm.s32 $0x2370;
	s0 =	sadd.s32 $0x7D000, s0;
	[dreg:$0x5] =	wrdreg s8  }
0x18: {  	[dreg:$0x6] =	wrdreg s0;
	s0 =	sadd.s32 s23, s24;
	s23 =	simm.s32 $0x1B90  }
0x19: {  	s24 =	simm.s32 $0x9D8;
	[dreg:$0x3] =	wrdreg s0;
	s0 =	simm.s32 $0x11B8  }
.LBB2_1:
0x1a: {  	s6 =	rddreg [dreg:$0x4]  }
0x1b: {  	[spmem:s10], [sflag:s8] =	dma.local [hbm:s6], $0x1870  }
0x1c: {  	_ =	swait.ge [sflag:s11], $0x1870  }
0x1d: {  	[sflag:s11] =	ssyncset.done $0x0  }
0x1e: {  	[sflag:s11] =	ssyncadd.s32 $0xFFFFE790  }
0x1f: {  	[bflag:$0x0] =	sbarrier.arrive $0xFFFF  }
0x20: {  	s6 =	rddreg [dreg:$0x3]  }
0x21: {  	s8 =	sadd.s32 $0x0, s6  }
0x22: {  	[tilespmem:s3], [sflag:$0x2] =	stream.linear.gather [hbm4b:s8+s3], $0x13B0, $0x38;
	[tilespmem:$0x109F0] =	vst v63  }
0x23: {  	_ =	swait.ge [sflag:s11], $0x13B0  }
0x24: {  	[sflag:s11] =	ssyncset.done $0x0  }
0x25: {  	s10 =	sadd.s32 $0x0, s9;
	[sflag:s11] =	ssyncadd.s32 $0xFFFFEC50  }
0x26: {  	[tilespmem:s12], [sflag:$0x2] =	stream.linear.gather [hbm4b:s10+s3], $0x13B0, $0x38;
	[tilespmem:$0x109F0] =	vst v63  }
0x27: {  	_ =	swait.ge [sflag:s11], $0x13B0  }
0x28: {  	[sflag:s11] =	ssyncset.done $0x0  }
0x29: {  	[sflag:s11] =	ssyncadd.s32 $0xFFFFEC50  }
0x2a: {  	[tilespmem:s14], [sflag:$0x1] =	stream.indirect.gather [hbm4b:s4+s13], $0x10, s3, s13, $0xb8;
	[tilespmem:$0x109F0] =	vst v63  }
0x2b: {  	_ =	swait.ge [sflag:s15], $0x1F40  }
0x2c: {  	[sflag:s15] =	ssyncset.done $0x0  }
0x2d: {  	[sflag:s15] =	ssyncadd.s32 $0xFFFFE0C0  }
0x2e: {  	[spmem:s2] =	stream.indirect.scatter.add.f32 [tilespmem:s14], [sflag:$0x2], $0x10, s12, s13, $0xb8;
	[tilespmem:$0x109F0] =	vst v63  }
0x2f: {  	_ =	swait.ge [sflag:s11], $0x1F40  }
0x30: {  	[sflag:s11] =	ssyncset.done $0x0  }
0x31: {  	[sflag:s11] =	ssyncadd.s32 $0xFFFFE0C0  }
0x32: {  	[tilespmem:s14], [sflag:$0x1] =	stream.indirect.gather [hbm4b:s4+s13], $0x10, s16, s13, $0xb8;
	[tilespmem:$0x109F0] =	vst v63  }
0x33: {  	_ =	swait.ge [sflag:s15], $0x1F40  }
0x34: {  	[sflag:s15] =	ssyncset.done $0x0  }
0x35: {  	[sflag:s15] =	ssyncadd.s32 $0xFFFFE0C0  }
0x36: {  	[spmem:s2] =	stream.indirect.scatter.add.f32 [tilespmem:s14], [sflag:$0x2], $0x10, s17, s13, $0xb8;
	[tilespmem:$0x109F0] =	vst v63  }
0x37: {  	_ =	swait.ge [sflag:s11], $0x1F40  }
0x38: {  	[sflag:s11] =	ssyncset.done $0x0  }
0x39: {  	[sflag:s11] =	ssyncadd.s32 $0xFFFFE0C0  }
0x3a: {  	[tilespmem:s14], [sflag:$0x1] =	stream.indirect.gather [hbm4b:s4+s13], $0x10, s18, s13, $0xb8;
	[tilespmem:$0x109F0] =	vst v63  }
0x3b: {  	_ =	swait.ge [sflag:s15], $0x1F40  }
0x3c: {  	[sflag:s15] =	ssyncset.done $0x0  }
0x3d: {  	[sflag:s15] =	ssyncadd.s32 $0xFFFFE0C0  }
0x3e: {  	[spmem:s2] =	stream.indirect.scatter.add.f32 [tilespmem:s14], [sflag:$0x2], $0x10, s19, s13, $0xb8;
	[tilespmem:$0x109F0] =	vst v63  }
0x3f: {  	_ =	swait.ge [sflag:s11], $0x1F40  }
0x40: {  	[sflag:s11] =	ssyncset.done $0x0  }
0x41: {  	[sflag:s11] =	ssyncadd.s32 $0xFFFFE0C0  }
0x42: {  	[tilespmem:s14], [sflag:$0x1] =	stream.indirect.gather [hbm4b:s4+s13], $0x10, s20, s13, $0xb8;
	[tilespmem:$0x109F0] =	vst v63  }
0x43: {  	_ =	swait.ge [sflag:s15], $0x1F40  }
0x44: {  	[sflag:s15] =	ssyncset.done $0x0  }
0x45: {  	[sflag:s15] =	ssyncadd.s32 $0xFFFFE0C0  }
0x46: {  	[spmem:s2] =	stream.indirect.scatter.add.f32 [tilespmem:s14], [sflag:$0x2], $0x10, s21, s13, $0xb8;
	[tilespmem:$0x109F0] =	vst v63  }
0x47: {  	_ =	swait.ge [sflag:s11], $0x1F40  }
0x48: {  	[sflag:s11] =	ssyncset.done $0x0  }
0x49: {  	[sflag:s11] =	ssyncadd.s32 $0xFFFFE0C0  }
0x4a: {  	[tilespmem:s14], [sflag:$0x1] =	stream.indirect.gather [hbm4b:s4+s13], $0x10, s22, s13, $0xb8;
	[tilespmem:$0x109F0] =	vst v63  }
0x4b: {  	_ =	swait.ge [sflag:s15], $0x1F40  }
0x4c: {  	[sflag:s15] =	ssyncset.done $0x0  }
0x4d: {  	[sflag:s15] =	ssyncadd.s32 $0xFFFFE0C0  }
0x4e: {  	[spmem:s2] =	stream.indirect.scatter.add.f32 [tilespmem:s14], [sflag:$0x2], $0x10, s23, s13, $0xb8;
	[tilespmem:$0x109F0] =	vst v63  }
0x4f: {  	_ =	swait.ge [sflag:s11], $0x1F40  }
0x50: {  	[sflag:s11] =	ssyncset.done $0x0  }
0x51: {  	[sflag:s11] =	ssyncadd.s32 $0xFFFFE0C0  }
0x52: {  	[tilespmem:s14], [sflag:$0x1] =	stream.indirect.gather [hbm4b:s4+s13], $0x10, s24, s13, $0xb8;
	[tilespmem:$0x109F0] =	vst v63  }
0x53: {  	_ =	swait.ge [sflag:s15], $0x1F40  }
0x54: {  	[sflag:s15] =	ssyncset.done $0x0  }
0x55: {  	[sflag:s15] =	ssyncadd.s32 $0xFFFFE0C0  }
0x56: {  	[spmem:s2] =	stream.indirect.scatter.add.f32 [tilespmem:s14], [sflag:$0x2], $0x10, s25, s13, $0xb8;
	[tilespmem:$0x109F0] =	vst v63  }
0x57: {  	_ =	swait.ge [sflag:s11], $0x1F40  }
0x58: {  	[sflag:s11] =	ssyncset.done $0x0  }
0x59: {  	[sflag:s11] =	ssyncadd.s32 $0xFFFFE0C0  }
0x5a: {  	[tilespmem:s14], [sflag:$0x1] =	stream.indirect.gather [hbm4b:s4+s13], $0x10, s26, s13, $0xb8;
	[tilespmem:$0x109F0] =	vst v63  }
0x5b: {  	_ =	swait.ge [sflag:s15], $0x1F40  }
0x5c: {  	[sflag:s15] =	ssyncset.done $0x0  }
0x5d: {  	[sflag:s15] =	ssyncadd.s32 $0xFFFFE0C0  }
0x5e: {  	[spmem:s2] =	stream.indirect.scatter.add.f32 [tilespmem:s14], [sflag:$0x2], $0x10, s28, s13, $0xb8;
	[tilespmem:$0x109F0] =	vst v63  }
0x5f: {  	_ =	swait.ge [sflag:s11], $0x1F40  }
0x60: {  	[sflag:s11] =	ssyncset.done $0x0  }
0x61: {  	[sflag:s11] =	ssyncadd.s32 $0xFFFFE0C0  }
0x62: {  	[tilespmem:s14], [sflag:$0x1] =	stream.indirect.gather [hbm4b:s4+s13], $0x10, s29, s13, $0xb8;
	[tilespmem:$0x109F0] =	vst v63  }
0x63: {  	_ =	swait.ge [sflag:s15], $0x1F40  }
0x64: {  	[sflag:s15] =	ssyncset.done $0x0  }
0x65: {  	[sflag:s15] =	ssyncadd.s32 $0xFFFFE0C0  }
0x66: {  	[spmem:s2] =	stream.indirect.scatter.add.f32 [tilespmem:s14], [sflag:$0x2], $0x10, s30, s13, $0xb8;
	[tilespmem:$0x109F0] =	vst v63  }
0x67: {  	_ =	swait.ge [sflag:s11], $0x1F40  }
0x68: {  	[sflag:s11] =	ssyncset.done $0x0  }
0x69: {  	[sflag:s11] =	ssyncadd.s32 $0xFFFFE0C0  }
0x6a: {  	[tilespmem:s14], [sflag:$0x1] =	stream.indirect.gather [hbm4b:s4+s13], $0x10, s31, s13, $0xb8;
	[tilespmem:$0x109F0] =	vst v63  }
0x6b: {  	_ =	swait.ge [sflag:s15], $0x1F40  }
0x6c: {  	[sflag:s15] =	ssyncset.done $0x0  }
0x6d: {  	[sflag:s15] =	ssyncadd.s32 $0xFFFFE0C0  }
0x6e: {  	[spmem:s2] =	stream.indirect.scatter.add.f32 [tilespmem:s14], [sflag:$0x2], $0x10, s1, s13, $0xb8;
	[tilespmem:$0x109F0] =	vst v63  }
0x6f: {  	_ =	swait.ge [sflag:s11], $0x1F40  }
0x70: {  	[sflag:s11] =	ssyncset.done $0x0  }
0x71: {  	[sflag:s11] =	ssyncadd.s32 $0xFFFFE0C0  }
0x72: {  	[tilespmem:s14], [sflag:$0x1] =	stream.indirect.gather [hbm4b:s4+s13], $0x10, s0, s13, $0xb8;
	[tilespmem:$0x109F0] =	vst v63  }
0x73: {  	_ =	swait.ge [sflag:s15], $0x1F40  }
0x74: {  	[sflag:s15] =	ssyncset.done $0x0  }
0x75: {  	[sflag:s15] =	ssyncadd.s32 $0xFFFFE0C0  }
0x76: {  	[spmem:s2] =	stream.indirect.scatter.add.f32 [tilespmem:s14], [sflag:$0x2], $0x10, s5, s13, $0xb8;
	[tilespmem:$0x109F0] =	vst v63  }
0x77: {  	s8 =	simm.s32 $0x276;
	_ =	swait.ge [sflag:s11], $0x1F40  }
.LBB2_2:
0x78: {  	s6 =	rddreg [dreg:$0x3];
	s10 =	smov.u32 s8;
	[sflag:s11] =	ssyncset.done $0x0  }
0x79: {  	s6 =	sadd.s32 s10, s6;
	[sflag:s11] =	ssyncadd.s32 $0xFFFFE0C0  }
0x7a: {  	[tilespmem:s3], [sflag:$0x2] =	stream.linear.gather [hbm4b:s6+s3], $0x13B0, $0x38;
	[tilespmem:$0x109F0] =	vst v63  }
0x7b: {  	_ =	swait.ge [sflag:s11], $0x13B0  }
0x7c: {  	[sflag:s11] =	ssyncset.done $0x0  }
0x7d: {  	s10 =	sadd.s32 s10, s9;
	[sflag:s11] =	ssyncadd.s32 $0xFFFFEC50  }
0x7e: {  	[tilespmem:s12], [sflag:$0x2] =	stream.linear.gather [hbm4b:s10+s3], $0x13B0, $0x38;
	[tilespmem:$0x109F0] =	vst v63  }
0x7f: {  	_ =	swait.ge [sflag:s11], $0x13B0  }
0x80: {  	[sflag:s11] =	ssyncset.done $0x0  }
0x81: {  	[sflag:s11] =	ssyncadd.s32 $0xFFFFEC50  }
0x82: {  	[tilespmem:s14], [sflag:$0x1] =	stream.indirect.gather [hbm4b:s4+s13], $0x10, s3, s13, $0xb8;
	[tilespmem:$0x109F0] =	vst v63  }
0x83: {  	_ =	swait.ge [sflag:s15], $0x1F40  }
0x84: {  	[sflag:s15] =	ssyncset.done $0x0  }
0x85: {  	[sflag:s15] =	ssyncadd.s32 $0xFFFFE0C0  }
0x86: {  	[spmem:s2] =	stream.indirect.scatter.add.f32 [tilespmem:s14], [sflag:$0x2], $0x10, s12, s13, $0xb8;
	[tilespmem:$0x109F0] =	vst v63  }
0x87: {  	_ =	swait.ge [sflag:s11], $0x1F40  }
0x88: {  	[sflag:s11] =	ssyncset.done $0x0  }
0x89: {  	[sflag:s11] =	ssyncadd.s32 $0xFFFFE0C0  }
0x8a: {  	[tilespmem:s14], [sflag:$0x1] =	stream.indirect.gather [hbm4b:s4+s13], $0x10, s16, s13, $0xb8;
	[tilespmem:$0x109F0] =	vst v63  }
0x8b: {  	_ =	swait.ge [sflag:s15], $0x1F40  }
0x8c: {  	[sflag:s15] =	ssyncset.done $0x0  }
0x8d: {  	[sflag:s15] =	ssyncadd.s32 $0xFFFFE0C0  }
0x8e: {  	[spmem:s2] =	stream.indirect.scatter.add.f32 [tilespmem:s14], [sflag:$0x2], $0x10, s17, s13, $0xb8;
	[tilespmem:$0x109F0] =	vst v63  }
0x8f: {  	_ =	swait.ge [sflag:s11], $0x1F40  }
0x90: {  	[sflag:s11] =	ssyncset.done $0x0  }
0x91: {  	[sflag:s11] =	ssyncadd.s32 $0xFFFFE0C0  }
0x92: {  	[tilespmem:s14], [sflag:$0x1] =	stream.indirect.gather [hbm4b:s4+s13], $0x10, s18, s13, $0xb8;
	[tilespmem:$0x109F0] =	vst v63  }
0x93: {  	_ =	swait.ge [sflag:s15], $0x1F40  }
0x94: {  	[sflag:s15] =	ssyncset.done $0x0  }
0x95: {  	[sflag:s15] =	ssyncadd.s32 $0xFFFFE0C0  }
0x96: {  	[spmem:s2] =	stream.indirect.scatter.add.f32 [tilespmem:s14], [sflag:$0x2], $0x10, s19, s13, $0xb8;
	[tilespmem:$0x109F0] =	vst v63  }
0x97: {  	_ =	swait.ge [sflag:s11], $0x1F40  }
0x98: {  	[sflag:s11] =	ssyncset.done $0x0  }
0x99: {  	[sflag:s11] =	ssyncadd.s32 $0xFFFFE0C0  }
0x9a: {  	[tilespmem:s14], [sflag:$0x1] =	stream.indirect.gather [hbm4b:s4+s13], $0x10, s20, s13, $0xb8;
	[tilespmem:$0x109F0] =	vst v63  }
0x9b: {  	_ =	swait.ge [sflag:s15], $0x1F40  }
0x9c: {  	[sflag:s15] =	ssyncset.done $0x0  }
0x9d: {  	[sflag:s15] =	ssyncadd.s32 $0xFFFFE0C0  }
0x9e: {  	[spmem:s2] =	stream.indirect.scatter.add.f32 [tilespmem:s14], [sflag:$0x2], $0x10, s21, s13, $0xb8;
	[tilespmem:$0x109F0] =	vst v63  }
0x9f: {  	_ =	swait.ge [sflag:s11], $0x1F40  }
0xa0: {  	[sflag:s11] =	ssyncset.done $0x0  }
0xa1: {  	[sflag:s11] =	ssyncadd.s32 $0xFFFFE0C0  }
0xa2: {  	[tilespmem:s14], [sflag:$0x1] =	stream.indirect.gather [hbm4b:s4+s13], $0x10, s22, s13, $0xb8;
	[tilespmem:$0x109F0] =	vst v63  }
0xa3: {  	_ =	swait.ge [sflag:s15], $0x1F40  }
0xa4: {  	[sflag:s15] =	ssyncset.done $0x0  }
0xa5: {  	[sflag:s15] =	ssyncadd.s32 $0xFFFFE0C0  }
0xa6: {  	[spmem:s2] =	stream.indirect.scatter.add.f32 [tilespmem:s14], [sflag:$0x2], $0x10, s23, s13, $0xb8;
	[tilespmem:$0x109F0] =	vst v63  }
0xa7: {  	_ =	swait.ge [sflag:s11], $0x1F40  }
0xa8: {  	[sflag:s11] =	ssyncset.done $0x0  }
0xa9: {  	[sflag:s11] =	ssyncadd.s32 $0xFFFFE0C0  }
0xaa: {  	[tilespmem:s14], [sflag:$0x1] =	stream.indirect.gather [hbm4b:s4+s13], $0x10, s24, s13, $0xb8;
	[tilespmem:$0x109F0] =	vst v63  }
0xab: {  	_ =	swait.ge [sflag:s15], $0x1F40  }
0xac: {  	[sflag:s15] =	ssyncset.done $0x0  }
0xad: {  	[sflag:s15] =	ssyncadd.s32 $0xFFFFE0C0  }
0xae: {  	[spmem:s2] =	stream.indirect.scatter.add.f32 [tilespmem:s14], [sflag:$0x2], $0x10, s25, s13, $0xb8;
	[tilespmem:$0x109F0] =	vst v63  }
0xaf: {  	_ =	swait.ge [sflag:s11], $0x1F40  }
0xb0: {  	[sflag:s11] =	ssyncset.done $0x0  }
0xb1: {  	[sflag:s11] =	ssyncadd.s32 $0xFFFFE0C0  }
0xb2: {  	[tilespmem:s14], [sflag:$0x1] =	stream.indirect.gather [hbm4b:s4+s13], $0x10, s26, s13, $0xb8;
	[tilespmem:$0x109F0] =	vst v63  }
0xb3: {  	_ =	swait.ge [sflag:s15], $0x1F40  }
0xb4: {  	[sflag:s15] =	ssyncset.done $0x0  }
0xb5: {  	[sflag:s15] =	ssyncadd.s32 $0xFFFFE0C0  }
0xb6: {  	[spmem:s2] =	stream.indirect.scatter.add.f32 [tilespmem:s14], [sflag:$0x2], $0x10, s28, s13, $0xb8;
	[tilespmem:$0x109F0] =	vst v63  }
0xb7: {  	_ =	swait.ge [sflag:s11], $0x1F40  }
0xb8: {  	[sflag:s11] =	ssyncset.done $0x0  }
0xb9: {  	[sflag:s11] =	ssyncadd.s32 $0xFFFFE0C0  }
0xba: {  	[tilespmem:s14], [sflag:$0x1] =	stream.indirect.gather [hbm4b:s4+s13], $0x10, s29, s13, $0xb8;
	[tilespmem:$0x109F0] =	vst v63  }
0xbb: {  	_ =	swait.ge [sflag:s15], $0x1F40  }
0xbc: {  	[sflag:s15] =	ssyncset.done $0x0  }
0xbd: {  	[sflag:s15] =	ssyncadd.s32 $0xFFFFE0C0  }
0xbe: {  	[spmem:s2] =	stream.indirect.scatter.add.f32 [tilespmem:s14], [sflag:$0x2], $0x10, s30, s13, $0xb8;
	[tilespmem:$0x109F0] =	vst v63  }
0xbf: {  	_ =	swait.ge [sflag:s11], $0x1F40  }
0xc0: {  	[sflag:s11] =	ssyncset.done $0x0  }
0xc1: {  	[sflag:s11] =	ssyncadd.s32 $0xFFFFE0C0  }
0xc2: {  	[tilespmem:s14], [sflag:$0x1] =	stream.indirect.gather [hbm4b:s4+s13], $0x10, s31, s13, $0xb8;
	[tilespmem:$0x109F0] =	vst v63  }
0xc3: {  	_ =	swait.ge [sflag:s15], $0x1F40  }
0xc4: {  	[sflag:s15] =	ssyncset.done $0x0  }
0xc5: {  	[sflag:s15] =	ssyncadd.s32 $0xFFFFE0C0  }
0xc6: {  	[spmem:s2] =	stream.indirect.scatter.add.f32 [tilespmem:s14], [sflag:$0x2], $0x10, s1, s13, $0xb8;
	[tilespmem:$0x109F0] =	vst v63  }
0xc7: {  	_ =	swait.ge [sflag:s11], $0x1F40  }
0xc8: {  	[sflag:s11] =	ssyncset.done $0x0  }
0xc9: {  	p0 =	sne.s32 s8, $0x9D8;
	[sflag:s11] =	ssyncadd.s32 $0xFFFFE0C0  }
0xca: {  	[tilespmem:s14], [sflag:$0x1] =	stream.indirect.gather [hbm4b:s4+s13], $0x10, s0, s13, $0xb8;
	[tilespmem:$0x109F0] =	vst v63  }
.Ltmp0:
0xcb: {  	_ =	swait.ge [sflag:s15], $0x1F40;
	(pc) =	sbr.rel @p0 .LBB2_2-.Ltmp0, $4  }
0xcc: {  	[sflag:s15] =	ssyncset.done $0x0  }
0xcd: {  	[sflag:s15] =	ssyncadd.s32 $0xFFFFE0C0  }
0xce: {  	[spmem:s2] =	stream.indirect.scatter.add.f32 [tilespmem:s14], [sflag:$0x2], $0x10, s5, s13, $0xb8;
	[tilespmem:$0x109F0] =	vst v63  }
0xcf: {  	s8 =	sadd.s32 $0x276, s8;
	_ =	swait.ge [sflag:s11], $0x1F40  }
0xd0: {  	[sflag:s11] =	ssyncset.done $0x0  }
0xd1: {  	[sflag:s11] =	ssyncadd.s32 $0xFFFFE0C0  }
0xd2: {  	[bflag:$0x0] =	sbarrier.arrive $0xFFFF  }
0xd3: {  	s8 =	rddreg [dreg:$0x5]  }
0xd4: {  	s6 =	rddreg [dreg:$0x6]  }
0xd5: {  	s10 =	rddreg [dreg:$0x8]  }
0xd6: {  	[hbm:s6], [sflag:s8] =	dma.local [spmem:s10], $0x1870  }
0xd7: {  	_ =	swait.ge [sflag:s11], $0x1870  }
0xd8: {  	s7 =	sadd.s32 $0x1, s7;
	s6 =	rddreg [dreg:$0x7]  }
0xd9: {  	p0 =	sne.s32 s7, s6  }
.Ltmp1:
0xda: {  	_ = 	snop;
	(pc) =	sbr.rel @p0 .LBB2_1-.Ltmp1, $3  }
0xdb: {  	_ =	sdelay $0x1  }
0xdc: {  	[sflag:s11] =	ssyncset.done $0x0  }
0xdd: {  	[sflag:s11] =	ssyncadd.s32 $0xFFFFE790  }
0xde: {  	_ =	sfence.sel $0x180000  }
0xdf: {  	[bflag:$0x0] =	sbarrier.arrive $0xFFFF  }
0xe0: {  	_ =	strace $0x9000004A  }
0xe1: {  	s0 =	stileid.u32;
	[bflag:$0x2] =	sbarrier.arrive $0xFFFF  }
0xe2: {  	p0 =	sne.s32 s0, $0x0;
	s0 =	rddreg [dreg:$0x2]  }
0xe3: {  	s0 =	sadd.s32 @!p0 $0x100000, s0  }
0xe4: {  	[sflag:s0] =	ssyncadd.tile.s32 @!p0 $0x1;
	_ =	shalt  }
.Lfunc_end2:
_tile_overlayer_lowered:
.L_overlay_start_2:
0xe5: {  	(tag) =	ssettag $0x2  }
0xe6: {  	s0 =	rddreg [dreg:$0x0];
	s2 =	stileid.u32  }
0xe7: {  	s1 =	rddreg [dreg:$0x1];
	p0 =	sne.s32 s2, $0x0  }
0xe8: {  	s3 =	rddreg [dreg:$0x2];
	[bflag:$0x3] =	sbarrier.arrive $0xFFFF;
	s2 =	simm.s32 @!p0 $0x1C02  }
0xe9: {  	[timem:s3], [sflag:s2] =	dma.local @!p0 [hbm:s0], s1  }
0xea: {  	s0 =	simm.s32 @!p0 $0x2  }
0xeb: {  	_ =	swait.ge @!p0 [sflag:s0], s1  }
0xec: {  	s1 =	ssub.s32 @!p0 $0x0, s1;
	[sflag:s0] =	ssyncset.done @!p0 $0x0  }
0xed: {  	[sflag:s0] =	ssyncadd.s32 @!p0 s1  }
0xee: {  	[bflag:$0x3] =	sbarrier.arrive $0xFFFF  }
0xef: {  	_ =	shalt  }

// kernel: kernel.7.cloned.1.call-start
scs
__scs_entry_jumppad:
0x0: {  	(pc) =	sbr.rel $0x88, $3  }
0x1: {  	(tag) =	ssettag $0x0;
	lr =	simm.s32 $0x1  }
0x2: {  	[smem:$0x3F99] =	sst lr;
	_ =	strace $0xD0000000  }
0x3: {  	_ = 	snop  }
0x4: {  	_ = 	snop  }
0x5: {  	_ = 	snop  }
0x6: {  	_ = 	snop  }
0x7: {  	_ = 	snop  }
__scs_overlays_trampoline_lowered:
0x8: {  	[smem:$0x3FA8] =	sst s0  }
0x9: {  	[smem:$0x3FA9] =	sst s1  }
0xa: {  	[smem:$0x3FAA] =	sst s2  }
0xb: {  	[smem:$0x3FAB] =	sst s3  }
0xc: {  	[smem:$0x3FAC] =	sst s4  }
0xd: {  	[smem:$0x3FAD] =	sst s5  }
0xe: {  	[smem:$0x3FAE] =	sst s6  }
0xf: {  	[smem:$0x3FAF] =	sst s7  }
0x10: {  	[smem:$0x3FB0] =	sst s8  }
0x11: {  	[smem:$0x3FB1] =	sst s9;
	s0 =	simm.s32 @!p0 $0x0  }
0x12: {  	s1 =	sld [smem:$0x3F97];
	s0 =	simm.s32 @p0 $0x1  }
0x13: {  	[smem:$0x3FB2] =	sst s0;
	s0 =	simm.s32 @!p1 $0x0  }
0x14: {  	s2 =	sld [smem:$0x3F96];
	s0 =	simm.s32 @p1 $0x1  }
0x15: {  	[smem:$0x3FB3] =	sst s0;
	s0 =	simm.s32 @!p2 $0x0  }
0x16: {  	s3 =	sld [smem:$0x3FDB];
	s0 =	simm.s32 @p2 $0x1  }
0x17: {  	s4 =	simm.s32 $0x1BF5;
	[smem:$0x3FB5] =	sst s0  }
0x18: {  	s0 =	sld [smem:$0x3F98];
	_ =	swait.ge [sflag:s4], $0x0  }
0x19: {  	s7 =	sld [smem:$0x3F99]  }
0x1a: {  	s8 =	sadd.s32 $0xFFFFE003, lr  }
0x1b: {  	s9 =	sadd.s32 $0xFFFFFEF7, lr;
	s5 =	simm.s32 $0xFFFFFFFF;
	p2 =	slt.u32 s8, $0xFFFFF086  }
0x1c: {  	p1 =	slt.u32 s9, $0xF7A;
	s5 =	simm.s32 @!p2 $0x0  }
0x1d: {  	s5 =	simm.s32 @p1 $0x1;
	p0 =	seq.s32 s7, s2  }
0x1e: {  	s7 =	smul.u32 @!p0 $0xF7A, s2;
	p2 =	seq.s32 @!p0 s5, $0x0  }
0x1f: {  	s9 =	smul.u32 $0xF7A, s1;
	s8 =	simm.s32 @!p0 $0x1BF5;
	p2 =	por !p2, p0  }
0x20: {  	[sflag:s8] =	ssyncset.s32 @!p0 $0xFFFFF086;
	s6 =	sadd.s32 @!p0 s3, s7;
	s7 =	simm.s32 @!p0 $0x108  }
0x21: {  	s3 =	sadd.s32 s3, s9;
	s6 =	sadd.s32 @!p0 $0x88, s6;
	s7 =	simm.s32 @p2 $0x1082  }
0x22: {  	[simem:s7], [sflag:s8] =	dma.local @!p0 [hbm:s6], $0xF7A  }
0x23: {  	s9 =	sor.u32 $0xD0000000, s2;
	s6 =	simm.s32 $0x108;
	_ =	swait.ge @!p0 [sflag:s8], $0x0  }
0x24: {  	s3 =	sadd.s32 $0x88, s3;
	s6 =	simm.s32 @!p1 $0x1082;
	[sflag:s4] =	ssyncset.s32 $0xFFFFF086  }
0x25: {  	[simem:s6], [sflag:s4] =	dma.local [hbm:s3], $0xF7A  }
0x26: {  	[smem:$0x3F99] =	sst s1;
	(tag) =	ssettag s2;
	_ =	strace s9  }
0x27: {  	s1 =	sld [smem:$0x3FA9]  }
0x28: {  	s2 =	sld [smem:$0x3FAA]  }
0x29: {  	s4 =	sld [smem:$0x3FAC]  }
0x2a: {  	p0 =	seq.s32 s5, $0x0;
	s5 =	sld [smem:$0x3FAD]  }
0x2b: {  	s6 =	sld [smem:$0x3FAE]  }
0x2c: {  	s7 =	sld [smem:$0x3FAF]  }
0x2d: {  	s3 =	simm.s32 $0x108;
	s8 =	sld [smem:$0x3FB0]  }
0x2e: {  	s3 =	simm.s32 @!p0 $0x1082;
	s9 =	sld [smem:$0x3FB1]  }
0x2f: {  	lr =	sadd.s32 s0, s3;
	s0 =	sld [smem:$0x3FA8]  }
0x30: {  	s3 =	sld [smem:$0x3FAB]  }
0x31: {  	[smem:$0x3FB4] =	sst s10  }
0x32: {  	s10 =	sld [smem:$0x3FB2];
	_ =	sdelay $0x3  }
0x33: {  	p0 =	seq.s32 s10, $0x1;
	s10 =	sld [smem:$0x3FB4];
	_ =	sdelay $0x3  }
0x34: {  	[smem:$0x3FB4] =	sst s10  }
0x35: {  	s10 =	sld [smem:$0x3FB3];
	_ =	sdelay $0x3  }
0x36: {  	p1 =	seq.s32 s10, $0x1;
	s10 =	sld [smem:$0x3FB4];
	_ =	sdelay $0x3  }
0x37: {  	[smem:$0x3FB4] =	sst s10  }
0x38: {  	s10 =	sld [smem:$0x3FB5]  }
0x39: {  	_ = 	snop;
	(pc) =	sbr.ind lr, $3  }
0x3a: {  	_ = 	snop  }
0x3b: {  	_ = 	snop  }
0x3c: {  	p2 =	seq.s32 s10, $0x1;
	s10 =	sld [smem:$0x3FB4]  }
0x3d: {  	_ =	shalt  }
0x3e: {  	_ =	shalt  }
0x3f: {  	_ =	shalt  }
0x40: {  	_ =	shalt  }
0x41: {  	_ =	shalt  }
0x42: {  	_ =	shalt  }
0x43: {  	_ =	shalt  }
0x44: {  	_ =	shalt  }
0x45: {  	_ =	shalt  }
0x46: {  	_ =	shalt  }
0x47: {  	_ =	shalt  }
0x48: {  	_ =	shalt  }
0x49: {  	_ =	shalt  }
0x4a: {  	_ =	shalt  }
0x4b: {  	_ =	shalt  }
0x4c: {  	_ =	shalt  }
0x4d: {  	_ =	shalt  }
0x4e: {  	_ =	shalt  }
0x4f: {  	_ =	shalt  }
0x50: {  	_ =	shalt  }
0x51: {  	_ =	shalt  }
0x52: {  	_ =	shalt  }
0x53: {  	_ =	shalt  }
0x54: {  	_ =	shalt  }
0x55: {  	_ =	shalt  }
0x56: {  	_ =	shalt  }
0x57: {  	_ =	shalt  }
0x58: {  	_ =	shalt  }
0x59: {  	_ =	shalt  }
0x5a: {  	_ =	shalt  }
0x5b: {  	_ =	shalt  }
0x5c: {  	_ =	shalt  }
0x5d: {  	_ =	shalt  }
0x5e: {  	_ =	shalt  }
0x5f: {  	_ =	shalt  }
0x60: {  	_ =	shalt  }
0x61: {  	_ =	shalt  }
0x62: {  	_ =	shalt  }
0x63: {  	_ =	shalt  }
0x64: {  	_ =	shalt  }
0x65: {  	_ =	shalt  }
0x66: {  	_ =	shalt  }
0x67: {  	_ =	shalt  }
0x68: {  	_ =	shalt  }
0x69: {  	_ =	shalt  }
0x6a: {  	_ =	shalt  }
0x6b: {  	_ =	shalt  }
0x6c: {  	_ =	shalt  }
0x6d: {  	_ =	shalt  }
0x6e: {  	_ =	shalt  }
0x6f: {  	_ =	shalt  }
0x70: {  	_ =	shalt  }
0x71: {  	_ =	shalt  }
0x72: {  	_ =	shalt  }
0x73: {  	_ =	shalt  }
0x74: {  	_ =	shalt  }
0x75: {  	_ =	shalt  }
0x76: {  	_ =	shalt  }
0x77: {  	_ =	shalt  }
0x78: {  	_ =	shalt  }
0x79: {  	_ =	shalt  }
0x7a: {  	_ =	shalt  }
0x7b: {  	_ =	shalt  }
0x7c: {  	_ =	shalt  }
0x7d: {  	_ =	shalt  }
0x7e: {  	_ =	shalt  }
0x7f: {  	_ =	shalt  }
0x80: {  	_ =	shalt  }
0x81: {  	_ =	shalt  }
0x82: {  	_ =	shalt  }
0x83: {  	_ =	shalt  }
0x84: {  	_ =	shalt  }
0x85: {  	_ =	shalt  }
0x86: {  	_ =	shalt  }
0x87: {  	_ =	shalt  }
.Lfunc_end0:
.L_simem_size_0:
called_computation_lowered:
.L_overlay_start_0:
0x88: {  	s2 =	sld [smem:$0x3FD9]  }
0x89: {  	s3 =	sld [smem:$0x3FFE];
	_ =	sdelay $0x1  }
0x8a: {  	s1 =	srdreg.scid  }
0x8b: {  	s0 =	sand.u32 $0x1, s1  }
0x8c: {  	s17 =	sshll.u32 s0, $0xA;
	s2 =	sadd.s32 s3, s2  }
0x8d: {  	s2 =	sadd.s32 s2, s17  }
0x8e: {  	[smem:$0x3FC0] =	sst s2  }
0x8f: {  	_ = 	snop  }
0x90: {  	s2 =	sld [smem:$0x3FD0];
	(tm) =	ssettm $0x1  }
0x91: {  	s18 =	sld [smem:$0x3FFB];
	_ =	sdelay $0x3  }
0x92: {  	_ =	strace s18  }
0x93: {  	s3 =	sld [smem:$0x3FFC];
	_ =	sdelay $0x3  }
0x94: {  	_ =	strace s3  }
0x95: {  	s3 =	sld [smem:$0x3FFD];
	_ =	sdelay $0x3  }
0x96: {  	_ =	strace s3  }
0x97: {  	_ =	strace $0x8FFFFFFF  }
0x98: {  	s19 =	sld [smem:$0x3FDB];
	_ =	sdelay $0x1  }
0x99: {  	s4 =	simm.s32 $_scs_section_size  }
0x9a: {  	s5 =	simm.s32 $_size__tile_overlayer_lowered;
	s6 =	simm.s32 $_tile_overlayer_lowered  }
0x9b: {  	s22 =	simm.s32 $0x1BFF;
	s21 =	sshll.u32 s6, $0x1;
	s3 =	sadd.s32 s4, s19  }
0x9c: {  	s7 =	simm.s32 $0x0;
	s20 =	sshll.u32 s5, $0x1;
	s5 =	sadd.s32 s21, s3  }
0x9d: {  	[timem:s7], [sflag:s22] =	dma.local [hbm:s5], s20  }
0x9e: {  	_ =	swait.ge [sflag:s22], s20  }
0x9f: {  	s4 =	ssub.s32 $0x0, s20;
	[sflag:s22] =	ssyncset.done $0x0  }
0xa0: {  	[sflag:s22] =	ssyncadd.s32 s4;
	_ =	sdelay $0x1  }
0xa1: {  	s23 =	simm.s32 $0x1B8B  }
0xa2: {  	_ =	swait.ge [sflag:s23], $0x1  }
0xa3: {  	[sflag:s23] =	ssyncset.done $0x0  }
0xa4: {  	s25 =	simm.s32 $0x1B8E;
	s24 =	sld [smem:$0x3FFE];
	[sflag:s23] =	ssyncadd.s32 $0xFFFFFFFF  }
0xa5: {  	s26 =	simm.s32 $execute0_lowered;
	[smem:$0x3FD2] =	sst s25  }
0xa6: {  	s5 =	sshll.u32 s26, $0x1;
	_ =	strace $0x80000046;
	[dreg:$0x1] =	wrdreg $0xFFFFFFFF  }
0xa7: {  	s28 =	simm.s32 $_size_execute0_lowered;
	s3 =	sadd.s32 s3, s5;
	[dreg:$0x0] =	wrdreg $0x0  }
0xa8: {  	s5 =	sshll.u32 s28, $0x1;
	[dreg:$0x2] =	wrdreg s3  }
0xa9: {  	[dreg:$0x3] =	wrdreg s5  }
0xaa: {  	[dreg:$0x4] =	wrdreg $0xC0  }
0xab: {  	_ =	task [dreg:s7], $0x5FFFF  }
0xac: {  	[dreg:$0x1] =	wrdreg $0xFFFFFFFF  }
0xad: {  	[dreg:$0x0] =	wrdreg $0x60  }
0xae: {  	[dreg:$0x2] =	wrdreg s24  }
0xaf: {  	[dreg:$0x3] =	wrdreg s2  }
0xb0: {  	[dreg:$0x4] =	wrdreg $0x67D80  }
0xb1: {  	[dreg:$0x5] =	wrdreg $0x1EE780  }
0xb2: {  	[dreg:$0x6] =	wrdreg $0x9  }
0xb3: {  	_ =	task.clear_ibuf [dreg:s7], $0x7FFFF;
	_ =	strace $0x90000046  }
0xb4: {  	s29 =	simm.s32 $0x9;
	_ =	strace $0x80000048  }
0xb5: {  	_ =	swait.ge [sflag:s29], $0x1  }
0xb6: {  	[sflag:s29] =	ssyncadd.s32 $0xFFFFFFFF  }
0xb7: {  	_ =	strace $0x90000048  }
0xb8: {  	_ =	sfence  }
0xb9: {  	s30 =	sld [smem:$0x0];
	_ =	sdelay $0x2  }
0xba: {  	s31 =	sshll.u32 s1, $0xD;
	s1 =	sshrl.u32 s1, $0x2  }
0xbb: {  	s3 =	sand.u32 $0x4000, s31;
	s1 =	sadd.s32 s1, s30  }
0xbc: {  	s0 =	sor.u32 s3, s0;
	s1 =	sshll.u32 s1, $0x11  }
0xbd: {  	s0 =	sor.u32 s1, s0  }
0xbe: {  	s0 =	sadd.s32 $0x8F2B, s0  }
0xbf: {  	[sflag:s0] =	ssyncadd.remote.s32 $0x1  }
0xc0: {  	_ =	sfence.sel $0xFFFF  }
0xc1: {  	[dreg:$0x0] =	wrdreg $0xFFFFFFFF;
	(pc) =	sbr.abs _section_cstart, $3  }
0xc2: {  	[dreg:$0x1] =	wrdreg $0xFFFFFFFF  }
0xc3: {  	_ =	task.clear_ibuf [dreg:s7], $0x2FFFF;
	_ =	strace $0x9FFFFFFF  }
0xc4: {  	(tm) =	ssettm $0x7FFFFFFF  }
0xc5: {  	_ =	shalt  }
tec
execute0_lowered:
.L_overlay_start_1:
0x0: {  	(tag) =	ssettag $0x1  }
0x1: {  	s0 =	rddreg [dreg:$0x0]  }
0x2: {  	s2 =	rddreg [dreg:$0x2]  }
0x3: {  	s3 =	rddreg [dreg:$0x3]  }
0x4: {  	s1 =	stileid.u32;
	s6 =	srdreg.scid;
	s4 =	simm.s32 $0x0  }
0x5: {  	s26 =	simm.s32 $0x1F8;
	s28 =	simm.s32 $0x9D8;
	s29 =	simm.s32 $0x1D88  }
0x6: {  	s30 =	simm.s32 $0xBD0;
	s31 =	simm.s32 $0x1F80;
	s5 =	smul.u32 $0xC38, s1  }
0x7: {  	s6 =	sand.u32 $0x1, s6;
	[smem:$0x7FF] =	sst s4;
	s14 =	smul.u32 $0x6270, s1  }
0x8: {  	s10 =	sadd.s32 $0x33400, s0;
	s12 =	sadd.s32 $0x95600, s0;
	s20 =	smul.u32 $0xC4E, s1  }
0x9: {  	s18 =	sshll.u32 s1, $0x6;
	p0 =	sne.s32 s1, $0x0;
	s8 =	smul.u32 $0x186A00, s6  }
0xa: {  	s1 =	simm.s32 $0xDC8;
	_ =	strace $0x80000047;
	s11 =	smul.u32 $0x186A, s6  }
0xb: {  	[dreg:$0x8] =	wrdreg s12;
	s16 =	ssub.s32 $0x2, s6;
	s13 =	smul.u32 $0x62700, s6  }
0xc: {  	s6 =	smul.u32 $0xC4E0, s6;
	s19 =	sor.u32 $0x1C02, s18;
	s18 =	simm.s32 $0x2760  }
0xd: {  	[dreg:$0x7] =	wrdreg s26;
	s26 =	simm.s32 $0x1B90;
	s7 =	smin.u32 s5, $0xB718  }
0xe: {  	s5 =	sadd.s32 $0x2600, s0;
	s17 =	sshrl.u32 s16, $0x1;
	s9 =	sshll.u32 s7, $0x5  }
0xf: {  	s7 =	sshll.u32 s7, $0x2;
	s13 =	sadd.s32 s14, s13;
	s6 =	sadd.s32 s6, s10  }
0x10: {  	s8 =	sadd.s32 s8, s9;
	s7 =	sadd.s32 s7, s0;
	s9 =	sadd.s32 s9, s2  }
0x11: {  	s21 =	sadd.s32 $0xC4E00, s13;
	s22 =	sadd.s32 s20, s6;
	s13 =	simm.s32 $0x2  }
0x12: {  	s20 =	simm.s32 $0x15A8;
	s6 =	simm.s32 $0xFC0;
	s8 =	sshrl.u32 s8, $0x3  }
0x13: {  	s7 =	sadd.s32 $0x64800, s7;
	s23 =	sshrl.u32 s21, $0x3;
	[dreg:$0x5] =	wrdreg s22  }
0x14: {  	s14 =	sshrl.u32 s9, $0x3;
	s21 =	simm.s32 $0x3F0;
	s22 =	simm.s32 $0x17A0  }
0x15: {  	s9 =	simm.s32 $0x11B8;
	s15 =	sadd.s32 s8, s0;
	s0 =	sadd.s32 s11, s0  }
0x16: {  	s11 =	ssub.s32 s16, s17;
	[dreg:$0x9] =	wrdreg s7;
	s25 =	sadd.s32 s23, s10  }
0x17: {  	s16 =	simm.s32 $0x13B0;
	s17 =	simm.s32 $0x1F4;
	[dreg:$0xe] =	wrdreg s14  }
0x18: {  	s23 =	simm.s32 $0x5E8;
	s8 =	simm.s32 $0x0;
	[dreg:$0x6] =	wrdreg s25  }
0x19: {  	s7 =	simm.s32 $0x2370;
	s12 =	sadd.s32 $0x98A00, s15;
	[dreg:$0x10] =	wrdreg s8  }
0x1a: {  	s10 =	simm.s32 $0x2568;
	s0 =	sadd.s32 $0x95800, s0;
	[dreg:$0xb] =	wrdreg s12  }
0x1b: {  	s24 =	smax.u32 s11, $0x1;
	s11 =	sshrl.u32 @!p0 s3, $0x3;
	[dreg:$0xc] =	wrdreg s0  }
0x1c: {  	s15 =	simm.s32 $0x65E0;
	s25 =	simm.s32 $0x7E0;
	[dreg:$0xd] =	wrdreg s24  }
0x1d: {  	s12 =	smov.u32 s19;
	s19 =	simm.s32 $0x1;
	[dreg:$0xf] =	wrdreg s11  }
0x1e: {  	s24 =	simm.s32 $0x1998;
	s0 =	simm.s32 $0x2178;
	[dreg:$0xa] =	wrdreg s12  }
.LBB2_1:
0x1f: {  	s8 =	rddreg [dreg:$0x9]  }
0x20: {  	[spmem:s14], [sflag:s12] =	dma.local [hbm:s8], $0x30E0  }
0x21: {  	_ =	swait.ge [sflag:s13], $0x30E0  }
0x22: {  	[sflag:s13] =	ssyncset.done $0x0  }
0x23: {  	[sflag:s13] =	ssyncadd.s32 $0xFFFFCF20  }
0x24: {  	s8 =	rddreg [dreg:$0x1]  }
0x25: {  	[spmem:s11], [sflag:s12] =	dma.local @!p0 [hbm:s8], $0x186A  }
0x26: {  	s12 =	simm.s32 @!p0 $0x2  }
0x27: {  	_ =	swait.ge @!p0 [sflag:s12], $0x186A  }
0x28: {  	[sflag:s12] =	ssyncset.done @!p0 $0x0  }
0x29: {  	s14 =	rddreg [dreg:$0x8];
	[sflag:s12] =	ssyncadd.s32 @!p0 $0xFFFFE796  }
0x2a: {  	[tilespmem:s15], [sflag:$0x2] =	stream.linear.gather [hbm4b:s14+s4], $0x1F8, $0x38;
	[tilespmem:$0x1FAB0] =	vst v63  }
0x2b: {  	_ =	swait.ge [sflag:s13], $0x1F8  }
0x2c: {  	[sflag:s13] =	ssyncset.done $0x0  }
0x2d: {  	[sflag:s13] =	ssyncadd.s32 $0xFFFFFE08  }
0x2e: {  	[bflag:$0x0] =	sbarrier.arrive $0xFFFF  }
0x2f: {  	s8 =	rddreg [dreg:$0x5]  }
0x30: {  	s12 =	sadd.s32 $0x0, s8  }
0x31: {  	[tilespmem:s4], [sflag:$0x2] =	stream.linear.gather [hbm4b:s12+s4], $0x13B0, $0x38;
	[tilespmem:$0x1FAB0] =	vst v63  }
0x32: {  	_ =	swait.ge [sflag:s13], $0x13B0  }
0x33: {  	s11 =	rddreg [dreg:$0x6];
	[sflag:s13] =	ssyncset.done $0x0  }
0x34: {  	[sflag:s13] =	ssyncadd.s32 $0xFFFFEC50;
	s12 =	sadd.s32 $0x0, s11  }
0x35: {  	[tilespmem:s16], [sflag:$0x2] =	stream.linear.gather [hbm4b:s12+s4], $0x13B0, $0x38;
	[tilespmem:$0x1FAB0] =	vst v63  }
0x36: {  	_ =	swait.ge [sflag:s13], $0x13B0  }
0x37: {  	[sflag:s13] =	ssyncset.done $0x0  }
0x38: {  	[sflag:s13] =	ssyncadd.s32 $0xFFFFEC50  }
0x39: {  	[tilespmem:s18], [sflag:$0x1] =	stream.indirect.gather [hbm4b:s5+s17], $0x20, s4, s17, $0xb8;
	[tilespmem:$0x1FAB0] =	vst v63  }
0x3a: {  	_ =	swait.ge [sflag:s19], $0x3E80  }
0x3b: {  	[sflag:s19] =	ssyncset.done $0x0  }
0x3c: {  	[sflag:s19] =	ssyncadd.s32 $0xFFFFC180  }
0x3d: {  	[spmem:s2] =	stream.indirect.scatter.add.f32 [tilespmem:s18], [sflag:$0x2], $0x20, s16, s17, $0xb8;
	[tilespmem:$0x1FAB0] =	vst v63  }
0x3e: {  	_ =	swait.ge [sflag:s13], $0x3E80  }
0x3f: {  	[sflag:s13] =	ssyncset.done $0x0  }
0x40: {  	[sflag:s13] =	ssyncadd.s32 $0xFFFFC180  }
0x41: {  	[spmem:s3] =	stream.indirect.scatter.add.f32 [tilespmem:s15], [sflag:$0x2], $0x1, s16, s17, $0xb8;
	[tilespmem:$0x1FAB0] =	vst v63  }
0x42: {  	_ =	swait.ge [sflag:s13], $0x1F4  }
0x43: {  	[sflag:s13] =	ssyncset.done $0x0  }
0x44: {  	s14 =	rddreg [dreg:$0x7];
	[sflag:s13] =	ssyncadd.s32 $0xFFFFFE0C  }
0x45: {  	[tilespmem:s18], [sflag:$0x1] =	stream.indirect.gather [hbm4b:s5+s17], $0x20, s14, s17, $0xb8;
	[tilespmem:$0x1FAB0] =	vst v63  }
0x46: {  	_ =	swait.ge [sflag:s19], $0x3E80  }
0x47: {  	[sflag:s19] =	ssyncset.done $0x0  }
0x48: {  	[sflag:s19] =	ssyncadd.s32 $0xFFFFC180  }
0x49: {  	[spmem:s2] =	stream.indirect.scatter.add.f32 [tilespmem:s18], [sflag:$0x2], $0x20, s20, s17, $0xb8;
	[tilespmem:$0x1FAB0] =	vst v63  }
0x4a: {  	_ =	swait.ge [sflag:s13], $0x3E80  }
0x4b: {  	[sflag:s13] =	ssyncset.done $0x0  }
0x4c: {  	[sflag:s13] =	ssyncadd.s32 $0xFFFFC180  }
0x4d: {  	[spmem:s3] =	stream.indirect.scatter.add.f32 [tilespmem:s15], [sflag:$0x2], $0x1, s20, s17, $0xb8;
	[tilespmem:$0x1FAB0] =	vst v63  }
0x4e: {  	_ =	swait.ge [sflag:s13], $0x1F4  }
0x4f: {  	[sflag:s13] =	ssyncset.done $0x0  }
0x50: {  	[sflag:s13] =	ssyncadd.s32 $0xFFFFFE0C  }
0x51: {  	[tilespmem:s18], [sflag:$0x1] =	stream.indirect.gather [hbm4b:s5+s17], $0x20, s21, s17, $0xb8;
	[tilespmem:$0x1FAB0] =	vst v63  }
0x52: {  	_ =	swait.ge [sflag:s19], $0x3E80  }
0x53: {  	[sflag:s19] =	ssyncset.done $0x0  }
0x54: {  	[sflag:s19] =	ssyncadd.s32 $0xFFFFC180  }
0x55: {  	[spmem:s2] =	stream.indirect.scatter.add.f32 [tilespmem:s18], [sflag:$0x2], $0x20, s22, s17, $0xb8;
	[tilespmem:$0x1FAB0] =	vst v63  }
0x56: {  	_ =	swait.ge [sflag:s13], $0x3E80  }
0x57: {  	[sflag:s13] =	ssyncset.done $0x0  }
0x58: {  	[sflag:s13] =	ssyncadd.s32 $0xFFFFC180  }
0x59: {  	[spmem:s3] =	stream.indirect.scatter.add.f32 [tilespmem:s15], [sflag:$0x2], $0x1, s22, s17, $0xb8;
	[tilespmem:$0x1FAB0] =	vst v63  }
0x5a: {  	_ =	swait.ge [sflag:s13], $0x1F4  }
0x5b: {  	[sflag:s13] =	ssyncset.done $0x0  }
0x5c: {  	[sflag:s13] =	ssyncadd.s32 $0xFFFFFE0C  }
0x5d: {  	[tilespmem:s18], [sflag:$0x1] =	stream.indirect.gather [hbm4b:s5+s17], $0x20, s23, s17, $0xb8;
	[tilespmem:$0x1FAB0] =	vst v63  }
0x5e: {  	_ =	swait.ge [sflag:s19], $0x3E80  }
0x5f: {  	[sflag:s19] =	ssyncset.done $0x0  }
0x60: {  	[sflag:s19] =	ssyncadd.s32 $0xFFFFC180  }
0x61: {  	[spmem:s2] =	stream.indirect.scatter.add.f32 [tilespmem:s18], [sflag:$0x2], $0x20, s24, s17, $0xb8;
	[tilespmem:$0x1FAB0] =	vst v63  }
0x62: {  	_ =	swait.ge [sflag:s13], $0x3E80  }
0x63: {  	[sflag:s13] =	ssyncset.done $0x0  }
0x64: {  	[sflag:s13] =	ssyncadd.s32 $0xFFFFC180  }
0x65: {  	[spmem:s3] =	stream.indirect.scatter.add.f32 [tilespmem:s15], [sflag:$0x2], $0x1, s24, s17, $0xb8;
	[tilespmem:$0x1FAB0] =	vst v63  }
0x66: {  	_ =	swait.ge [sflag:s13], $0x1F4  }
0x67: {  	[sflag:s13] =	ssyncset.done $0x0  }
0x68: {  	[sflag:s13] =	ssyncadd.s32 $0xFFFFFE0C  }
0x69: {  	[tilespmem:s18], [sflag:$0x1] =	stream.indirect.gather [hbm4b:s5+s17], $0x20, s25, s17, $0xb8;
	[tilespmem:$0x1FAB0] =	vst v63  }
0x6a: {  	_ =	swait.ge [sflag:s19], $0x3E80  }
0x6b: {  	[sflag:s19] =	ssyncset.done $0x0  }
0x6c: {  	[sflag:s19] =	ssyncadd.s32 $0xFFFFC180  }
0x6d: {  	[spmem:s2] =	stream.indirect.scatter.add.f32 [tilespmem:s18], [sflag:$0x2], $0x20, s26, s17, $0xb8;
	[tilespmem:$0x1FAB0] =	vst v63  }
0x6e: {  	_ =	swait.ge [sflag:s13], $0x3E80  }
0x6f: {  	[sflag:s13] =	ssyncset.done $0x0  }
0x70: {  	[sflag:s13] =	ssyncadd.s32 $0xFFFFC180  }
0x71: {  	[spmem:s3] =	stream.indirect.scatter.add.f32 [tilespmem:s15], [sflag:$0x2], $0x1, s26, s17, $0xb8;
	[tilespmem:$0x1FAB0] =	vst v63  }
0x72: {  	_ =	swait.ge [sflag:s13], $0x1F4  }
0x73: {  	[sflag:s13] =	ssyncset.done $0x0  }
0x74: {  	[sflag:s13] =	ssyncadd.s32 $0xFFFFFE0C  }
0x75: {  	[tilespmem:s18], [sflag:$0x1] =	stream.indirect.gather [hbm4b:s5+s17], $0x20, s28, s17, $0xb8;
	[tilespmem:$0x1FAB0] =	vst v63  }
0x76: {  	_ =	swait.ge [sflag:s19], $0x3E80  }
0x77: {  	[sflag:s19] =	ssyncset.done $0x0  }
0x78: {  	[sflag:s19] =	ssyncadd.s32 $0xFFFFC180  }
0x79: {  	[spmem:s2] =	stream.indirect.scatter.add.f32 [tilespmem:s18], [sflag:$0x2], $0x20, s29, s17, $0xb8;
	[tilespmem:$0x1FAB0] =	vst v63  }
0x7a: {  	_ =	swait.ge [sflag:s13], $0x3E80  }
0x7b: {  	[sflag:s13] =	ssyncset.done $0x0  }
0x7c: {  	[sflag:s13] =	ssyncadd.s32 $0xFFFFC180  }
0x7d: {  	[spmem:s3] =	stream.indirect.scatter.add.f32 [tilespmem:s15], [sflag:$0x2], $0x1, s29, s17, $0xb8;
	[tilespmem:$0x1FAB0] =	vst v63  }
0x7e: {  	_ =	swait.ge [sflag:s13], $0x1F4  }
0x7f: {  	[sflag:s13] =	ssyncset.done $0x0  }
0x80: {  	[sflag:s13] =	ssyncadd.s32 $0xFFFFFE0C  }
0x81: {  	[tilespmem:s18], [sflag:$0x1] =	stream.indirect.gather [hbm4b:s5+s17], $0x20, s30, s17, $0xb8;
	[tilespmem:$0x1FAB0] =	vst v63  }
0x82: {  	_ =	swait.ge [sflag:s19], $0x3E80  }
0x83: {  	[sflag:s19] =	ssyncset.done $0x0  }
0x84: {  	[sflag:s19] =	ssyncadd.s32 $0xFFFFC180  }
0x85: {  	[spmem:s2] =	stream.indirect.scatter.add.f32 [tilespmem:s18], [sflag:$0x2], $0x20, s31, s17, $0xb8;
	[tilespmem:$0x1FAB0] =	vst v63  }
0x86: {  	_ =	swait.ge [sflag:s13], $0x3E80  }
0x87: {  	[sflag:s13] =	ssyncset.done $0x0  }
0x88: {  	[sflag:s13] =	ssyncadd.s32 $0xFFFFC180  }
0x89: {  	[spmem:s3] =	stream.indirect.scatter.add.f32 [tilespmem:s15], [sflag:$0x2], $0x1, s31, s17, $0xb8;
	[tilespmem:$0x1FAB0] =	vst v63  }
0x8a: {  	_ =	swait.ge [sflag:s13], $0x1F4  }
0x8b: {  	[sflag:s13] =	ssyncset.done $0x0  }
0x8c: {  	[sflag:s13] =	ssyncadd.s32 $0xFFFFFE0C  }
0x8d: {  	[tilespmem:s18], [sflag:$0x1] =	stream.indirect.gather [hbm4b:s5+s17], $0x20, s1, s17, $0xb8;
	[tilespmem:$0x1FAB0] =	vst v63  }
0x8e: {  	_ =	swait.ge [sflag:s19], $0x3E80  }
0x8f: {  	[sflag:s19] =	ssyncset.done $0x0  }
0x90: {  	[sflag:s19] =	ssyncadd.s32 $0xFFFFC180  }
0x91: {  	[spmem:s2] =	stream.indirect.scatter.add.f32 [tilespmem:s18], [sflag:$0x2], $0x20, s0, s17, $0xb8;
	[tilespmem:$0x1FAB0] =	vst v63  }
0x92: {  	_ =	swait.ge [sflag:s13], $0x3E80  }
0x93: {  	[sflag:s13] =	ssyncset.done $0x0  }
0x94: {  	[sflag:s13] =	ssyncadd.s32 $0xFFFFC180  }
0x95: {  	[spmem:s3] =	stream.indirect.scatter.add.f32 [tilespmem:s15], [sflag:$0x2], $0x1, s0, s17, $0xb8;
	[tilespmem:$0x1FAB0] =	vst v63  }
0x96: {  	_ =	swait.ge [sflag:s13], $0x1F4  }
0x97: {  	[sflag:s13] =	ssyncset.done $0x0  }
0x98: {  	[sflag:s13] =	ssyncadd.s32 $0xFFFFFE0C  }
0x99: {  	[tilespmem:s18], [sflag:$0x1] =	stream.indirect.gather [hbm4b:s5+s17], $0x20, s6, s17, $0xb8;
	[tilespmem:$0x1FAB0] =	vst v63  }
0x9a: {  	_ =	swait.ge [sflag:s19], $0x3E80  }
0x9b: {  	[sflag:s19] =	ssyncset.done $0x0  }
0x9c: {  	[sflag:s19] =	ssyncadd.s32 $0xFFFFC180  }
0x9d: {  	[spmem:s2] =	stream.indirect.scatter.add.f32 [tilespmem:s18], [sflag:$0x2], $0x20, s7, s17, $0xb8;
	[tilespmem:$0x1FAB0] =	vst v63  }
0x9e: {  	_ =	swait.ge [sflag:s13], $0x3E80  }
0x9f: {  	[sflag:s13] =	ssyncset.done $0x0  }
0xa0: {  	[sflag:s13] =	ssyncadd.s32 $0xFFFFC180  }
0xa1: {  	[spmem:s3] =	stream.indirect.scatter.add.f32 [tilespmem:s15], [sflag:$0x2], $0x1, s7, s17, $0xb8;
	[tilespmem:$0x1FAB0] =	vst v63  }
0xa2: {  	_ =	swait.ge [sflag:s13], $0x1F4  }
0xa3: {  	[sflag:s13] =	ssyncset.done $0x0  }
0xa4: {  	[sflag:s13] =	ssyncadd.s32 $0xFFFFFE0C  }
0xa5: {  	[tilespmem:s18], [sflag:$0x1] =	stream.indirect.gather [hbm4b:s5+s17], $0x20, s9, s17, $0xb8;
	[tilespmem:$0x1FAB0] =	vst v63  }
0xa6: {  	_ =	swait.ge [sflag:s19], $0x3E80  }
0xa7: {  	[sflag:s19] =	ssyncset.done $0x0  }
0xa8: {  	[sflag:s19] =	ssyncadd.s32 $0xFFFFC180  }
0xa9: {  	[spmem:s2] =	stream.indirect.scatter.add.f32 [tilespmem:s18], [sflag:$0x2], $0x20, s10, s17, $0xb8;
	[tilespmem:$0x1FAB0] =	vst v63  }
0xaa: {  	_ =	swait.ge [sflag:s13], $0x3E80  }
0xab: {  	[sflag:s13] =	ssyncset.done $0x0  }
0xac: {  	[sflag:s13] =	ssyncadd.s32 $0xFFFFC180  }
0xad: {  	[spmem:s3] =	stream.indirect.scatter.add.f32 [tilespmem:s15], [sflag:$0x2], $0x1, s10, s17, $0xb8;
	[tilespmem:$0x1FAB0] =	vst v63  }
0xae: {  	s12 =	simm.s32 $0x276;
	_ =	swait.ge [sflag:s13], $0x1F4  }
.LBB2_2:
0xaf: {  	s14 =	rddreg [dreg:$0x5];
	s8 =	smov.u32 s12;
	[sflag:s13] =	ssyncset.done $0x0  }
0xb0: {  	s14 =	sadd.s32 s8, s14;
	[sflag:s13] =	ssyncadd.s32 $0xFFFFFE0C  }
0xb1: {  	[tilespmem:s4], [sflag:$0x2] =	stream.linear.gather [hbm4b:s14+s4], $0x13B0, $0x38;
	[tilespmem:$0x1FAB0] =	vst v63  }
0xb2: {  	_ =	swait.ge [sflag:s13], $0x13B0  }
0xb3: {  	s11 =	rddreg [dreg:$0x6];
	[sflag:s13] =	ssyncset.done $0x0  }
0xb4: {  	[sflag:s13] =	ssyncadd.s32 $0xFFFFEC50;
	s8 =	sadd.s32 s8, s11  }
0xb5: {  	[tilespmem:s16], [sflag:$0x2] =	stream.linear.gather [hbm4b:s8+s4], $0x13B0, $0x38;
	[tilespmem:$0x1FAB0] =	vst v63  }
0xb6: {  	_ =	swait.ge [sflag:s13], $0x13B0  }
0xb7: {  	[sflag:s13] =	ssyncset.done $0x0  }
0xb8: {  	[sflag:s13] =	ssyncadd.s32 $0xFFFFEC50  }
0xb9: {  	[tilespmem:s18], [sflag:$0x1] =	stream.indirect.gather [hbm4b:s5+s17], $0x20, s4, s17, $0xb8;
	[tilespmem:$0x1FAB0] =	vst v63  }
0xba: {  	_ =	swait.ge [sflag:s19], $0x3E80  }
0xbb: {  	[sflag:s19] =	ssyncset.done $0x0  }
0xbc: {  	[sflag:s19] =	ssyncadd.s32 $0xFFFFC180  }
0xbd: {  	[spmem:s2] =	stream.indirect.scatter.add.f32 [tilespmem:s18], [sflag:$0x2], $0x20, s16, s17, $0xb8;
	[tilespmem:$0x1FAB0] =	vst v63  }
0xbe: {  	_ =	swait.ge [sflag:s13], $0x3E80  }
0xbf: {  	[sflag:s13] =	ssyncset.done $0x0  }
0xc0: {  	[sflag:s13] =	ssyncadd.s32 $0xFFFFC180  }
0xc1: {  	[spmem:s3] =	stream.indirect.scatter.add.f32 [tilespmem:s15], [sflag:$0x2], $0x1, s16, s17, $0xb8;
	[tilespmem:$0x1FAB0] =	vst v63  }
0xc2: {  	_ =	swait.ge [sflag:s13], $0x1F4  }
0xc3: {  	[sflag:s13] =	ssyncset.done $0x0  }
0xc4: {  	s14 =	rddreg [dreg:$0x7];
	[sflag:s13] =	ssyncadd.s32 $0xFFFFFE0C  }
0xc5: {  	[tilespmem:s18], [sflag:$0x1] =	stream.indirect.gather [hbm4b:s5+s17], $0x20, s14, s17, $0xb8;
	[tilespmem:$0x1FAB0] =	vst v63  }
0xc6: {  	_ =	swait.ge [sflag:s19], $0x3E80  }
0xc7: {  	[sflag:s19] =	ssyncset.done $0x0  }
0xc8: {  	[sflag:s19] =	ssyncadd.s32 $0xFFFFC180  }
0xc9: {  	[spmem:s2] =	stream.indirect.scatter.add.f32 [tilespmem:s18], [sflag:$0x2], $0x20, s20, s17, $0xb8;
	[tilespmem:$0x1FAB0] =	vst v63  }
0xca: {  	_ =	swait.ge [sflag:s13], $0x3E80  }
0xcb: {  	[sflag:s13] =	ssyncset.done $0x0  }
0xcc: {  	[sflag:s13] =	ssyncadd.s32 $0xFFFFC180  }
0xcd: {  	[spmem:s3] =	stream.indirect.scatter.add.f32 [tilespmem:s15], [sflag:$0x2], $0x1, s20, s17, $0xb8;
	[tilespmem:$0x1FAB0] =	vst v63  }
0xce: {  	_ =	swait.ge [sflag:s13], $0x1F4  }
0xcf: {  	[sflag:s13] =	ssyncset.done $0x0  }
0xd0: {  	[sflag:s13] =	ssyncadd.s32 $0xFFFFFE0C  }
0xd1: {  	[tilespmem:s18], [sflag:$0x1] =	stream.indirect.gather [hbm4b:s5+s17], $0x20, s21, s17, $0xb8;
	[tilespmem:$0x1FAB0] =	vst v63  }
0xd2: {  	_ =	swait.ge [sflag:s19], $0x3E80  }
0xd3: {  	[sflag:s19] =	ssyncset.done $0x0  }
0xd4: {  	[sflag:s19] =	ssyncadd.s32 $0xFFFFC180  }
0xd5: {  	[spmem:s2] =	stream.indirect.scatter.add.f32 [tilespmem:s18], [sflag:$0x2], $0x20, s22, s17, $0xb8;
	[tilespmem:$0x1FAB0] =	vst v63  }
0xd6: {  	_ =	swait.ge [sflag:s13], $0x3E80  }
0xd7: {  	[sflag:s13] =	ssyncset.done $0x0  }
0xd8: {  	[sflag:s13] =	ssyncadd.s32 $0xFFFFC180  }
0xd9: {  	[spmem:s3] =	stream.indirect.scatter.add.f32 [tilespmem:s15], [sflag:$0x2], $0x1, s22, s17, $0xb8;
	[tilespmem:$0x1FAB0] =	vst v63  }
0xda: {  	_ =	swait.ge [sflag:s13], $0x1F4  }
0xdb: {  	[sflag:s13] =	ssyncset.done $0x0  }
0xdc: {  	[sflag:s13] =	ssyncadd.s32 $0xFFFFFE0C  }
0xdd: {  	[tilespmem:s18], [sflag:$0x1] =	stream.indirect.gather [hbm4b:s5+s17], $0x20, s23, s17, $0xb8;
	[tilespmem:$0x1FAB0] =	vst v63  }
0xde: {  	_ =	swait.ge [sflag:s19], $0x3E80  }
0xdf: {  	[sflag:s19] =	ssyncset.done $0x0  }
0xe0: {  	[sflag:s19] =	ssyncadd.s32 $0xFFFFC180  }
0xe1: {  	[spmem:s2] =	stream.indirect.scatter.add.f32 [tilespmem:s18], [sflag:$0x2], $0x20, s24, s17, $0xb8;
	[tilespmem:$0x1FAB0] =	vst v63  }
0xe2: {  	_ =	swait.ge [sflag:s13], $0x3E80  }
0xe3: {  	[sflag:s13] =	ssyncset.done $0x0  }
0xe4: {  	[sflag:s13] =	ssyncadd.s32 $0xFFFFC180  }
0xe5: {  	[spmem:s3] =	stream.indirect.scatter.add.f32 [tilespmem:s15], [sflag:$0x2], $0x1, s24, s17, $0xb8;
	[tilespmem:$0x1FAB0] =	vst v63  }
0xe6: {  	_ =	swait.ge [sflag:s13], $0x1F4  }
0xe7: {  	[sflag:s13] =	ssyncset.done $0x0  }
0xe8: {  	[sflag:s13] =	ssyncadd.s32 $0xFFFFFE0C  }
0xe9: {  	[tilespmem:s18], [sflag:$0x1] =	stream.indirect.gather [hbm4b:s5+s17], $0x20, s25, s17, $0xb8;
	[tilespmem:$0x1FAB0] =	vst v63  }
0xea: {  	_ =	swait.ge [sflag:s19], $0x3E80  }
0xeb: {  	[sflag:s19] =	ssyncset.done $0x0  }
0xec: {  	[sflag:s19] =	ssyncadd.s32 $0xFFFFC180  }
0xed: {  	[spmem:s2] =	stream.indirect.scatter.add.f32 [tilespmem:s18], [sflag:$0x2], $0x20, s26, s17, $0xb8;
	[tilespmem:$0x1FAB0] =	vst v63  }
0xee: {  	_ =	swait.ge [sflag:s13], $0x3E80  }
0xef: {  	[sflag:s13] =	ssyncset.done $0x0  }
0xf0: {  	[sflag:s13] =	ssyncadd.s32 $0xFFFFC180  }
0xf1: {  	[spmem:s3] =	stream.indirect.scatter.add.f32 [tilespmem:s15], [sflag:$0x2], $0x1, s26, s17, $0xb8;
	[tilespmem:$0x1FAB0] =	vst v63  }
0xf2: {  	_ =	swait.ge [sflag:s13], $0x1F4  }
0xf3: {  	[sflag:s13] =	ssyncset.done $0x0  }
0xf4: {  	[sflag:s13] =	ssyncadd.s32 $0xFFFFFE0C  }
0xf5: {  	[tilespmem:s18], [sflag:$0x1] =	stream.indirect.gather [hbm4b:s5+s17], $0x20, s28, s17, $0xb8;
	[tilespmem:$0x1FAB0] =	vst v63  }
0xf6: {  	_ =	swait.ge [sflag:s19], $0x3E80  }
0xf7: {  	[sflag:s19] =	ssyncset.done $0x0  }
0xf8: {  	[sflag:s19] =	ssyncadd.s32 $0xFFFFC180  }
0xf9: {  	[spmem:s2] =	stream.indirect.scatter.add.f32 [tilespmem:s18], [sflag:$0x2], $0x20, s29, s17, $0xb8;
	[tilespmem:$0x1FAB0] =	vst v63  }
0xfa: {  	_ =	swait.ge [sflag:s13], $0x3E80  }
0xfb: {  	[sflag:s13] =	ssyncset.done $0x0  }
0xfc: {  	[sflag:s13] =	ssyncadd.s32 $0xFFFFC180  }
0xfd: {  	[spmem:s3] =	stream.indirect.scatter.add.f32 [tilespmem:s15], [sflag:$0x2], $0x1, s29, s17, $0xb8;
	[tilespmem:$0x1FAB0] =	vst v63  }
0xfe: {  	_ =	swait.ge [sflag:s13], $0x1F4  }
0xff: {  	[sflag:s13] =	ssyncset.done $0x0  }
0x100: {  	[sflag:s13] =	ssyncadd.s32 $0xFFFFFE0C  }
0x101: {  	[tilespmem:s18], [sflag:$0x1] =	stream.indirect.gather [hbm4b:s5+s17], $0x20, s30, s17, $0xb8;
	[tilespmem:$0x1FAB0] =	vst v63  }
0x102: {  	_ =	swait.ge [sflag:s19], $0x3E80  }
0x103: {  	[sflag:s19] =	ssyncset.done $0x0  }
0x104: {  	[sflag:s19] =	ssyncadd.s32 $0xFFFFC180  }
0x105: {  	[spmem:s2] =	stream.indirect.scatter.add.f32 [tilespmem:s18], [sflag:$0x2], $0x20, s31, s17, $0xb8;
	[tilespmem:$0x1FAB0] =	vst v63  }
0x106: {  	_ =	swait.ge [sflag:s13], $0x3E80  }
0x107: {  	[sflag:s13] =	ssyncset.done $0x0  }
0x108: {  	[sflag:s13] =	ssyncadd.s32 $0xFFFFC180  }
0x109: {  	[spmem:s3] =	stream.indirect.scatter.add.f32 [tilespmem:s15], [sflag:$0x2], $0x1, s31, s17, $0xb8;
	[tilespmem:$0x1FAB0] =	vst v63  }
0x10a: {  	_ =	swait.ge [sflag:s13], $0x1F4  }
0x10b: {  	[sflag:s13] =	ssyncset.done $0x0  }
0x10c: {  	[sflag:s13] =	ssyncadd.s32 $0xFFFFFE0C  }
0x10d: {  	[tilespmem:s18], [sflag:$0x1] =	stream.indirect.gather [hbm4b:s5+s17], $0x20, s1, s17, $0xb8;
	[tilespmem:$0x1FAB0] =	vst v63  }
0x10e: {  	_ =	swait.ge [sflag:s19], $0x3E80  }
0x10f: {  	[sflag:s19] =	ssyncset.done $0x0  }
0x110: {  	[sflag:s19] =	ssyncadd.s32 $0xFFFFC180  }
0x111: {  	[spmem:s2] =	stream.indirect.scatter.add.f32 [tilespmem:s18], [sflag:$0x2], $0x20, s0, s17, $0xb8;
	[tilespmem:$0x1FAB0] =	vst v63  }
0x112: {  	_ =	swait.ge [sflag:s13], $0x3E80  }
0x113: {  	[sflag:s13] =	ssyncset.done $0x0  }
0x114: {  	[sflag:s13] =	ssyncadd.s32 $0xFFFFC180  }
0x115: {  	[spmem:s3] =	stream.indirect.scatter.add.f32 [tilespmem:s15], [sflag:$0x2], $0x1, s0, s17, $0xb8;
	[tilespmem:$0x1FAB0] =	vst v63  }
0x116: {  	_ =	swait.ge [sflag:s13], $0x1F4  }
0x117: {  	[sflag:s13] =	ssyncset.done $0x0  }
0x118: {  	[sflag:s13] =	ssyncadd.s32 $0xFFFFFE0C  }
0x119: {  	[tilespmem:s18], [sflag:$0x1] =	stream.indirect.gather [hbm4b:s5+s17], $0x20, s6, s17, $0xb8;
	[tilespmem:$0x1FAB0] =	vst v63  }
0x11a: {  	_ =	swait.ge [sflag:s19], $0x3E80  }
0x11b: {  	[sflag:s19] =	ssyncset.done $0x0  }
0x11c: {  	[sflag:s19] =	ssyncadd.s32 $0xFFFFC180  }
0x11d: {  	[spmem:s2] =	stream.indirect.scatter.add.f32 [tilespmem:s18], [sflag:$0x2], $0x20, s7, s17, $0xb8;
	[tilespmem:$0x1FAB0] =	vst v63  }
0x11e: {  	_ =	swait.ge [sflag:s13], $0x3E80  }
0x11f: {  	[sflag:s13] =	ssyncset.done $0x0  }
0x120: {  	[sflag:s13] =	ssyncadd.s32 $0xFFFFC180  }
0x121: {  	[spmem:s3] =	stream.indirect.scatter.add.f32 [tilespmem:s15], [sflag:$0x2], $0x1, s7, s17, $0xb8;
	[tilespmem:$0x1FAB0] =	vst v63  }
0x122: {  	_ =	swait.ge [sflag:s13], $0x1F4  }
0x123: {  	[sflag:s13] =	ssyncset.done $0x0  }
0x124: {  	[sflag:s13] =	ssyncadd.s32 $0xFFFFFE0C  }
0x125: {  	[tilespmem:s18], [sflag:$0x1] =	stream.indirect.gather [hbm4b:s5+s17], $0x20, s9, s17, $0xb8;
	[tilespmem:$0x1FAB0] =	vst v63  }
0x126: {  	_ =	swait.ge [sflag:s19], $0x3E80  }
0x127: {  	[sflag:s19] =	ssyncset.done $0x0  }
0x128: {  	p1 =	sne.s32 s12, $0x9D8;
	[sflag:s19] =	ssyncadd.s32 $0xFFFFC180  }
0x129: {  	[spmem:s2] =	stream.indirect.scatter.add.f32 [tilespmem:s18], [sflag:$0x2], $0x20, s10, s17, $0xb8;
	[tilespmem:$0x1FAB0] =	vst v63  }
.Ltmp0:
0x12a: {  	_ =	swait.ge [sflag:s13], $0x3E80;
	(pc) =	sbr.rel @p1 .LBB2_2-.Ltmp0, $4  }
0x12b: {  	[sflag:s13] =	ssyncset.done $0x0  }
0x12c: {  	[sflag:s13] =	ssyncadd.s32 $0xFFFFC180  }
0x12d: {  	[spmem:s3] =	stream.indirect.scatter.add.f32 [tilespmem:s15], [sflag:$0x2], $0x1, s10, s17, $0xb8;
	[tilespmem:$0x1FAB0] =	vst v63  }
0x12e: {  	s12 =	sadd.s32 $0x276, s12;
	_ =	swait.ge [sflag:s13], $0x1F4  }
0x12f: {  	[sflag:s13] =	ssyncset.done $0x0  }
0x130: {  	[sflag:s13] =	ssyncadd.s32 $0xFFFFFE0C  }
0x131: {  	[bflag:$0x0] =	sbarrier.arrive $0xFFFF  }
0x132: {  	s12 =	rddreg [dreg:$0xa]  }
0x133: {  	s8 =	rddreg [dreg:$0xb]  }
0x134: {  	s11 =	rddreg [dreg:$0xe]  }
0x135: {  	[hbm:s8], [sflag:s12] =	dma.local [spmem:s11], $0x30E0  }
0x136: {  	_ =	swait.ge [sflag:s13], $0x30E0  }
0x137: {  	[sflag:s13] =	ssyncset.done $0x0;
	s8 =	rddreg [dreg:$0xc]  }
0x138: {  	s14 =	simm.s32 @!p0 $0x2;
	s11 =	rddreg [dreg:$0xf];
	[sflag:s13] =	ssyncadd.s32 $0xFFFFCF20  }
0x139: {  	[hbm:s8], [sflag:s12] =	dma.local @!p0 [spmem:s11], $0x186A  }
0x13a: {  	_ =	swait.ge @!p0 [sflag:s14], $0x186A  }
0x13b: {  	s8 =	rddreg [dreg:$0x10]  }
0x13c: {  	[sflag:s14] =	ssyncset.done @!p0 $0x0;
	s14 =	rddreg [dreg:$0xd];
	s8 =	sadd.s32 $0x1, s8  }
0x13d: {  	p1 =	sne.s32 s8, s14  }
.Ltmp1:
0x13e: {  	_ = 	snop;
	(pc) =	sbr.rel @p1 .LBB2_1-.Ltmp1, $3  }
0x13f: {  	_ =	sdelay $0x1  }
0x140: {  	[dreg:$0x10] =	wrdreg s8;
	s8 =	simm.s32 @!p0 $0x2  }
0x141: {  	s14 =	rddreg [dreg:$0xe];
	[sflag:s8] =	ssyncadd.s32 @!p0 $0xFFFFE796  }
0x142: {  	_ =	sfence.sel $0x180000  }
0x143: {  	[bflag:$0x0] =	sbarrier.arrive $0xFFFF  }
0x144: {  	_ =	strace $0x90000047  }
0x145: {  	[bflag:$0x2] =	sbarrier.arrive $0xFFFF  }
0x146: {  	s0 =	rddreg [dreg:$0x4]  }
0x147: {  	s0 =	sadd.s32 @!p0 $0x100000, s0  }
0x148: {  	[sflag:s0] =	ssyncadd.tile.s32 @!p0 $0x1;
	_ =	shalt  }
.Lfunc_end2:
_tile_overlayer_lowered:
.L_overlay_start_2:
0x149: {  	(tag) =	ssettag $0x2  }
0x14a: {  	s0 =	rddreg [dreg:$0x0];
	s2 =	stileid.u32  }
0x14b: {  	s1 =	rddreg [dreg:$0x1];
	p0 =	sne.s32 s2, $0x0  }
0x14c: {  	s3 =	rddreg [dreg:$0x2];
	[bflag:$0x3] =	sbarrier.arrive $0xFFFF;
	s2 =	simm.s32 @!p0 $0x1C02  }
0x14d: {  	[timem:s3], [sflag:s2] =	dma.local @!p0 [hbm:s0], s1  }
0x14e: {  	s0 =	simm.s32 @!p0 $0x2  }
0x14f: {  	_ =	swait.ge @!p0 [sflag:s0], s1  }
0x150: {  	s1 =	ssub.s32 @!p0 $0x0, s1;
	[sflag:s0] =	ssyncset.done @!p0 $0x0  }
0x151: {  	[sflag:s0] =	ssyncadd.s32 @!p0 s1  }
0x152: {  	[bflag:$0x3] =	sbarrier.arrive $0xFFFF  }
0x153: {  	_ =	shalt  }

</sc_bundles>
